<compile_context>
chip_gen: v7x
topology: tpu7x:2x2x1
jax: 0.10.2.dev20260603
libtpu: 0.0.44.dev20260713+nightly
codegen_flags: <defaults>
</compile_context>

<pallas_src>
import functools

import jax
import jax.numpy as jnp
from jax import lax
from jax.experimental import pallas as pl
from jax.experimental.pallas import tpu as pltpu
from jax.experimental.pallas import tpu_sc as plsc

_CHUNK = 128
_FRAC_A = 0.5
_WIN = 16
_NW = 32
_BLK = 1000


def _fill(ref, value, width):

    def _row(i, carry):
        for c in range(width // 16):
            ref[i, pl.ds(c * 16, 16)] = jnp.full((16,), value, jnp.float32)
        return carry

    lax.fori_loop(0, _CHUNK, _row, 0)


def _row_blocks(rpt):
    off = 0
    while off < rpt:
        sz = min(_CHUNK, rpt - off)
        yield off, sz
        off += sz


_MESH = plsc.VectorSubcoreMesh(
    core_axis_name="c", subcore_axis_name="s", num_cores=2, num_subcores=16)


def _make_sc_agg(n_acc, width, nch_a, nch_b):
    rpt = n_acc // 16
    nch = max(nch_a, nch_b)

    @functools.partial(
        pl.kernel,
        out_type=jax.ShapeDtypeStruct((2, n_acc, width), jnp.float32),
        mesh=_MESH,
        scratch_types=[
            pltpu.VMEM((nch, _CHUNK), jnp.int32),
            pltpu.VMEM((nch, _CHUNK), jnp.int32),
            pltpu.VMEM((_CHUNK, width), jnp.float32),
            pltpu.VMEM_SHARED((n_acc, width), jnp.float32),
            pltpu.SemaphoreType.DMA,
        ],
    )
    def sc_agg(table, src_a, dst_a, src_b, dst_b, out,
               src_v, dst_v, rows_a, acc, sem_a):
        cid = lax.axis_index("c")
        sid = lax.axis_index("s")
        base = sid * rpt

        _fill(rows_a, 0.0, width)
        for off, sz in _row_blocks(rpt):
            pltpu.sync_copy(rows_a.at[pl.ds(0, sz)],
                            acc.at[pl.ds(base + off, sz)])
        plsc.subcore_barrier()

        @pl.when(cid == 0)
        def _():
            pltpu.sync_copy(src_a.at[sid], src_v.at[pl.ds(0, nch_a)])
            pltpu.sync_copy(dst_a.at[sid], dst_v.at[pl.ds(0, nch_a)])

        @pl.when(cid == 1)
        def _():
            pltpu.sync_copy(src_b.at[sid], src_v.at[pl.ds(0, nch_b)])
            pltpu.sync_copy(dst_b.at[sid], dst_v.at[pl.ds(0, nch_b)])

        def _chunk(j, c_):
            pltpu.async_copy(table.at[src_v.at[j]], rows_a, sem_a).wait()
            pltpu.sync_copy(rows_a, acc.at[dst_v.at[j]], add=True)
            return c_

        lax.fori_loop(0, jnp.where(cid == 0, nch_a, nch_b), _chunk, 0)
        plsc.subcore_barrier()

        for off, sz in _row_blocks(rpt):
            pltpu.sync_copy(acc.at[pl.ds(base + off, sz)],
                            rows_a.at[pl.ds(0, sz)])
            pltpu.sync_copy(rows_a.at[pl.ds(0, sz)],
                            out.at[cid, pl.ds(base + off, sz)])

    return sc_agg


def _make_sc_deg(n_acc, nch, dw=128):
    rpt = n_acc // 16

    @functools.partial(
        pl.kernel,
        out_type=jax.ShapeDtypeStruct((2, n_acc, dw), jnp.float32),
        mesh=_MESH,
        scratch_types=[
            pltpu.VMEM((nch, _CHUNK), jnp.int32),
            pltpu.VMEM((_CHUNK, dw), jnp.float32),
            pltpu.VMEM_SHARED((n_acc, dw), jnp.float32),
        ],
    )
    def sc_deg(dst_idx, out, dst_v, ones_v, dacc):
        cid = lax.axis_index("c")
        sid = lax.axis_index("s")
        wid = sid * 2 + cid
        base = sid * rpt

        _fill(ones_v, 0.0, dw)
        for off, sz in _row_blocks(rpt):
            pltpu.sync_copy(ones_v.at[pl.ds(0, sz)],
                            dacc.at[pl.ds(base + off, sz)])
        _fill(ones_v, 1.0, dw)
        plsc.subcore_barrier()

        pltpu.sync_copy(dst_idx.at[wid], dst_v)

        def _edge_chunk(j, carry):
            pltpu.sync_copy(ones_v, dacc.at[dst_v.at[j]], add=True)
            return carry

        lax.fori_loop(0, nch, _edge_chunk, 0)
        plsc.subcore_barrier()

        for off, sz in _row_blocks(rpt):
            pltpu.sync_copy(dacc.at[pl.ds(base + off, sz)],
                            ones_v.at[pl.ds(0, sz)])
            pltpu.sync_copy(ones_v.at[pl.ds(0, sz)],
                            out.at[cid, pl.ds(base + off, sz)])

    return sc_deg


def _table1_body(x_ref, w_ref, o_ref):
    o_ref[...] = jnp.dot(
        x_ref[...], w_ref[...], preferred_element_type=jnp.float32)


def _mid_body(x_ref, acc_ref, deg_ref, ws_ref, b_ref, wn2_ref,
              h1_ref, m2_ref, rd_ref):
    agg = acc_ref[0] + acc_ref[1]
    deg = (deg_ref[0] + deg_ref[1])[:, 0:1]
    rdeg = 1.0 / jnp.maximum(deg, 1.0)
    h = jnp.dot(x_ref[...], ws_ref[...], preferred_element_type=jnp.float32)
    h = jnp.maximum(h + agg * rdeg + b_ref[...], 0.0)
    h1_ref[...] = h
    m2_ref[...] = jnp.dot(h, wn2_ref[...], preferred_element_type=jnp.float32)
    rd_ref[...] = jnp.broadcast_to(rdeg, rd_ref.shape)


def _out_body(h1_ref, acc_ref, rd_ref, ws_ref, b_ref, o_ref):
    s = acc_ref[0] + acc_ref[1]
    o = jnp.dot(h1_ref[...], ws_ref[...], preferred_element_type=jnp.float32)
    o_ref[...] = o + s * rd_ref[...] + b_ref[...]


def kernel(x, edge_index, W_self1, W_neigh1, b1, W_self2, W_neigh2, b2):
    N, D = x.shape
    H = W_self1.shape[1]
    E = edge_index.shape[1]
    nch = -(-E // (_NW * _CHUNK))
    e_pad = nch * _NW * _CHUNK
    n_acc = -(-(N + 1) // 2048) * 2048
    grid = N // _BLK

    src = edge_index[0]
    dst = edge_index[1]
    pad = e_pad - E
    pad_src = jnp.arange(pad, dtype=jnp.int32) % N
    src_p = jnp.concatenate([src, pad_src])
    pad_dst = N + (jnp.arange(pad, dtype=jnp.int32) % (n_acc - N))
    dst_p = jnp.concatenate([dst, pad_dst])
    dst_r = dst_p.reshape(_NW, nch, _CHUNK)

    tot_ch = _NW * nch
    nch_a = int(round(tot_ch * _FRAC_A / 16))
    nch_b = tot_ch // 16 - nch_a
    cut = 16 * nch_a * _CHUNK
    src_a = src_p[:cut].reshape(16, nch_a, _CHUNK)
    dst_a = dst_p[:cut].reshape(16, nch_a, _CHUNK)
    src_b = src_p[cut:].reshape(16, nch_b, _CHUNK)
    dst_b = dst_p[cut:].reshape(16, nch_b, _CHUNK)

    m1 = pl.pallas_call(
        _table1_body,
        grid=(grid,),
        in_specs=[
            pl.BlockSpec((_BLK, D), lambda i: (i, 0)),
            pl.BlockSpec((D, H), lambda i: (0, 0)),
        ],
        out_specs=pl.BlockSpec((_BLK, H), lambda i: (i, 0)),
        out_shape=jax.ShapeDtypeStruct((N, H), jnp.float32),
    )(x, W_neigh1)

    deg1 = _make_sc_deg(n_acc, nch)(dst_r)
    acc1 = _make_sc_agg(n_acc, H, nch_a, nch_b)(m1, src_a, dst_a, src_b, dst_b)

    h1, m2, rdeg = pl.pallas_call(
        _mid_body,
        grid=(grid,),
        in_specs=[
            pl.BlockSpec((_BLK, D), lambda i: (i, 0)),
            pl.BlockSpec((2, _BLK, H), lambda i: (0, i, 0)),
            pl.BlockSpec((2, _BLK, 128), lambda i: (0, i, 0)),
            pl.BlockSpec((D, H), lambda i: (0, 0)),
            pl.BlockSpec((1, H), lambda i: (0, 0)),
            pl.BlockSpec((H, H), lambda i: (0, 0)),
        ],
        out_specs=[
            pl.BlockSpec((_BLK, H), lambda i: (i, 0)),
            pl.BlockSpec((_BLK, H), lambda i: (i, 0)),
            pl.BlockSpec((_BLK, H), lambda i: (i, 0)),
        ],
        out_shape=[
            jax.ShapeDtypeStruct((N, H), jnp.float32),
            jax.ShapeDtypeStruct((N, H), jnp.float32),
            jax.ShapeDtypeStruct((N, H), jnp.float32),
        ],
    )(x, acc1, deg1, W_self1, b1.reshape(1, H), W_neigh2)

    acc2 = _make_sc_agg(n_acc, H, nch_a, nch_b)(m2, src_a, dst_a, src_b, dst_b)

    out = pl.pallas_call(
        _out_body,
        grid=(grid,),
        in_specs=[
            pl.BlockSpec((_BLK, H), lambda i: (i, 0)),
            pl.BlockSpec((2, _BLK, H), lambda i: (0, i, 0)),
            pl.BlockSpec((_BLK, H), lambda i: (i, 0)),
            pl.BlockSpec((H, H), lambda i: (0, 0)),
            pl.BlockSpec((1, H), lambda i: (0, 0)),
        ],
        out_specs=pl.BlockSpec((_BLK, H), lambda i: (i, 0)),
        out_shape=jax.ShapeDtypeStruct((N, H), jnp.float32),
    )(h1, acc2, rdeg, W_self2, b2.reshape(1, H))
    return out

# --- scband reference (transcript-rebuilt; emitter-appended) ---
"""Pipeline reference for scband-graph-sage-88983132439162 (READ-ONLY COPY).

The authoritative reference and input builder live on the scoring server;
editing this copy changes nothing except your own understanding.
"""

import jax, jax.numpy as jnp
import numpy as np

N = 10000
E = 320000
D = 128
H = 128


def setup_inputs(seed: int = 0) -> dict:
    key = jax.random.key(seed)
    ks = jax.random.split(key, 9)
    x = jax.random.normal(ks[0], (N, D), dtype=jnp.float32)
    edge_index = jax.random.randint(ks[1], (2, E), 0, N, dtype=jnp.int32)
    s = 1.0 / np.sqrt(D)
    W_self1 = jax.random.normal(ks[2], (D, H), dtype=jnp.float32) * s
    W_neigh1 = jax.random.normal(ks[3], (D, H), dtype=jnp.float32) * s
    b1 = jnp.zeros((H,), dtype=jnp.float32)
    s2 = 1.0 / np.sqrt(H)
    W_self2 = jax.random.normal(ks[4], (H, H), dtype=jnp.float32) * s2
    W_neigh2 = jax.random.normal(ks[5], (H, H), dtype=jnp.float32) * s2
    b2 = jnp.zeros((H,), dtype=jnp.float32)
    return {
        "x": x,
        "edge_index": edge_index,
        "W_self1": W_self1,
        "W_neigh1": W_neigh1,
        "b1": b1,
        "W_self2": W_self2,
        "W_neigh2": W_neigh2,
        "b2": b2,
    }


def _sage_layer(h, src, dst, W_self, W_neigh, b, activation):
    # DGL SAGEConv with aggregator_type='mean':
    #   h_neigh = mean_{u in N(v)} h_u ; out = fc_self(h_v) + fc_neigh(h_neigh) + b
    msgs = h[src]  # gather: [E, d]
    agg = jax.ops.segment_sum(msgs, dst, num_segments=N)  # scatter-add
    deg = jax.ops.segment_sum(jnp.ones((src.shape[0],), dtype=h.dtype), dst, num_segments=N)
    neigh = agg / jnp.maximum(deg, 1.0)[:, None]
    out = h @ W_self + neigh @ W_neigh + b
    if activation is not None:
        out = activation(out)
    return out


def reference(x, edge_index, W_self1, W_neigh1, b1, W_self2, W_neigh2, b2):
    src = edge_index[0]
    dst = edge_index[1]
    # layer 1: relu activation; layer 2: no activation (matches GraphSAGE above)
    h = _sage_layer(x, src, dst, W_self1, W_neigh1, b1, jax.nn.relu)
    h = _sage_layer(h, src, dst, W_self2, W_neigh2, b2, None)
    return h

if __name__ == "__main__":
    import jax
    _d = setup_inputs()
    print(jax.jit(kernel)(*tuple(_d.values())))

</pallas_src>

<mosaic_0001>
#map = affine_map<(d0, d1) -> (0, 0)>
#map1 = affine_map<(d0, d1) -> (0, 0, 0)>
module attributes {stable_mosaic.version = 14 : i64} {
  func.func @sc_agg(%arg0: i32, %arg1: i32, %arg2: memref<10000x128xf32, #tpu.memory_space<hbm>>, %arg3: memref<16x79x128xi32, #tpu.memory_space<hbm>>, %arg4: memref<16x79x128xi32, #tpu.memory_space<hbm>>, %arg5: memref<16x79x128xi32, #tpu.memory_space<hbm>>, %arg6: memref<16x79x128xi32, #tpu.memory_space<hbm>>, %arg7: memref<2x10240x128xf32, #tpu.memory_space<hbm>>, %arg8: memref<79x128xi32, #tpu.memory_space<vmem>>, %arg9: memref<79x128xi32, #tpu.memory_space<vmem>>, %arg10: memref<128x128xf32, #tpu.memory_space<vmem>>, %arg11: memref<10240x128xf32, #tpu.memory_space<vmem_shared>>, %arg12: memref<!tpu.dma_semaphore, #tpu.memory_space<semaphore_mem>>) attributes {dimension_semantics = [#tpu.dimension_semantics<core_parallel>, #tpu.dimension_semantics<subcore_parallel>], iteration_bounds = array<i64: 2, 16>, scalar_prefetch = 0 : i64, scratch_operands = 5 : i64, tpu.core_type = #tpu.core_type<sc_vector_subcore>, window_params = [{transform_indices = #map}, {transform_indices = #map1}, {transform_indices = #map1}, {transform_indices = #map1}, {transform_indices = #map1}, {transform_indices = #map1}]} {
    %mul3A = arith.constant 640 : i32
    %mul3A_0 = arith.muli %arg1, %mul3A : i32
    %scan3A = arith.constant 0 : i32
    %scan3A_1 = arith.constant 0 : i32
    %scan3A_2 = arith.constant 128 : i32
    %scan3A_3 = arith.addi %scan3A_1, %scan3A_2 : i32
    %scan3A_4 = arith.constant 1 : i32
    scf.for %scan3A_55 = %scan3A_1 to %scan3A_3 step %scan3A_4  : i32 {
      %broadcast_in_dim3A = arith.constant 0.000000e+00 : f32
      %broadcast_in_dim3A_56 = vector.broadcast %broadcast_in_dim3A : f32 to vector<16xf32>
      %swap3A = arith.index_cast %scan3A_55 : i32 to index
      %swap3A_57 = arith.constant 0 : index
      %swap3A_58 = tpu.vector_load %arg10[%swap3A, %swap3A_57] {strides = array<i32>} : memref<128x128xf32, #tpu.memory_space<vmem>>, vector<1x16xf32>,
      %swap3A_59 = vector.shape_cast %swap3A_58 : vector<1x16xf32> to vector<16xf32>
      %swap3A_60 = vector.shape_cast %broadcast_in_dim3A_56 : vector<16xf32> to vector<1x16xf32>
      tpu.vector_store %arg10[%swap3A, %swap3A_57], %swap3A_60 {strides = array<i32>} : memref<128x128xf32, #tpu.memory_space<vmem>>, vector<1x16xf32>,
      %broadcast_in_dim3A_61 = arith.constant 0.000000e+00 : f32
      %broadcast_in_dim3A_62 = vector.broadcast %broadcast_in_dim3A_61 : f32 to vector<16xf32>
      %swap3A_63 = arith.index_cast %scan3A_55 : i32 to index
      %swap3A_64 = arith.constant 16 : index
      %swap3A_65 = tpu.vector_load %arg10[%swap3A_63, %swap3A_64] {strides = array<i32>} : memref<128x128xf32, #tpu.memory_space<vmem>>, vector<1x16xf32>,
      %swap3A_66 = vector.shape_cast %swap3A_65 : vector<1x16xf32> to vector<16xf32>
      %swap3A_67 = vector.shape_cast %broadcast_in_dim3A_62 : vector<16xf32> to vector<1x16xf32>
      tpu.vector_store %arg10[%swap3A_63, %swap3A_64], %swap3A_67 {strides = array<i32>} : memref<128x128xf32, #tpu.memory_space<vmem>>, vector<1x16xf32>,
      %broadcast_in_dim3A_68 = arith.constant 0.000000e+00 : f32
      %broadcast_in_dim3A_69 = vector.broadcast %broadcast_in_dim3A_68 : f32 to vector<16xf32>
      %swap3A_70 = arith.index_cast %scan3A_55 : i32 to index
      %swap3A_71 = arith.constant 32 : index
      %swap3A_72 = tpu.vector_load %arg10[%swap3A_70, %swap3A_71] {strides = array<i32>} : memref<128x128xf32, #tpu.memory_space<vmem>>, vector<1x16xf32>,
      %swap3A_73 = vector.shape_cast %swap3A_72 : vector<1x16xf32> to vector<16xf32>
      %swap3A_74 = vector.shape_cast %broadcast_in_dim3A_69 : vector<16xf32> to vector<1x16xf32>
      tpu.vector_store %arg10[%swap3A_70, %swap3A_71], %swap3A_74 {strides = array<i32>} : memref<128x128xf32, #tpu.memory_space<vmem>>, vector<1x16xf32>,
      %broadcast_in_dim3A_75 = arith.constant 0.000000e+00 : f32
      %broadcast_in_dim3A_76 = vector.broadcast %broadcast_in_dim3A_75 : f32 to vector<16xf32>
      %swap3A_77 = arith.index_cast %scan3A_55 : i32 to index
      %swap3A_78 = arith.constant 48 : index
      %swap3A_79 = tpu.vector_load %arg10[%swap3A_77, %swap3A_78] {strides = array<i32>} : memref<128x128xf32, #tpu.memory_space<vmem>>, vector<1x16xf32>,
      %swap3A_80 = vector.shape_cast %swap3A_79 : vector<1x16xf32> to vector<16xf32>
      %swap3A_81 = vector.shape_cast %broadcast_in_dim3A_76 : vector<16xf32> to vector<1x16xf32>
      tpu.vector_store %arg10[%swap3A_77, %swap3A_78], %swap3A_81 {strides = array<i32>} : memref<128x128xf32, #tpu.memory_space<vmem>>, vector<1x16xf32>,
      %broadcast_in_dim3A_82 = arith.constant 0.000000e+00 : f32
      %broadcast_in_dim3A_83 = vector.broadcast %broadcast_in_dim3A_82 : f32 to vector<16xf32>
      %swap3A_84 = arith.index_cast %scan3A_55 : i32 to index
      %swap3A_85 = arith.constant 64 : index
      %swap3A_86 = tpu.vector_load %arg10[%swap3A_84, %swap3A_85] {strides = array<i32>} : memref<128x128xf32, #tpu.memory_space<vmem>>, vector<1x16xf32>,
      %swap3A_87 = vector.shape_cast %swap3A_86 : vector<1x16xf32> to vector<16xf32>
      %swap3A_88 = vector.shape_cast %broadcast_in_dim3A_83 : vector<16xf32> to vector<1x16xf32>
      tpu.vector_store %arg10[%swap3A_84, %swap3A_85], %swap3A_88 {strides = array<i32>} : memref<128x128xf32, #tpu.memory_space<vmem>>, vector<1x16xf32>,
      %broadcast_in_dim3A_89 = arith.constant 0.000000e+00 : f32
      %broadcast_in_dim3A_90 = vector.broadcast %broadcast_in_dim3A_89 : f32 to vector<16xf32>
      %swap3A_91 = arith.index_cast %scan3A_55 : i32 to index
      %swap3A_92 = arith.constant 80 : index
      %swap3A_93 = tpu.vector_load %arg10[%swap3A_91, %swap3A_92] {strides = array<i32>} : memref<128x128xf32, #tpu.memory_space<vmem>>, vector<1x16xf32>,
      %swap3A_94 = vector.shape_cast %swap3A_93 : vector<1x16xf32> to vector<16xf32>
      %swap3A_95 = vector.shape_cast %broadcast_in_dim3A_90 : vector<16xf32> to vector<1x16xf32>
      tpu.vector_store %arg10[%swap3A_91, %swap3A_92], %swap3A_95 {strides = array<i32>} : memref<128x128xf32, #tpu.memory_space<vmem>>, vector<1x16xf32>,
      %broadcast_in_dim3A_96 = arith.constant 0.000000e+00 : f32
      %broadcast_in_dim3A_97 = vector.broadcast %broadcast_in_dim3A_96 : f32 to vector<16xf32>
      %swap3A_98 = arith.index_cast %scan3A_55 : i32 to index
      %swap3A_99 = arith.constant 96 : index
      %swap3A_100 = tpu.vector_load %arg10[%swap3A_98, %swap3A_99] {strides = array<i32>} : memref<128x128xf32, #tpu.memory_space<vmem>>, vector<1x16xf32>,
      %swap3A_101 = vector.shape_cast %swap3A_100 : vector<1x16xf32> to vector<16xf32>
      %swap3A_102 = vector.shape_cast %broadcast_in_dim3A_97 : vector<16xf32> to vector<1x16xf32>
      tpu.vector_store %arg10[%swap3A_98, %swap3A_99], %swap3A_102 {strides = array<i32>} : memref<128x128xf32, #tpu.memory_space<vmem>>, vector<1x16xf32>,
      %broadcast_in_dim3A_103 = arith.constant 0.000000e+00 : f32
      %broadcast_in_dim3A_104 = vector.broadcast %broadcast_in_dim3A_103 : f32 to vector<16xf32>
      %swap3A_105 = arith.index_cast %scan3A_55 : i32 to index
      %swap3A_106 = arith.constant 112 : index
      %swap3A_107 = tpu.vector_load %arg10[%swap3A_105, %swap3A_106] {strides = array<i32>} : memref<128x128xf32, #tpu.memory_space<vmem>>, vector<1x16xf32>,
      %swap3A_108 = vector.shape_cast %swap3A_107 : vector<1x16xf32> to vector<16xf32>
      %swap3A_109 = vector.shape_cast %broadcast_in_dim3A_104 : vector<16xf32> to vector<1x16xf32>
      tpu.vector_store %arg10[%swap3A_105, %swap3A_106], %swap3A_109 {strides = array<i32>} : memref<128x128xf32, #tpu.memory_space<vmem>>, vector<1x16xf32>,
    }
    %scan3A_5 = arith.constant 128 : i32
    %add3A = arith.constant 0 : i32
    %add3A_6 = arith.addi %mul3A_0, %add3A : i32
    "tpu.region"() ({
      %run_scoped3A = tpu.sem_alloc : memref<!tpu.dma_semaphore, #tpu.memory_space<semaphore_mem>>
      %dma_start3A = arith.constant 0 : i32
      %dma_start3A_55 = arith.constant 0 : i32
      %dma_start3A_56 = tpu.memref_slice %arg10[%dma_start3A, %dma_start3A_55] : memref<128x128xf32, #tpu.memory_space<vmem>> -> memref<128x128xf32, #tpu.memory_space<vmem>>
      %dma_start3A_57 = arith.constant 0 : i32
      %dma_start3A_58 = tpu.memref_slice %arg11[%add3A_6, %dma_start3A_57] : memref<10240x128xf32, #tpu.memory_space<vmem_shared>> -> memref<128x128xf32, #tpu.memory_space<vmem_shared>>
      %dma_start3A_59 = arith.constant 0 : i32
      %dma_start3A_60 = tpu.memref_slice %arg11[%add3A_6, %dma_start3A_59] : memref<10240x128xf32, #tpu.memory_space<vmem_shared>> -> memref<128x128xf32, #tpu.memory_space<vmem_shared>>
      %dma_start3A_61 = arith.constant 0 : i32
      %dma_start3A_62 = arith.constant 0 : i32
      %dma_start3A_63 = tpu.memref_slice %arg10[%dma_start3A_61, %dma_start3A_62] : memref<128x128xf32, #tpu.memory_space<vmem>> -> memref<128x128xf32, #tpu.memory_space<vmem>>
      tpu.enqueue_dma source(%dma_start3A_63 : memref<128x128xf32, #tpu.memory_space<vmem>>) target(%dma_start3A_60 : memref<128x128xf32, #tpu.memory_space<vmem_shared>>) target_semaphore(%run_scoped3A : memref<!tpu.dma_semaphore, #tpu.memory_space<semaphore_mem>>)
      %dma_wait3A = arith.constant 0 : i32
      %dma_wait3A_64 = arith.constant 0 : i32
      %dma_wait3A_65 = tpu.memref_slice %arg10[%dma_wait3A, %dma_wait3A_64] : memref<128x128xf32, #tpu.memory_space<vmem>> -> memref<128x128xf32, #tpu.memory_space<vmem>>
      %dma_wait3A_66 = arith.constant 0 : i32
      %dma_wait3A_67 = tpu.memref_slice %arg11[%add3A_6, %dma_wait3A_66] : memref<10240x128xf32, #tpu.memory_space<vmem_shared>> -> memref<128x128xf32, #tpu.memory_space<vmem_shared>>
      %dma_wait3A_68 = arith.constant 0 : i32
      %dma_wait3A_69 = tpu.memref_slice %arg11[%add3A_6, %dma_wait3A_68] : memref<10240x128xf32, #tpu.memory_space<vmem_shared>> -> memref<128x128xf32, #tpu.memory_space<vmem_shared>>
      %dma_wait3A_70 = arith.constant 0 : i32
      %dma_wait3A_71 = arith.constant 0 : i32
      %dma_wait3A_72 = tpu.memref_slice %arg10[%dma_wait3A_70, %dma_wait3A_71] : memref<128x128xf32, #tpu.memory_space<vmem>> -> memref<128x128xf32, #tpu.memory_space<vmem>>
      tpu.wait_dma2 semaphore(%run_scoped3A : memref<!tpu.dma_semaphore, #tpu.memory_space<semaphore_mem>>) src(%dma_wait3A_72 : memref<128x128xf32, #tpu.memory_space<vmem>>) dst(%dma_wait3A_69 : memref<128x128xf32, #tpu.memory_space<vmem_shared>>)
      tpu.yield
    }) : () -> ()
    %add3A_7 = arith.constant 128 : i32
    %add3A_8 = arith.addi %mul3A_0, %add3A_7 : i32
    "tpu.region"() ({
      %run_scoped3A = tpu.sem_alloc : memref<!tpu.dma_semaphore, #tpu.memory_space<semaphore_mem>>
      %dma_start3A = arith.constant 0 : i32
      %dma_start3A_55 = arith.constant 0 : i32
      %dma_start3A_56 = tpu.memref_slice %arg10[%dma_start3A, %dma_start3A_55] : memref<128x128xf32, #tpu.memory_space<vmem>> -> memref<128x128xf32, #tpu.memory_space<vmem>>
      %dma_start3A_57 = arith.constant 0 : i32
      %dma_start3A_58 = tpu.memref_slice %arg11[%add3A_8, %dma_start3A_57] : memref<10240x128xf32, #tpu.memory_space<vmem_shared>> -> memref<128x128xf32, #tpu.memory_space<vmem_shared>>
      %dma_start3A_59 = arith.constant 0 : i32
      %dma_start3A_60 = tpu.memref_slice %arg11[%add3A_8, %dma_start3A_59] : memref<10240x128xf32, #tpu.memory_space<vmem_shared>> -> memref<128x128xf32, #tpu.memory_space<vmem_shared>>
      %dma_start3A_61 = arith.constant 0 : i32
      %dma_start3A_62 = arith.constant 0 : i32
      %dma_start3A_63 = tpu.memref_slice %arg10[%dma_start3A_61, %dma_start3A_62] : memref<128x128xf32, #tpu.memory_space<vmem>> -> memref<128x128xf32, #tpu.memory_space<vmem>>
      tpu.enqueue_dma source(%dma_start3A_63 : memref<128x128xf32, #tpu.memory_space<vmem>>) target(%dma_start3A_60 : memref<128x128xf32, #tpu.memory_space<vmem_shared>>) target_semaphore(%run_scoped3A : memref<!tpu.dma_semaphore, #tpu.memory_space<semaphore_mem>>)
      %dma_wait3A = arith.constant 0 : i32
      %dma_wait3A_64 = arith.constant 0 : i32
      %dma_wait3A_65 = tpu.memref_slice %arg10[%dma_wait3A, %dma_wait3A_64] : memref<128x128xf32, #tpu.memory_space<vmem>> -> memref<128x128xf32, #tpu.memory_space<vmem>>
      %dma_wait3A_66 = arith.constant 0 : i32
      %dma_wait3A_67 = tpu.memref_slice %arg11[%add3A_8, %dma_wait3A_66] : memref<10240x128xf32, #tpu.memory_space<vmem_shared>> -> memref<128x128xf32, #tpu.memory_space<vmem_shared>>
      %dma_wait3A_68 = arith.constant 0 : i32
      %dma_wait3A_69 = tpu.memref_slice %arg11[%add3A_8, %dma_wait3A_68] : memref<10240x128xf32, #tpu.memory_space<vmem_shared>> -> memref<128x128xf32, #tpu.memory_space<vmem_shared>>
      %dma_wait3A_70 = arith.constant 0 : i32
      %dma_wait3A_71 = arith.constant 0 : i32
      %dma_wait3A_72 = tpu.memref_slice %arg10[%dma_wait3A_70, %dma_wait3A_71] : memref<128x128xf32, #tpu.memory_space<vmem>> -> memref<128x128xf32, #tpu.memory_space<vmem>>
      tpu.wait_dma2 semaphore(%run_scoped3A : memref<!tpu.dma_semaphore, #tpu.memory_space<semaphore_mem>>) src(%dma_wait3A_72 : memref<128x128xf32, #tpu.memory_space<vmem>>) dst(%dma_wait3A_69 : memref<128x128xf32, #tpu.memory_space<vmem_shared>>)
      tpu.yield
    }) : () -> ()
    %add3A_9 = arith.constant 256 : i32
    %add3A_10 = arith.addi %mul3A_0, %add3A_9 : i32
    "tpu.region"() ({
      %run_scoped3A = tpu.sem_alloc : memref<!tpu.dma_semaphore, #tpu.memory_space<semaphore_mem>>
      %dma_start3A = arith.constant 0 : i32
      %dma_start3A_55 = arith.constant 0 : i32
      %dma_start3A_56 = tpu.memref_slice %arg10[%dma_start3A, %dma_start3A_55] : memref<128x128xf32, #tpu.memory_space<vmem>> -> memref<128x128xf32, #tpu.memory_space<vmem>>
      %dma_start3A_57 = arith.constant 0 : i32
      %dma_start3A_58 = tpu.memref_slice %arg11[%add3A_10, %dma_start3A_57] : memref<10240x128xf32, #tpu.memory_space<vmem_shared>> -> memref<128x128xf32, #tpu.memory_space<vmem_shared>>
      %dma_start3A_59 = arith.constant 0 : i32
      %dma_start3A_60 = tpu.memref_slice %arg11[%add3A_10, %dma_start3A_59] : memref<10240x128xf32, #tpu.memory_space<vmem_shared>> -> memref<128x128xf32, #tpu.memory_space<vmem_shared>>
      %dma_start3A_61 = arith.constant 0 : i32
      %dma_start3A_62 = arith.constant 0 : i32
      %dma_start3A_63 = tpu.memref_slice %arg10[%dma_start3A_61, %dma_start3A_62] : memref<128x128xf32, #tpu.memory_space<vmem>> -> memref<128x128xf32, #tpu.memory_space<vmem>>
      tpu.enqueue_dma source(%dma_start3A_63 : memref<128x128xf32, #tpu.memory_space<vmem>>) target(%dma_start3A_60 : memref<128x128xf32, #tpu.memory_space<vmem_shared>>) target_semaphore(%run_scoped3A : memref<!tpu.dma_semaphore, #tpu.memory_space<semaphore_mem>>)
      %dma_wait3A = arith.constant 0 : i32
      %dma_wait3A_64 = arith.constant 0 : i32
      %dma_wait3A_65 = tpu.memref_slice %arg10[%dma_wait3A, %dma_wait3A_64] : memref<128x128xf32, #tpu.memory_space<vmem>> -> memref<128x128xf32, #tpu.memory_space<vmem>>
      %dma_wait3A_66 = arith.constant 0 : i32
      %dma_wait3A_67 = tpu.memref_slice %arg11[%add3A_10, %dma_wait3A_66] : memref<10240x128xf32, #tpu.memory_space<vmem_shared>> -> memref<128x128xf32, #tpu.memory_space<vmem_shared>>
      %dma_wait3A_68 = arith.constant 0 : i32
      %dma_wait3A_69 = tpu.memref_slice %arg11[%add3A_10, %dma_wait3A_68] : memref<10240x128xf32, #tpu.memory_space<vmem_shared>> -> memref<128x128xf32, #tpu.memory_space<vmem_shared>>
      %dma_wait3A_70 = arith.constant 0 : i32
      %dma_wait3A_71 = arith.constant 0 : i32
      %dma_wait3A_72 = tpu.memref_slice %arg10[%dma_wait3A_70, %dma_wait3A_71] : memref<128x128xf32, #tpu.memory_space<vmem>> -> memref<128x128xf32, #tpu.memory_space<vmem>>
      tpu.wait_dma2 semaphore(%run_scoped3A : memref<!tpu.dma_semaphore, #tpu.memory_space<semaphore_mem>>) src(%dma_wait3A_72 : memref<128x128xf32, #tpu.memory_space<vmem>>) dst(%dma_wait3A_69 : memref<128x128xf32, #tpu.memory_space<vmem_shared>>)
      tpu.yield
    }) : () -> ()
    %add3A_11 = arith.constant 384 : i32
    %add3A_12 = arith.addi %mul3A_0, %add3A_11 : i32
    "tpu.region"() ({
      %run_scoped3A = tpu.sem_alloc : memref<!tpu.dma_semaphore, #tpu.memory_space<semaphore_mem>>
      %dma_start3A = arith.constant 0 : i32
      %dma_start3A_55 = arith.constant 0 : i32
      %dma_start3A_56 = tpu.memref_slice %arg10[%dma_start3A, %dma_start3A_55] : memref<128x128xf32, #tpu.memory_space<vmem>> -> memref<128x128xf32, #tpu.memory_space<vmem>>
      %dma_start3A_57 = arith.constant 0 : i32
      %dma_start3A_58 = tpu.memref_slice %arg11[%add3A_12, %dma_start3A_57] : memref<10240x128xf32, #tpu.memory_space<vmem_shared>> -> memref<128x128xf32, #tpu.memory_space<vmem_shared>>
      %dma_start3A_59 = arith.constant 0 : i32
      %dma_start3A_60 = tpu.memref_slice %arg11[%add3A_12, %dma_start3A_59] : memref<10240x128xf32, #tpu.memory_space<vmem_shared>> -> memref<128x128xf32, #tpu.memory_space<vmem_shared>>
      %dma_start3A_61 = arith.constant 0 : i32
      %dma_start3A_62 = arith.constant 0 : i32
      %dma_start3A_63 = tpu.memref_slice %arg10[%dma_start3A_61, %dma_start3A_62] : memref<128x128xf32, #tpu.memory_space<vmem>> -> memref<128x128xf32, #tpu.memory_space<vmem>>
      tpu.enqueue_dma source(%dma_start3A_63 : memref<128x128xf32, #tpu.memory_space<vmem>>) target(%dma_start3A_60 : memref<128x128xf32, #tpu.memory_space<vmem_shared>>) target_semaphore(%run_scoped3A : memref<!tpu.dma_semaphore, #tpu.memory_space<semaphore_mem>>)
      %dma_wait3A = arith.constant 0 : i32
      %dma_wait3A_64 = arith.constant 0 : i32
      %dma_wait3A_65 = tpu.memref_slice %arg10[%dma_wait3A, %dma_wait3A_64] : memref<128x128xf32, #tpu.memory_space<vmem>> -> memref<128x128xf32, #tpu.memory_space<vmem>>
      %dma_wait3A_66 = arith.constant 0 : i32
      %dma_wait3A_67 = tpu.memref_slice %arg11[%add3A_12, %dma_wait3A_66] : memref<10240x128xf32, #tpu.memory_space<vmem_shared>> -> memref<128x128xf32, #tpu.memory_space<vmem_shared>>
      %dma_wait3A_68 = arith.constant 0 : i32
      %dma_wait3A_69 = tpu.memref_slice %arg11[%add3A_12, %dma_wait3A_68] : memref<10240x128xf32, #tpu.memory_space<vmem_shared>> -> memref<128x128xf32, #tpu.memory_space<vmem_shared>>
      %dma_wait3A_70 = arith.constant 0 : i32
      %dma_wait3A_71 = arith.constant 0 : i32
      %dma_wait3A_72 = tpu.memref_slice %arg10[%dma_wait3A_70, %dma_wait3A_71] : memref<128x128xf32, #tpu.memory_space<vmem>> -> memref<128x128xf32, #tpu.memory_space<vmem>>
      tpu.wait_dma2 semaphore(%run_scoped3A : memref<!tpu.dma_semaphore, #tpu.memory_space<semaphore_mem>>) src(%dma_wait3A_72 : memref<128x128xf32, #tpu.memory_space<vmem>>) dst(%dma_wait3A_69 : memref<128x128xf32, #tpu.memory_space<vmem_shared>>)
      tpu.yield
    }) : () -> ()
    %add3A_13 = arith.constant 512 : i32
    %add3A_14 = arith.addi %mul3A_0, %add3A_13 : i32
    "tpu.region"() ({
      %run_scoped3A = tpu.sem_alloc : memref<!tpu.dma_semaphore, #tpu.memory_space<semaphore_mem>>
      %dma_start3A = arith.constant 0 : i32
      %dma_start3A_55 = arith.constant 0 : i32
      %dma_start3A_56 = tpu.memref_slice %arg10[%dma_start3A, %dma_start3A_55] : memref<128x128xf32, #tpu.memory_space<vmem>> -> memref<128x128xf32, #tpu.memory_space<vmem>>
      %dma_start3A_57 = arith.constant 0 : i32
      %dma_start3A_58 = tpu.memref_slice %arg11[%add3A_14, %dma_start3A_57] : memref<10240x128xf32, #tpu.memory_space<vmem_shared>> -> memref<128x128xf32, #tpu.memory_space<vmem_shared>>
      %dma_start3A_59 = arith.constant 0 : i32
      %dma_start3A_60 = tpu.memref_slice %arg11[%add3A_14, %dma_start3A_59] : memref<10240x128xf32, #tpu.memory_space<vmem_shared>> -> memref<128x128xf32, #tpu.memory_space<vmem_shared>>
      %dma_start3A_61 = arith.constant 0 : i32
      %dma_start3A_62 = arith.constant 0 : i32
      %dma_start3A_63 = tpu.memref_slice %arg10[%dma_start3A_61, %dma_start3A_62] : memref<128x128xf32, #tpu.memory_space<vmem>> -> memref<128x128xf32, #tpu.memory_space<vmem>>
      tpu.enqueue_dma source(%dma_start3A_63 : memref<128x128xf32, #tpu.memory_space<vmem>>) target(%dma_start3A_60 : memref<128x128xf32, #tpu.memory_space<vmem_shared>>) target_semaphore(%run_scoped3A : memref<!tpu.dma_semaphore, #tpu.memory_space<semaphore_mem>>)
      %dma_wait3A = arith.constant 0 : i32
      %dma_wait3A_64 = arith.constant 0 : i32
      %dma_wait3A_65 = tpu.memref_slice %arg10[%dma_wait3A, %dma_wait3A_64] : memref<128x128xf32, #tpu.memory_space<vmem>> -> memref<128x128xf32, #tpu.memory_space<vmem>>
      %dma_wait3A_66 = arith.constant 0 : i32
      %dma_wait3A_67 = tpu.memref_slice %arg11[%add3A_14, %dma_wait3A_66] : memref<10240x128xf32, #tpu.memory_space<vmem_shared>> -> memref<128x128xf32, #tpu.memory_space<vmem_shared>>
      %dma_wait3A_68 = arith.constant 0 : i32
      %dma_wait3A_69 = tpu.memref_slice %arg11[%add3A_14, %dma_wait3A_68] : memref<10240x128xf32, #tpu.memory_space<vmem_shared>> -> memref<128x128xf32, #tpu.memory_space<vmem_shared>>
      %dma_wait3A_70 = arith.constant 0 : i32
      %dma_wait3A_71 = arith.constant 0 : i32
      %dma_wait3A_72 = tpu.memref_slice %arg10[%dma_wait3A_70, %dma_wait3A_71] : memref<128x128xf32, #tpu.memory_space<vmem>> -> memref<128x128xf32, #tpu.memory_space<vmem>>
      tpu.wait_dma2 semaphore(%run_scoped3A : memref<!tpu.dma_semaphore, #tpu.memory_space<semaphore_mem>>) src(%dma_wait3A_72 : memref<128x128xf32, #tpu.memory_space<vmem>>) dst(%dma_wait3A_69 : memref<128x128xf32, #tpu.memory_space<vmem_shared>>)
      tpu.yield
    }) : () -> ()
    %barrier3A = arith.constant 0 : index
    tpu.barrier barrier_id(%barrier3A)
    %eq3A = arith.constant 0 : i32
    %eq3A_15 = arith.cmpi eq, %arg0, %eq3A : i32
    %convert_element_type3A = arith.extui %eq3A_15 : i1 to i32
    %cond3A = arith.constant 0 : i32
    %cond3A_16 = arith.cmpi ne, %convert_element_type3A, %cond3A : i32
    scf.if %cond3A_16 {
      "tpu.region"() ({
        %run_scoped3A = tpu.sem_alloc : memref<!tpu.dma_semaphore, #tpu.memory_space<semaphore_mem>>
        %dma_start3A = arith.constant 0 : i32
        %dma_start3A_55 = arith.constant 0 : i32
        %dma_start3A_56 = tpu.memref_slice %arg8[%dma_start3A, %dma_start3A_55] : memref<79x128xi32, #tpu.memory_space<vmem>> -> memref<79x128xi32, #tpu.memory_space<vmem>>
        %dma_start3A_57 = arith.constant 0 : i32
        %dma_start3A_58 = arith.constant 0 : i32
        %dma_start3A_59 = tpu.memref_slice %arg3[%arg1, %dma_start3A_57, %dma_start3A_58] : memref<16x79x128xi32, #tpu.memory_space<hbm>> -> memref<1x79x128xi32, #tpu.memory_space<hbm>>
        %dma_start3A_60 = tpu.memref_squeeze %dma_start3A_59 : memref<1x79x128xi32, #tpu.memory_space<hbm>> -> memref<79x128xi32, #tpu.memory_space<hbm>>
        %dma_start3A_61 = arith.constant 0 : i32
        %dma_start3A_62 = arith.constant 0 : i32
        %dma_start3A_63 = tpu.memref_slice %arg8[%dma_start3A_61, %dma_start3A_62] : memref<79x128xi32, #tpu.memory_space<vmem>> -> memref<79x128xi32, #tpu.memory_space<vmem>>
        %dma_start3A_64 = arith.constant 0 : i32
        %dma_start3A_65 = arith.constant 0 : i32
        %dma_start3A_66 = tpu.memref_slice %arg3[%arg1, %dma_start3A_64, %dma_start3A_65] : memref<16x79x128xi32, #tpu.memory_space<hbm>> -> memref<1x79x128xi32, #tpu.memory_space<hbm>>
        %dma_start3A_67 = tpu.memref_squeeze %dma_start3A_66 : memref<1x79x128xi32, #tpu.memory_space<hbm>> -> memref<79x128xi32, #tpu.memory_space<hbm>>
        tpu.enqueue_dma source(%dma_start3A_67 : memref<79x128xi32, #tpu.memory_space<hbm>>) target(%dma_start3A_63 : memref<79x128xi32, #tpu.memory_space<vmem>>) target_semaphore(%run_scoped3A : memref<!tpu.dma_semaphore, #tpu.memory_space<semaphore_mem>>)
        %dma_wait3A = arith.constant 0 : i32
        %dma_wait3A_68 = arith.constant 0 : i32
        %dma_wait3A_69 = tpu.memref_slice %arg8[%dma_wait3A, %dma_wait3A_68] : memref<79x128xi32, #tpu.memory_space<vmem>> -> memref<79x128xi32, #tpu.memory_space<vmem>>
        %dma_wait3A_70 = arith.constant 0 : i32
        %dma_wait3A_71 = arith.constant 0 : i32
        %dma_wait3A_72 = tpu.memref_slice %arg3[%arg1, %dma_wait3A_70, %dma_wait3A_71] : memref<16x79x128xi32, #tpu.memory_space<hbm>> -> memref<1x79x128xi32, #tpu.memory_space<hbm>>
        %dma_wait3A_73 = tpu.memref_squeeze %dma_wait3A_72 : memref<1x79x128xi32, #tpu.memory_space<hbm>> -> memref<79x128xi32, #tpu.memory_space<hbm>>
        %dma_wait3A_74 = arith.constant 0 : i32
        %dma_wait3A_75 = arith.constant 0 : i32
        %dma_wait3A_76 = tpu.memref_slice %arg8[%dma_wait3A_74, %dma_wait3A_75] : memref<79x128xi32, #tpu.memory_space<vmem>> -> memref<79x128xi32, #tpu.memory_space<vmem>>
        %dma_wait3A_77 = arith.constant 0 : i32
        %dma_wait3A_78 = arith.constant 0 : i32
        %dma_wait3A_79 = tpu.memref_slice %arg3[%arg1, %dma_wait3A_77, %dma_wait3A_78] : memref<16x79x128xi32, #tpu.memory_space<hbm>> -> memref<1x79x128xi32, #tpu.memory_space<hbm>>
        %dma_wait3A_80 = tpu.memref_squeeze %dma_wait3A_79 : memref<1x79x128xi32, #tpu.memory_space<hbm>> -> memref<79x128xi32, #tpu.memory_space<hbm>>
        tpu.wait_dma2 semaphore(%run_scoped3A : memref<!tpu.dma_semaphore, #tpu.memory_space<semaphore_mem>>) src(%dma_wait3A_80 : memref<79x128xi32, #tpu.memory_space<hbm>>) dst(%dma_wait3A_76 : memref<79x128xi32, #tpu.memory_space<vmem>>)
        tpu.yield
      }) : () -> ()
      "tpu.region"() ({
        %run_scoped3A = tpu.sem_alloc : memref<!tpu.dma_semaphore, #tpu.memory_space<semaphore_mem>>
        %dma_start3A = arith.constant 0 : i32
        %dma_start3A_55 = arith.constant 0 : i32
        %dma_start3A_56 = tpu.memref_slice %arg9[%dma_start3A, %dma_start3A_55] : memref<79x128xi32, #tpu.memory_space<vmem>> -> memref<79x128xi32, #tpu.memory_space<vmem>>
        %dma_start3A_57 = arith.constant 0 : i32
        %dma_start3A_58 = arith.constant 0 : i32
        %dma_start3A_59 = tpu.memref_slice %arg4[%arg1, %dma_start3A_57, %dma_start3A_58] : memref<16x79x128xi32, #tpu.memory_space<hbm>> -> memref<1x79x128xi32, #tpu.memory_space<hbm>>
        %dma_start3A_60 = tpu.memref_squeeze %dma_start3A_59 : memref<1x79x128xi32, #tpu.memory_space<hbm>> -> memref<79x128xi32, #tpu.memory_space<hbm>>
        %dma_start3A_61 = arith.constant 0 : i32
        %dma_start3A_62 = arith.constant 0 : i32
        %dma_start3A_63 = tpu.memref_slice %arg9[%dma_start3A_61, %dma_start3A_62] : memref<79x128xi32, #tpu.memory_space<vmem>> -> memref<79x128xi32, #tpu.memory_space<vmem>>
        %dma_start3A_64 = arith.constant 0 : i32
        %dma_start3A_65 = arith.constant 0 : i32
        %dma_start3A_66 = tpu.memref_slice %arg4[%arg1, %dma_start3A_64, %dma_start3A_65] : memref<16x79x128xi32, #tpu.memory_space<hbm>> -> memref<1x79x128xi32, #tpu.memory_space<hbm>>
        %dma_start3A_67 = tpu.memref_squeeze %dma_start3A_66 : memref<1x79x128xi32, #tpu.memory_space<hbm>> -> memref<79x128xi32, #tpu.memory_space<hbm>>
        tpu.enqueue_dma source(%dma_start3A_67 : memref<79x128xi32, #tpu.memory_space<hbm>>) target(%dma_start3A_63 : memref<79x128xi32, #tpu.memory_space<vmem>>) target_semaphore(%run_scoped3A : memref<!tpu.dma_semaphore, #tpu.memory_space<semaphore_mem>>)
        %dma_wait3A = arith.constant 0 : i32
        %dma_wait3A_68 = arith.constant 0 : i32
        %dma_wait3A_69 = tpu.memref_slice %arg9[%dma_wait3A, %dma_wait3A_68] : memref<79x128xi32, #tpu.memory_space<vmem>> -> memref<79x128xi32, #tpu.memory_space<vmem>>
        %dma_wait3A_70 = arith.constant 0 : i32
        %dma_wait3A_71 = arith.constant 0 : i32
        %dma_wait3A_72 = tpu.memref_slice %arg4[%arg1, %dma_wait3A_70, %dma_wait3A_71] : memref<16x79x128xi32, #tpu.memory_space<hbm>> -> memref<1x79x128xi32, #tpu.memory_space<hbm>>
        %dma_wait3A_73 = tpu.memref_squeeze %dma_wait3A_72 : memref<1x79x128xi32, #tpu.memory_space<hbm>> -> memref<79x128xi32, #tpu.memory_space<hbm>>
        %dma_wait3A_74 = arith.constant 0 : i32
        %dma_wait3A_75 = arith.constant 0 : i32
        %dma_wait3A_76 = tpu.memref_slice %arg9[%dma_wait3A_74, %dma_wait3A_75] : memref<79x128xi32, #tpu.memory_space<vmem>> -> memref<79x128xi32, #tpu.memory_space<vmem>>
        %dma_wait3A_77 = arith.constant 0 : i32
        %dma_wait3A_78 = arith.constant 0 : i32
        %dma_wait3A_79 = tpu.memref_slice %arg4[%arg1, %dma_wait3A_77, %dma_wait3A_78] : memref<16x79x128xi32, #tpu.memory_space<hbm>> -> memref<1x79x128xi32, #tpu.memory_space<hbm>>
        %dma_wait3A_80 = tpu.memref_squeeze %dma_wait3A_79 : memref<1x79x128xi32, #tpu.memory_space<hbm>> -> memref<79x128xi32, #tpu.memory_space<hbm>>
        tpu.wait_dma2 semaphore(%run_scoped3A : memref<!tpu.dma_semaphore, #tpu.memory_space<semaphore_mem>>) src(%dma_wait3A_80 : memref<79x128xi32, #tpu.memory_space<hbm>>) dst(%dma_wait3A_76 : memref<79x128xi32, #tpu.memory_space<vmem>>)
        tpu.yield
      }) : () -> ()
    } else {
    }
    %eq3A_17 = arith.constant 1 : i32
    %eq3A_18 = arith.cmpi eq, %arg0, %eq3A_17 : i32
    %convert_element_type3A_19 = arith.extui %eq3A_18 : i1 to i32
    %cond3A_20 = arith.constant 0 : i32
    %cond3A_21 = arith.cmpi ne, %convert_element_type3A_19, %cond3A_20 : i32
    scf.if %cond3A_21 {
      "tpu.region"() ({
        %run_scoped3A = tpu.sem_alloc : memref<!tpu.dma_semaphore, #tpu.memory_space<semaphore_mem>>
        %dma_start3A = arith.constant 0 : i32
        %dma_start3A_55 = arith.constant 0 : i32
        %dma_start3A_56 = tpu.memref_slice %arg8[%dma_start3A, %dma_start3A_55] : memref<79x128xi32, #tpu.memory_space<vmem>> -> memref<79x128xi32, #tpu.memory_space<vmem>>
        %dma_start3A_57 = arith.constant 0 : i32
        %dma_start3A_58 = arith.constant 0 : i32
        %dma_start3A_59 = tpu.memref_slice %arg5[%arg1, %dma_start3A_57, %dma_start3A_58] : memref<16x79x128xi32, #tpu.memory_space<hbm>> -> memref<1x79x128xi32, #tpu.memory_space<hbm>>
        %dma_start3A_60 = tpu.memref_squeeze %dma_start3A_59 : memref<1x79x128xi32, #tpu.memory_space<hbm>> -> memref<79x128xi32, #tpu.memory_space<hbm>>
        %dma_start3A_61 = arith.constant 0 : i32
        %dma_start3A_62 = arith.constant 0 : i32
        %dma_start3A_63 = tpu.memref_slice %arg8[%dma_start3A_61, %dma_start3A_62] : memref<79x128xi32, #tpu.memory_space<vmem>> -> memref<79x128xi32, #tpu.memory_space<vmem>>
        %dma_start3A_64 = arith.constant 0 : i32
        %dma_start3A_65 = arith.constant 0 : i32
        %dma_start3A_66 = tpu.memref_slice %arg5[%arg1, %dma_start3A_64, %dma_start3A_65] : memref<16x79x128xi32, #tpu.memory_space<hbm>> -> memref<1x79x128xi32, #tpu.memory_space<hbm>>
        %dma_start3A_67 = tpu.memref_squeeze %dma_start3A_66 : memref<1x79x128xi32, #tpu.memory_space<hbm>> -> memref<79x128xi32, #tpu.memory_space<hbm>>
        tpu.enqueue_dma source(%dma_start3A_67 : memref<79x128xi32, #tpu.memory_space<hbm>>) target(%dma_start3A_63 : memref<79x128xi32, #tpu.memory_space<vmem>>) target_semaphore(%run_scoped3A : memref<!tpu.dma_semaphore, #tpu.memory_space<semaphore_mem>>)
        %dma_wait3A = arith.constant 0 : i32
        %dma_wait3A_68 = arith.constant 0 : i32
        %dma_wait3A_69 = tpu.memref_slice %arg8[%dma_wait3A, %dma_wait3A_68] : memref<79x128xi32, #tpu.memory_space<vmem>> -> memref<79x128xi32, #tpu.memory_space<vmem>>
        %dma_wait3A_70 = arith.constant 0 : i32
        %dma_wait3A_71 = arith.constant 0 : i32
        %dma_wait3A_72 = tpu.memref_slice %arg5[%arg1, %dma_wait3A_70, %dma_wait3A_71] : memref<16x79x128xi32, #tpu.memory_space<hbm>> -> memref<1x79x128xi32, #tpu.memory_space<hbm>>
        %dma_wait3A_73 = tpu.memref_squeeze %dma_wait3A_72 : memref<1x79x128xi32, #tpu.memory_space<hbm>> -> memref<79x128xi32, #tpu.memory_space<hbm>>
        %dma_wait3A_74 = arith.constant 0 : i32
        %dma_wait3A_75 = arith.constant 0 : i32
        %dma_wait3A_76 = tpu.memref_slice %arg8[%dma_wait3A_74, %dma_wait3A_75] : memref<79x128xi32, #tpu.memory_space<vmem>> -> memref<79x128xi32, #tpu.memory_space<vmem>>
        %dma_wait3A_77 = arith.constant 0 : i32
        %dma_wait3A_78 = arith.constant 0 : i32
        %dma_wait3A_79 = tpu.memref_slice %arg5[%arg1, %dma_wait3A_77, %dma_wait3A_78] : memref<16x79x128xi32, #tpu.memory_space<hbm>> -> memref<1x79x128xi32, #tpu.memory_space<hbm>>
        %dma_wait3A_80 = tpu.memref_squeeze %dma_wait3A_79 : memref<1x79x128xi32, #tpu.memory_space<hbm>> -> memref<79x128xi32, #tpu.memory_space<hbm>>
        tpu.wait_dma2 semaphore(%run_scoped3A : memref<!tpu.dma_semaphore, #tpu.memory_space<semaphore_mem>>) src(%dma_wait3A_80 : memref<79x128xi32, #tpu.memory_space<hbm>>) dst(%dma_wait3A_76 : memref<79x128xi32, #tpu.memory_space<vmem>>)
        tpu.yield
      }) : () -> ()
      "tpu.region"() ({
        %run_scoped3A = tpu.sem_alloc : memref<!tpu.dma_semaphore, #tpu.memory_space<semaphore_mem>>
        %dma_start3A = arith.constant 0 : i32
        %dma_start3A_55 = arith.constant 0 : i32
        %dma_start3A_56 = tpu.memref_slice %arg9[%dma_start3A, %dma_start3A_55] : memref<79x128xi32, #tpu.memory_space<vmem>> -> memref<79x128xi32, #tpu.memory_space<vmem>>
        %dma_start3A_57 = arith.constant 0 : i32
        %dma_start3A_58 = arith.constant 0 : i32
        %dma_start3A_59 = tpu.memref_slice %arg6[%arg1, %dma_start3A_57, %dma_start3A_58] : memref<16x79x128xi32, #tpu.memory_space<hbm>> -> memref<1x79x128xi32, #tpu.memory_space<hbm>>
        %dma_start3A_60 = tpu.memref_squeeze %dma_start3A_59 : memref<1x79x128xi32, #tpu.memory_space<hbm>> -> memref<79x128xi32, #tpu.memory_space<hbm>>
        %dma_start3A_61 = arith.constant 0 : i32
        %dma_start3A_62 = arith.constant 0 : i32
        %dma_start3A_63 = tpu.memref_slice %arg9[%dma_start3A_61, %dma_start3A_62] : memref<79x128xi32, #tpu.memory_space<vmem>> -> memref<79x128xi32, #tpu.memory_space<vmem>>
        %dma_start3A_64 = arith.constant 0 : i32
        %dma_start3A_65 = arith.constant 0 : i32
        %dma_start3A_66 = tpu.memref_slice %arg6[%arg1, %dma_start3A_64, %dma_start3A_65] : memref<16x79x128xi32, #tpu.memory_space<hbm>> -> memref<1x79x128xi32, #tpu.memory_space<hbm>>
        %dma_start3A_67 = tpu.memref_squeeze %dma_start3A_66 : memref<1x79x128xi32, #tpu.memory_space<hbm>> -> memref<79x128xi32, #tpu.memory_space<hbm>>
        tpu.enqueue_dma source(%dma_start3A_67 : memref<79x128xi32, #tpu.memory_space<hbm>>) target(%dma_start3A_63 : memref<79x128xi32, #tpu.memory_space<vmem>>) target_semaphore(%run_scoped3A : memref<!tpu.dma_semaphore, #tpu.memory_space<semaphore_mem>>)
        %dma_wait3A = arith.constant 0 : i32
        %dma_wait3A_68 = arith.constant 0 : i32
        %dma_wait3A_69 = tpu.memref_slice %arg9[%dma_wait3A, %dma_wait3A_68] : memref<79x128xi32, #tpu.memory_space<vmem>> -> memref<79x128xi32, #tpu.memory_space<vmem>>
        %dma_wait3A_70 = arith.constant 0 : i32
        %dma_wait3A_71 = arith.constant 0 : i32
        %dma_wait3A_72 = tpu.memref_slice %arg6[%arg1, %dma_wait3A_70, %dma_wait3A_71] : memref<16x79x128xi32, #tpu.memory_space<hbm>> -> memref<1x79x128xi32, #tpu.memory_space<hbm>>
        %dma_wait3A_73 = tpu.memref_squeeze %dma_wait3A_72 : memref<1x79x128xi32, #tpu.memory_space<hbm>> -> memref<79x128xi32, #tpu.memory_space<hbm>>
        %dma_wait3A_74 = arith.constant 0 : i32
        %dma_wait3A_75 = arith.constant 0 : i32
        %dma_wait3A_76 = tpu.memref_slice %arg9[%dma_wait3A_74, %dma_wait3A_75] : memref<79x128xi32, #tpu.memory_space<vmem>> -> memref<79x128xi32, #tpu.memory_space<vmem>>
        %dma_wait3A_77 = arith.constant 0 : i32
        %dma_wait3A_78 = arith.constant 0 : i32
        %dma_wait3A_79 = tpu.memref_slice %arg6[%arg1, %dma_wait3A_77, %dma_wait3A_78] : memref<16x79x128xi32, #tpu.memory_space<hbm>> -> memref<1x79x128xi32, #tpu.memory_space<hbm>>
        %dma_wait3A_80 = tpu.memref_squeeze %dma_wait3A_79 : memref<1x79x128xi32, #tpu.memory_space<hbm>> -> memref<79x128xi32, #tpu.memory_space<hbm>>
        tpu.wait_dma2 semaphore(%run_scoped3A : memref<!tpu.dma_semaphore, #tpu.memory_space<semaphore_mem>>) src(%dma_wait3A_80 : memref<79x128xi32, #tpu.memory_space<hbm>>) dst(%dma_wait3A_76 : memref<79x128xi32, #tpu.memory_space<vmem>>)
        tpu.yield
      }) : () -> ()
    } else {
    }
    %eq3A_22 = arith.constant 0 : i32
    %eq3A_23 = arith.cmpi eq, %arg0, %eq3A_22 : i32
    %jit3A = arith.constant 79 : i32
    %jit3A_24 = arith.constant 79 : i32
    %select_n3A = arith.select %eq3A_23, %jit3A, %jit3A_24 : i32
    %while3A = arith.constant 0 : i32
    %while3A_25 = arith.constant 0 : i32
    %while3A_26 = arith.subi %select_n3A, %while3A_25 : i32
    %while3A_27 = arith.addi %while3A_25, %while3A_26 : i32
    %while3A_28 = arith.constant 1 : i32
    %while3A_29 = arith.divsi %while3A_26, %while3A_28 : i32
    %while3A_30 = arith.muli %while3A_29, %while3A_28 : i32
    %while3A_31 = arith.addi %while3A_25, %while3A_30 : i32
    %while3A_32 = arith.constant 1 : i32
    scf.for %while3A_55 = %while3A_25 to %while3A_31 step %while3A_32  : i32 {
      %dma_start3A = arith.constant 0 : i32
      %dma_start3A_56 = tpu.memref_slice %arg8[%while3A_55, %dma_start3A] : memref<79x128xi32, #tpu.memory_space<vmem>> -> memref<1x128xi32, #tpu.memory_space<vmem>>
      %dma_start3A_57 = tpu.memref_squeeze %dma_start3A_56 : memref<1x128xi32, #tpu.memory_space<vmem>> -> memref<128xi32, #tpu.memory_space<vmem>>
      %dma_start3A_58 = arith.constant 0 : i32
      %dma_start3A_59 = arith.constant 0 : i32
      %dma_start3A_60 = tpu.memref_slice %arg2[%dma_start3A_58, %dma_start3A_59] : memref<10000x128xf32, #tpu.memory_space<hbm>> -> memref<10000x128xf32, #tpu.memory_space<hbm>>
      tpu.enqueue_indirect_dma source(%dma_start3A_60 : memref<10000x128xf32, #tpu.memory_space<hbm>>) target(%arg10 : memref<128x128xf32, #tpu.memory_space<vmem>>) offsets(%dma_start3A_57 : memref<128xi32, #tpu.memory_space<vmem>>) semaphore(%arg12 : memref<!tpu.dma_semaphore, #tpu.memory_space<semaphore_mem>>)
      %dma_wait3A = arith.constant 0 : i32
      %dma_wait3A_61 = tpu.memref_slice %arg8[%while3A_55, %dma_wait3A] : memref<79x128xi32, #tpu.memory_space<vmem>> -> memref<1x128xi32, #tpu.memory_space<vmem>>
      %dma_wait3A_62 = tpu.memref_squeeze %dma_wait3A_61 : memref<1x128xi32, #tpu.memory_space<vmem>> -> memref<128xi32, #tpu.memory_space<vmem>>
      %dma_wait3A_63 = arith.constant 0 : i32
      %dma_wait3A_64 = arith.constant 0 : i32
      %dma_wait3A_65 = tpu.memref_slice %arg2[%dma_wait3A_63, %dma_wait3A_64] : memref<10000x128xf32, #tpu.memory_space<hbm>> -> memref<10000x128xf32, #tpu.memory_space<hbm>>
      tpu.wait_indirect_dma semaphore(%arg12 : memref<!tpu.dma_semaphore, #tpu.memory_space<semaphore_mem>>) src(%dma_wait3A_65 : memref<10000x128xf32, #tpu.memory_space<hbm>>) dst(%arg10 : memref<128x128xf32, #tpu.memory_space<vmem>>)
      "tpu.region"() ({
        %run_scoped3A = tpu.sem_alloc : memref<!tpu.dma_semaphore, #tpu.memory_space<semaphore_mem>>
        %dma_start3A_66 = arith.constant 0 : i32
        %dma_start3A_67 = tpu.memref_slice %arg9[%while3A_55, %dma_start3A_66] : memref<79x128xi32, #tpu.memory_space<vmem>> -> memref<1x128xi32, #tpu.memory_space<vmem>>
        %dma_start3A_68 = tpu.memref_squeeze %dma_start3A_67 : memref<1x128xi32, #tpu.memory_space<vmem>> -> memref<128xi32, #tpu.memory_space<vmem>>
        %dma_start3A_69 = arith.constant 0 : i32
        %dma_start3A_70 = arith.constant 0 : i32
        %dma_start3A_71 = tpu.memref_slice %arg11[%dma_start3A_69, %dma_start3A_70] : memref<10240x128xf32, #tpu.memory_space<vmem_shared>> -> memref<10240x128xf32, #tpu.memory_space<vmem_shared>>
        tpu.enqueue_indirect_dma source(%arg10 : memref<128x128xf32, #tpu.memory_space<vmem>>) target(%dma_start3A_71 : memref<10240x128xf32, #tpu.memory_space<vmem_shared>>) offsets(%dma_start3A_68 : memref<128xi32, #tpu.memory_space<vmem>>) semaphore(%run_scoped3A : memref<!tpu.dma_semaphore, #tpu.memory_space<semaphore_mem>>) {add = true}
        %dma_wait3A_72 = arith.constant 0 : i32
        %dma_wait3A_73 = tpu.memref_slice %arg9[%while3A_55, %dma_wait3A_72] : memref<79x128xi32, #tpu.memory_space<vmem>> -> memref<1x128xi32, #tpu.memory_space<vmem>>
        %dma_wait3A_74 = tpu.memref_squeeze %dma_wait3A_73 : memref<1x128xi32, #tpu.memory_space<vmem>> -> memref<128xi32, #tpu.memory_space<vmem>>
        %dma_wait3A_75 = arith.constant 0 : i32
        %dma_wait3A_76 = arith.constant 0 : i32
        %dma_wait3A_77 = tpu.memref_slice %arg11[%dma_wait3A_75, %dma_wait3A_76] : memref<10240x128xf32, #tpu.memory_space<vmem_shared>> -> memref<10240x128xf32, #tpu.memory_space<vmem_shared>>
        tpu.wait_indirect_dma semaphore(%run_scoped3A : memref<!tpu.dma_semaphore, #tpu.memory_space<semaphore_mem>>) src(%arg10 : memref<128x128xf32, #tpu.memory_space<vmem>>) dst(%dma_wait3A_77 : memref<10240x128xf32, #tpu.memory_space<vmem_shared>>)
        tpu.yield
      }) : () -> ()
    }
    %while3A_33 = arith.constant 1 : i32
    scf.for %while3A_55 = %while3A_31 to %while3A_27 step %while3A_33  : i32 {
      %dma_start3A = arith.constant 0 : i32
      %dma_start3A_56 = tpu.memref_slice %arg8[%while3A_55, %dma_start3A] : memref<79x128xi32, #tpu.memory_space<vmem>> -> memref<1x128xi32, #tpu.memory_space<vmem>>
      %dma_start3A_57 = tpu.memref_squeeze %dma_start3A_56 : memref<1x128xi32, #tpu.memory_space<vmem>> -> memref<128xi32, #tpu.memory_space<vmem>>
      %dma_start3A_58 = arith.constant 0 : i32
      %dma_start3A_59 = arith.constant 0 : i32
      %dma_start3A_60 = tpu.memref_slice %arg2[%dma_start3A_58, %dma_start3A_59] : memref<10000x128xf32, #tpu.memory_space<hbm>> -> memref<10000x128xf32, #tpu.memory_space<hbm>>
      tpu.enqueue_indirect_dma source(%dma_start3A_60 : memref<10000x128xf32, #tpu.memory_space<hbm>>) target(%arg10 : memref<128x128xf32, #tpu.memory_space<vmem>>) offsets(%dma_start3A_57 : memref<128xi32, #tpu.memory_space<vmem>>) semaphore(%arg12 : memref<!tpu.dma_semaphore, #tpu.memory_space<semaphore_mem>>)
      %dma_wait3A = arith.constant 0 : i32
      %dma_wait3A_61 = tpu.memref_slice %arg8[%while3A_55, %dma_wait3A] : memref<79x128xi32, #tpu.memory_space<vmem>> -> memref<1x128xi32, #tpu.memory_space<vmem>>
      %dma_wait3A_62 = tpu.memref_squeeze %dma_wait3A_61 : memref<1x128xi32, #tpu.memory_space<vmem>> -> memref<128xi32, #tpu.memory_space<vmem>>
      %dma_wait3A_63 = arith.constant 0 : i32
      %dma_wait3A_64 = arith.constant 0 : i32
      %dma_wait3A_65 = tpu.memref_slice %arg2[%dma_wait3A_63, %dma_wait3A_64] : memref<10000x128xf32, #tpu.memory_space<hbm>> -> memref<10000x128xf32, #tpu.memory_space<hbm>>
      tpu.wait_indirect_dma semaphore(%arg12 : memref<!tpu.dma_semaphore, #tpu.memory_space<semaphore_mem>>) src(%dma_wait3A_65 : memref<10000x128xf32, #tpu.memory_space<hbm>>) dst(%arg10 : memref<128x128xf32, #tpu.memory_space<vmem>>)
      "tpu.region"() ({
        %run_scoped3A = tpu.sem_alloc : memref<!tpu.dma_semaphore, #tpu.memory_space<semaphore_mem>>
        %dma_start3A_66 = arith.constant 0 : i32
        %dma_start3A_67 = tpu.memref_slice %arg9[%while3A_55, %dma_start3A_66] : memref<79x128xi32, #tpu.memory_space<vmem>> -> memref<1x128xi32, #tpu.memory_space<vmem>>
        %dma_start3A_68 = tpu.memref_squeeze %dma_start3A_67 : memref<1x128xi32, #tpu.memory_space<vmem>> -> memref<128xi32, #tpu.memory_space<vmem>>
        %dma_start3A_69 = arith.constant 0 : i32
        %dma_start3A_70 = arith.constant 0 : i32
        %dma_start3A_71 = tpu.memref_slice %arg11[%dma_start3A_69, %dma_start3A_70] : memref<10240x128xf32, #tpu.memory_space<vmem_shared>> -> memref<10240x128xf32, #tpu.memory_space<vmem_shared>>
        tpu.enqueue_indirect_dma source(%arg10 : memref<128x128xf32, #tpu.memory_space<vmem>>) target(%dma_start3A_71 : memref<10240x128xf32, #tpu.memory_space<vmem_shared>>) offsets(%dma_start3A_68 : memref<128xi32, #tpu.memory_space<vmem>>) semaphore(%run_scoped3A : memref<!tpu.dma_semaphore, #tpu.memory_space<semaphore_mem>>) {add = true}
        %dma_wait3A_72 = arith.constant 0 : i32
        %dma_wait3A_73 = tpu.memref_slice %arg9[%while3A_55, %dma_wait3A_72] : memref<79x128xi32, #tpu.memory_space<vmem>> -> memref<1x128xi32, #tpu.memory_space<vmem>>
        %dma_wait3A_74 = tpu.memref_squeeze %dma_wait3A_73 : memref<1x128xi32, #tpu.memory_space<vmem>> -> memref<128xi32, #tpu.memory_space<vmem>>
        %dma_wait3A_75 = arith.constant 0 : i32
        %dma_wait3A_76 = arith.constant 0 : i32
        %dma_wait3A_77 = tpu.memref_slice %arg11[%dma_wait3A_75, %dma_wait3A_76] : memref<10240x128xf32, #tpu.memory_space<vmem_shared>> -> memref<10240x128xf32, #tpu.memory_space<vmem_shared>>
        tpu.wait_indirect_dma semaphore(%run_scoped3A : memref<!tpu.dma_semaphore, #tpu.memory_space<semaphore_mem>>) src(%arg10 : memref<128x128xf32, #tpu.memory_space<vmem>>) dst(%dma_wait3A_77 : memref<10240x128xf32, #tpu.memory_space<vmem_shared>>)
        tpu.yield
      }) : () -> ()
    }
    %barrier3A_34 = arith.constant 0 : index
    tpu.barrier barrier_id(%barrier3A_34)
    %add3A_35 = arith.constant 0 : i32
    %add3A_36 = arith.addi %mul3A_0, %add3A_35 : i32
    "tpu.region"() ({
      %run_scoped3A = tpu.sem_alloc : memref<!tpu.dma_semaphore, #tpu.memory_space<semaphore_mem>>
      %dma_start3A = arith.constant 0 : i32
      %dma_start3A_55 = arith.constant 0 : i32
      %dma_start3A_56 = tpu.memref_slice %arg10[%dma_start3A, %dma_start3A_55] : memref<128x128xf32, #tpu.memory_space<vmem>> -> memref<128x128xf32, #tpu.memory_space<vmem>>
      %dma_start3A_57 = arith.constant 0 : i32
      %dma_start3A_58 = tpu.memref_slice %arg11[%add3A_36, %dma_start3A_57] : memref<10240x128xf32, #tpu.memory_space<vmem_shared>> -> memref<128x128xf32, #tpu.memory_space<vmem_shared>>
      %dma_start3A_59 = arith.constant 0 : i32
      %dma_start3A_60 = arith.constant 0 : i32
      %dma_start3A_61 = tpu.memref_slice %arg10[%dma_start3A_59, %dma_start3A_60] : memref<128x128xf32, #tpu.memory_space<vmem>> -> memref<128x128xf32, #tpu.memory_space<vmem>>
      %dma_start3A_62 = arith.constant 0 : i32
      %dma_start3A_63 = tpu.memref_slice %arg11[%add3A_36, %dma_start3A_62] : memref<10240x128xf32, #tpu.memory_space<vmem_shared>> -> memref<128x128xf32, #tpu.memory_space<vmem_shared>>
      tpu.enqueue_dma source(%dma_start3A_63 : memref<128x128xf32, #tpu.memory_space<vmem_shared>>) target(%dma_start3A_61 : memref<128x128xf32, #tpu.memory_space<vmem>>) target_semaphore(%run_scoped3A : memref<!tpu.dma_semaphore, #tpu.memory_space<semaphore_mem>>)
      %dma_wait3A = arith.constant 0 : i32
      %dma_wait3A_64 = arith.constant 0 : i32
      %dma_wait3A_65 = tpu.memref_slice %arg10[%dma_wait3A, %dma_wait3A_64] : memref<128x128xf32, #tpu.memory_space<vmem>> -> memref<128x128xf32, #tpu.memory_space<vmem>>
      %dma_wait3A_66 = arith.constant 0 : i32
      %dma_wait3A_67 = tpu.memref_slice %arg11[%add3A_36, %dma_wait3A_66] : memref<10240x128xf32, #tpu.memory_space<vmem_shared>> -> memref<128x128xf32, #tpu.memory_space<vmem_shared>>
      %dma_wait3A_68 = arith.constant 0 : i32
      %dma_wait3A_69 = arith.constant 0 : i32
      %dma_wait3A_70 = tpu.memref_slice %arg10[%dma_wait3A_68, %dma_wait3A_69] : memref<128x128xf32, #tpu.memory_space<vmem>> -> memref<128x128xf32, #tpu.memory_space<vmem>>
      %dma_wait3A_71 = arith.constant 0 : i32
      %dma_wait3A_72 = tpu.memref_slice %arg11[%add3A_36, %dma_wait3A_71] : memref<10240x128xf32, #tpu.memory_space<vmem_shared>> -> memref<128x128xf32, #tpu.memory_space<vmem_shared>>
      tpu.wait_dma2 semaphore(%run_scoped3A : memref<!tpu.dma_semaphore, #tpu.memory_space<semaphore_mem>>) src(%dma_wait3A_72 : memref<128x128xf32, #tpu.memory_space<vmem_shared>>) dst(%dma_wait3A_70 : memref<128x128xf32, #tpu.memory_space<vmem>>)
      tpu.yield
    }) : () -> ()
    %add3A_37 = arith.constant 0 : i32
    %add3A_38 = arith.addi %mul3A_0, %add3A_37 : i32
    "tpu.region"() ({
      %run_scoped3A = tpu.sem_alloc : memref<!tpu.dma_semaphore, #tpu.memory_space<semaphore_mem>>
      %dma_start3A = arith.constant 0 : i32
      %dma_start3A_55 = arith.constant 0 : i32
      %dma_start3A_56 = tpu.memref_slice %arg10[%dma_start3A, %dma_start3A_55] : memref<128x128xf32, #tpu.memory_space<vmem>> -> memref<128x128xf32, #tpu.memory_space<vmem>>
      %dma_start3A_57 = arith.constant 0 : i32
      %dma_start3A_58 = tpu.memref_slice %arg7[%arg0, %add3A_38, %dma_start3A_57] : memref<2x10240x128xf32, #tpu.memory_space<hbm>> -> memref<1x128x128xf32, #tpu.memory_space<hbm>>
      %dma_start3A_59 = tpu.memref_squeeze %dma_start3A_58 : memref<1x128x128xf32, #tpu.memory_space<hbm>> -> memref<128x128xf32, #tpu.memory_space<hbm>>
      %dma_start3A_60 = arith.constant 0 : i32
      %dma_start3A_61 = tpu.memref_slice %arg7[%arg0, %add3A_38, %dma_start3A_60] : memref<2x10240x128xf32, #tpu.memory_space<hbm>> -> memref<1x128x128xf32, #tpu.memory_space<hbm>>
      %dma_start3A_62 = tpu.memref_squeeze %dma_start3A_61 : memref<1x128x128xf32, #tpu.memory_space<hbm>> -> memref<128x128xf32, #tpu.memory_space<hbm>>
      %dma_start3A_63 = arith.constant 0 : i32
      %dma_start3A_64 = arith.constant 0 : i32
      %dma_start3A_65 = tpu.memref_slice %arg10[%dma_start3A_63, %dma_start3A_64] : memref<128x128xf32, #tpu.memory_space<vmem>> -> memref<128x128xf32, #tpu.memory_space<vmem>>
      tpu.enqueue_dma source(%dma_start3A_65 : memref<128x128xf32, #tpu.memory_space<vmem>>) target(%dma_start3A_62 : memref<128x128xf32, #tpu.memory_space<hbm>>) target_semaphore(%run_scoped3A : memref<!tpu.dma_semaphore, #tpu.memory_space<semaphore_mem>>)
      %dma_wait3A = arith.constant 0 : i32
      %dma_wait3A_66 = arith.constant 0 : i32
      %dma_wait3A_67 = tpu.memref_slice %arg10[%dma_wait3A, %dma_wait3A_66] : memref<128x128xf32, #tpu.memory_space<vmem>> -> memref<128x128xf32, #tpu.memory_space<vmem>>
      %dma_wait3A_68 = arith.constant 0 : i32
      %dma_wait3A_69 = tpu.memref_slice %arg7[%arg0, %add3A_38, %dma_wait3A_68] : memref<2x10240x128xf32, #tpu.memory_space<hbm>> -> memref<1x128x128xf32, #tpu.memory_space<hbm>>
      %dma_wait3A_70 = tpu.memref_squeeze %dma_wait3A_69 : memref<1x128x128xf32, #tpu.memory_space<hbm>> -> memref<128x128xf32, #tpu.memory_space<hbm>>
      %dma_wait3A_71 = arith.constant 0 : i32
      %dma_wait3A_72 = tpu.memref_slice %arg7[%arg0, %add3A_38, %dma_wait3A_71] : memref<2x10240x128xf32, #tpu.memory_space<hbm>> -> memref<1x128x128xf32, #tpu.memory_space<hbm>>
      %dma_wait3A_73 = tpu.memref_squeeze %dma_wait3A_72 : memref<1x128x128xf32, #tpu.memory_space<hbm>> -> memref<128x128xf32, #tpu.memory_space<hbm>>
      %dma_wait3A_74 = arith.constant 0 : i32
      %dma_wait3A_75 = arith.constant 0 : i32
      %dma_wait3A_76 = tpu.memref_slice %arg10[%dma_wait3A_74, %dma_wait3A_75] : memref<128x128xf32, #tpu.memory_space<vmem>> -> memref<128x128xf32, #tpu.memory_space<vmem>>
      tpu.wait_dma2 semaphore(%run_scoped3A : memref<!tpu.dma_semaphore, #tpu.memory_space<semaphore_mem>>) src(%dma_wait3A_76 : memref<128x128xf32, #tpu.memory_space<vmem>>) dst(%dma_wait3A_73 : memref<128x128xf32, #tpu.memory_space<hbm>>)
      tpu.yield
    }) : () -> ()
    %add3A_39 = arith.constant 128 : i32
    %add3A_40 = arith.addi %mul3A_0, %add3A_39 : i32
    "tpu.region"() ({
      %run_scoped3A = tpu.sem_alloc : memref<!tpu.dma_semaphore, #tpu.memory_space<semaphore_mem>>
      %dma_start3A = arith.constant 0 : i32
      %dma_start3A_55 = arith.constant 0 : i32
      %dma_start3A_56 = tpu.memref_slice %arg10[%dma_start3A, %dma_start3A_55] : memref<128x128xf32, #tpu.memory_space<vmem>> -> memref<128x128xf32, #tpu.memory_space<vmem>>
      %dma_start3A_57 = arith.constant 0 : i32
      %dma_start3A_58 = tpu.memref_slice %arg11[%add3A_40, %dma_start3A_57] : memref<10240x128xf32, #tpu.memory_space<vmem_shared>> -> memref<128x128xf32, #tpu.memory_space<vmem_shared>>
      %dma_start3A_59 = arith.constant 0 : i32
      %dma_start3A_60 = arith.constant 0 : i32
      %dma_start3A_61 = tpu.memref_slice %arg10[%dma_start3A_59, %dma_start3A_60] : memref<128x128xf32, #tpu.memory_space<vmem>> -> memref<128x128xf32, #tpu.memory_space<vmem>>
      %dma_start3A_62 = arith.constant 0 : i32
      %dma_start3A_63 = tpu.memref_slice %arg11[%add3A_40, %dma_start3A_62] : memref<10240x128xf32, #tpu.memory_space<vmem_shared>> -> memref<128x128xf32, #tpu.memory_space<vmem_shared>>
      tpu.enqueue_dma source(%dma_start3A_63 : memref<128x128xf32, #tpu.memory_space<vmem_shared>>) target(%dma_start3A_61 : memref<128x128xf32, #tpu.memory_space<vmem>>) target_semaphore(%run_scoped3A : memref<!tpu.dma_semaphore, #tpu.memory_space<semaphore_mem>>)
      %dma_wait3A = arith.constant 0 : i32
      %dma_wait3A_64 = arith.constant 0 : i32
      %dma_wait3A_65 = tpu.memref_slice %arg10[%dma_wait3A, %dma_wait3A_64] : memref<128x128xf32, #tpu.memory_space<vmem>> -> memref<128x128xf32, #tpu.memory_space<vmem>>
      %dma_wait3A_66 = arith.constant 0 : i32
      %dma_wait3A_67 = tpu.memref_slice %arg11[%add3A_40, %dma_wait3A_66] : memref<10240x128xf32, #tpu.memory_space<vmem_shared>> -> memref<128x128xf32, #tpu.memory_space<vmem_shared>>
      %dma_wait3A_68 = arith.constant 0 : i32
      %dma_wait3A_69 = arith.constant 0 : i32
      %dma_wait3A_70 = tpu.memref_slice %arg10[%dma_wait3A_68, %dma_wait3A_69] : memref<128x128xf32, #tpu.memory_space<vmem>> -> memref<128x128xf32, #tpu.memory_space<vmem>>
      %dma_wait3A_71 = arith.constant 0 : i32
      %dma_wait3A_72 = tpu.memref_slice %arg11[%add3A_40, %dma_wait3A_71] : memref<10240x128xf32, #tpu.memory_space<vmem_shared>> -> memref<128x128xf32, #tpu.memory_space<vmem_shared>>
      tpu.wait_dma2 semaphore(%run_scoped3A : memref<!tpu.dma_semaphore, #tpu.memory_space<semaphore_mem>>) src(%dma_wait3A_72 : memref<128x128xf32, #tpu.memory_space<vmem_shared>>) dst(%dma_wait3A_70 : memref<128x128xf32, #tpu.memory_space<vmem>>)
      tpu.yield
    }) : () -> ()
    %add3A_41 = arith.constant 128 : i32
    %add3A_42 = arith.addi %mul3A_0, %add3A_41 : i32
    "tpu.region"() ({
      %run_scoped3A = tpu.sem_alloc : memref<!tpu.dma_semaphore, #tpu.memory_space<semaphore_mem>>
      %dma_start3A = arith.constant 0 : i32
      %dma_start3A_55 = arith.constant 0 : i32
      %dma_start3A_56 = tpu.memref_slice %arg10[%dma_start3A, %dma_start3A_55] : memref<128x128xf32, #tpu.memory_space<vmem>> -> memref<128x128xf32, #tpu.memory_space<vmem>>
      %dma_start3A_57 = arith.constant 0 : i32
      %dma_start3A_58 = tpu.memref_slice %arg7[%arg0, %add3A_42, %dma_start3A_57] : memref<2x10240x128xf32, #tpu.memory_space<hbm>> -> memref<1x128x128xf32, #tpu.memory_space<hbm>>
      %dma_start3A_59 = tpu.memref_squeeze %dma_start3A_58 : memref<1x128x128xf32, #tpu.memory_space<hbm>> -> memref<128x128xf32, #tpu.memory_space<hbm>>
      %dma_start3A_60 = arith.constant 0 : i32
      %dma_start3A_61 = tpu.memref_slice %arg7[%arg0, %add3A_42, %dma_start3A_60] : memref<2x10240x128xf32, #tpu.memory_space<hbm>> -> memref<1x128x128xf32, #tpu.memory_space<hbm>>
      %dma_start3A_62 = tpu.memref_squeeze %dma_start3A_61 : memref<1x128x128xf32, #tpu.memory_space<hbm>> -> memref<128x128xf32, #tpu.memory_space<hbm>>
      %dma_start3A_63 = arith.constant 0 : i32
      %dma_start3A_64 = arith.constant 0 : i32
      %dma_start3A_65 = tpu.memref_slice %arg10[%dma_start3A_63, %dma_start3A_64] : memref<128x128xf32, #tpu.memory_space<vmem>> -> memref<128x128xf32, #tpu.memory_space<vmem>>
      tpu.enqueue_dma source(%dma_start3A_65 : memref<128x128xf32, #tpu.memory_space<vmem>>) target(%dma_start3A_62 : memref<128x128xf32, #tpu.memory_space<hbm>>) target_semaphore(%run_scoped3A : memref<!tpu.dma_semaphore, #tpu.memory_space<semaphore_mem>>)
      %dma_wait3A = arith.constant 0 : i32
      %dma_wait3A_66 = arith.constant 0 : i32
      %dma_wait3A_67 = tpu.memref_slice %arg10[%dma_wait3A, %dma_wait3A_66] : memref<128x128xf32, #tpu.memory_space<vmem>> -> memref<128x128xf32, #tpu.memory_space<vmem>>
      %dma_wait3A_68 = arith.constant 0 : i32
      %dma_wait3A_69 = tpu.memref_slice %arg7[%arg0, %add3A_42, %dma_wait3A_68] : memref<2x10240x128xf32, #tpu.memory_space<hbm>> -> memref<1x128x128xf32, #tpu.memory_space<hbm>>
      %dma_wait3A_70 = tpu.memref_squeeze %dma_wait3A_69 : memref<1x128x128xf32, #tpu.memory_space<hbm>> -> memref<128x128xf32, #tpu.memory_space<hbm>>
      %dma_wait3A_71 = arith.constant 0 : i32
      %dma_wait3A_72 = tpu.memref_slice %arg7[%arg0, %add3A_42, %dma_wait3A_71] : memref<2x10240x128xf32, #tpu.memory_space<hbm>> -> memref<1x128x128xf32, #tpu.memory_space<hbm>>
      %dma_wait3A_73 = tpu.memref_squeeze %dma_wait3A_72 : memref<1x128x128xf32, #tpu.memory_space<hbm>> -> memref<128x128xf32, #tpu.memory_space<hbm>>
      %dma_wait3A_74 = arith.constant 0 : i32
      %dma_wait3A_75 = arith.constant 0 : i32
      %dma_wait3A_76 = tpu.memref_slice %arg10[%dma_wait3A_74, %dma_wait3A_75] : memref<128x128xf32, #tpu.memory_space<vmem>> -> memref<128x128xf32, #tpu.memory_space<vmem>>
      tpu.wait_dma2 semaphore(%run_scoped3A : memref<!tpu.dma_semaphore, #tpu.memory_space<semaphore_mem>>) src(%dma_wait3A_76 : memref<128x128xf32, #tpu.memory_space<vmem>>) dst(%dma_wait3A_73 : memref<128x128xf32, #tpu.memory_space<hbm>>)
      tpu.yield
    }) : () -> ()
    %add3A_43 = arith.constant 256 : i32
    %add3A_44 = arith.addi %mul3A_0, %add3A_43 : i32
    "tpu.region"() ({
      %run_scoped3A = tpu.sem_alloc : memref<!tpu.dma_semaphore, #tpu.memory_space<semaphore_mem>>
      %dma_start3A = arith.constant 0 : i32
      %dma_start3A_55 = arith.constant 0 : i32
      %dma_start3A_56 = tpu.memref_slice %arg10[%dma_start3A, %dma_start3A_55] : memref<128x128xf32, #tpu.memory_space<vmem>> -> memref<128x128xf32, #tpu.memory_space<vmem>>
      %dma_start3A_57 = arith.constant 0 : i32
      %dma_start3A_58 = tpu.memref_slice %arg11[%add3A_44, %dma_start3A_57] : memref<10240x128xf32, #tpu.memory_space<vmem_shared>> -> memref<128x128xf32, #tpu.memory_space<vmem_shared>>
      %dma_start3A_59 = arith.constant 0 : i32
      %dma_start3A_60 = arith.constant 0 : i32
      %dma_start3A_61 = tpu.memref_slice %arg10[%dma_start3A_59, %dma_start3A_60] : memref<128x128xf32, #tpu.memory_space<vmem>> -> memref<128x128xf32, #tpu.memory_space<vmem>>
      %dma_start3A_62 = arith.constant 0 : i32
      %dma_start3A_63 = tpu.memref_slice %arg11[%add3A_44, %dma_start3A_62] : memref<10240x128xf32, #tpu.memory_space<vmem_shared>> -> memref<128x128xf32, #tpu.memory_space<vmem_shared>>
      tpu.enqueue_dma source(%dma_start3A_63 : memref<128x128xf32, #tpu.memory_space<vmem_shared>>) target(%dma_start3A_61 : memref<128x128xf32, #tpu.memory_space<vmem>>) target_semaphore(%run_scoped3A : memref<!tpu.dma_semaphore, #tpu.memory_space<semaphore_mem>>)
      %dma_wait3A = arith.constant 0 : i32
      %dma_wait3A_64 = arith.constant 0 : i32
      %dma_wait3A_65 = tpu.memref_slice %arg10[%dma_wait3A, %dma_wait3A_64] : memref<128x128xf32, #tpu.memory_space<vmem>> -> memref<128x128xf32, #tpu.memory_space<vmem>>
      %dma_wait3A_66 = arith.constant 0 : i32
      %dma_wait3A_67 = tpu.memref_slice %arg11[%add3A_44, %dma_wait3A_66] : memref<10240x128xf32, #tpu.memory_space<vmem_shared>> -> memref<128x128xf32, #tpu.memory_space<vmem_shared>>
      %dma_wait3A_68 = arith.constant 0 : i32
      %dma_wait3A_69 = arith.constant 0 : i32
      %dma_wait3A_70 = tpu.memref_slice %arg10[%dma_wait3A_68, %dma_wait3A_69] : memref<128x128xf32, #tpu.memory_space<vmem>> -> memref<128x128xf32, #tpu.memory_space<vmem>>
      %dma_wait3A_71 = arith.constant 0 : i32
      %dma_wait3A_72 = tpu.memref_slice %arg11[%add3A_44, %dma_wait3A_71] : memref<10240x128xf32, #tpu.memory_space<vmem_shared>> -> memref<128x128xf32, #tpu.memory_space<vmem_shared>>
      tpu.wait_dma2 semaphore(%run_scoped3A : memref<!tpu.dma_semaphore, #tpu.memory_space<semaphore_mem>>) src(%dma_wait3A_72 : memref<128x128xf32, #tpu.memory_space<vmem_shared>>) dst(%dma_wait3A_70 : memref<128x128xf32, #tpu.memory_space<vmem>>)
      tpu.yield
    }) : () -> ()
    %add3A_45 = arith.constant 256 : i32
    %add3A_46 = arith.addi %mul3A_0, %add3A_45 : i32
    "tpu.region"() ({
      %run_scoped3A = tpu.sem_alloc : memref<!tpu.dma_semaphore, #tpu.memory_space<semaphore_mem>>
      %dma_start3A = arith.constant 0 : i32
      %dma_start3A_55 = arith.constant 0 : i32
      %dma_start3A_56 = tpu.memref_slice %arg10[%dma_start3A, %dma_start3A_55] : memref<128x128xf32, #tpu.memory_space<vmem>> -> memref<128x128xf32, #tpu.memory_space<vmem>>
      %dma_start3A_57 = arith.constant 0 : i32
      %dma_start3A_58 = tpu.memref_slice %arg7[%arg0, %add3A_46, %dma_start3A_57] : memref<2x10240x128xf32, #tpu.memory_space<hbm>> -> memref<1x128x128xf32, #tpu.memory_space<hbm>>
      %dma_start3A_59 = tpu.memref_squeeze %dma_start3A_58 : memref<1x128x128xf32, #tpu.memory_space<hbm>> -> memref<128x128xf32, #tpu.memory_space<hbm>>
      %dma_start3A_60 = arith.constant 0 : i32
      %dma_start3A_61 = tpu.memref_slice %arg7[%arg0, %add3A_46, %dma_start3A_60] : memref<2x10240x128xf32, #tpu.memory_space<hbm>> -> memref<1x128x128xf32, #tpu.memory_space<hbm>>
      %dma_start3A_62 = tpu.memref_squeeze %dma_start3A_61 : memref<1x128x128xf32, #tpu.memory_space<hbm>> -> memref<128x128xf32, #tpu.memory_space<hbm>>
      %dma_start3A_63 = arith.constant 0 : i32
      %dma_start3A_64 = arith.constant 0 : i32
      %dma_start3A_65 = tpu.memref_slice %arg10[%dma_start3A_63, %dma_start3A_64] : memref<128x128xf32, #tpu.memory_space<vmem>> -> memref<128x128xf32, #tpu.memory_space<vmem>>
      tpu.enqueue_dma source(%dma_start3A_65 : memref<128x128xf32, #tpu.memory_space<vmem>>) target(%dma_start3A_62 : memref<128x128xf32, #tpu.memory_space<hbm>>) target_semaphore(%run_scoped3A : memref<!tpu.dma_semaphore, #tpu.memory_space<semaphore_mem>>)
      %dma_wait3A = arith.constant 0 : i32
      %dma_wait3A_66 = arith.constant 0 : i32
      %dma_wait3A_67 = tpu.memref_slice %arg10[%dma_wait3A, %dma_wait3A_66] : memref<128x128xf32, #tpu.memory_space<vmem>> -> memref<128x128xf32, #tpu.memory_space<vmem>>
      %dma_wait3A_68 = arith.constant 0 : i32
      %dma_wait3A_69 = tpu.memref_slice %arg7[%arg0, %add3A_46, %dma_wait3A_68] : memref<2x10240x128xf32, #tpu.memory_space<hbm>> -> memref<1x128x128xf32, #tpu.memory_space<hbm>>
      %dma_wait3A_70 = tpu.memref_squeeze %dma_wait3A_69 : memref<1x128x128xf32, #tpu.memory_space<hbm>> -> memref<128x128xf32, #tpu.memory_space<hbm>>
      %dma_wait3A_71 = arith.constant 0 : i32
      %dma_wait3A_72 = tpu.memref_slice %arg7[%arg0, %add3A_46, %dma_wait3A_71] : memref<2x10240x128xf32, #tpu.memory_space<hbm>> -> memref<1x128x128xf32, #tpu.memory_space<hbm>>
      %dma_wait3A_73 = tpu.memref_squeeze %dma_wait3A_72 : memref<1x128x128xf32, #tpu.memory_space<hbm>> -> memref<128x128xf32, #tpu.memory_space<hbm>>
      %dma_wait3A_74 = arith.constant 0 : i32
      %dma_wait3A_75 = arith.constant 0 : i32
      %dma_wait3A_76 = tpu.memref_slice %arg10[%dma_wait3A_74, %dma_wait3A_75] : memref<128x128xf32, #tpu.memory_space<vmem>> -> memref<128x128xf32, #tpu.memory_space<vmem>>
      tpu.wait_dma2 semaphore(%run_scoped3A : memref<!tpu.dma_semaphore, #tpu.memory_space<semaphore_mem>>) src(%dma_wait3A_76 : memref<128x128xf32, #tpu.memory_space<vmem>>) dst(%dma_wait3A_73 : memref<128x128xf32, #tpu.memory_space<hbm>>)
      tpu.yield
    }) : () -> ()
    %add3A_47 = arith.constant 384 : i32
    %add3A_48 = arith.addi %mul3A_0, %add3A_47 : i32
    "tpu.region"() ({
      %run_scoped3A = tpu.sem_alloc : memref<!tpu.dma_semaphore, #tpu.memory_space<semaphore_mem>>
      %dma_start3A = arith.constant 0 : i32
      %dma_start3A_55 = arith.constant 0 : i32
      %dma_start3A_56 = tpu.memref_slice %arg10[%dma_start3A, %dma_start3A_55] : memref<128x128xf32, #tpu.memory_space<vmem>> -> memref<128x128xf32, #tpu.memory_space<vmem>>
      %dma_start3A_57 = arith.constant 0 : i32
      %dma_start3A_58 = tpu.memref_slice %arg11[%add3A_48, %dma_start3A_57] : memref<10240x128xf32, #tpu.memory_space<vmem_shared>> -> memref<128x128xf32, #tpu.memory_space<vmem_shared>>
      %dma_start3A_59 = arith.constant 0 : i32
      %dma_start3A_60 = arith.constant 0 : i32
      %dma_start3A_61 = tpu.memref_slice %arg10[%dma_start3A_59, %dma_start3A_60] : memref<128x128xf32, #tpu.memory_space<vmem>> -> memref<128x128xf32, #tpu.memory_space<vmem>>
      %dma_start3A_62 = arith.constant 0 : i32
      %dma_start3A_63 = tpu.memref_slice %arg11[%add3A_48, %dma_start3A_62] : memref<10240x128xf32, #tpu.memory_space<vmem_shared>> -> memref<128x128xf32, #tpu.memory_space<vmem_shared>>
      tpu.enqueue_dma source(%dma_start3A_63 : memref<128x128xf32, #tpu.memory_space<vmem_shared>>) target(%dma_start3A_61 : memref<128x128xf32, #tpu.memory_space<vmem>>) target_semaphore(%run_scoped3A : memref<!tpu.dma_semaphore, #tpu.memory_space<semaphore_mem>>)
      %dma_wait3A = arith.constant 0 : i32
      %dma_wait3A_64 = arith.constant 0 : i32
      %dma_wait3A_65 = tpu.memref_slice %arg10[%dma_wait3A, %dma_wait3A_64] : memref<128x128xf32, #tpu.memory_space<vmem>> -> memref<128x128xf32, #tpu.memory_space<vmem>>
      %dma_wait3A_66 = arith.constant 0 : i32
      %dma_wait3A_67 = tpu.memref_slice %arg11[%add3A_48, %dma_wait3A_66] : memref<10240x128xf32, #tpu.memory_space<vmem_shared>> -> memref<128x128xf32, #tpu.memory_space<vmem_shared>>
      %dma_wait3A_68 = arith.constant 0 : i32
      %dma_wait3A_69 = arith.constant 0 : i32
      %dma_wait3A_70 = tpu.memref_slice %arg10[%dma_wait3A_68, %dma_wait3A_69] : memref<128x128xf32, #tpu.memory_space<vmem>> -> memref<128x128xf32, #tpu.memory_space<vmem>>
      %dma_wait3A_71 = arith.constant 0 : i32
      %dma_wait3A_72 = tpu.memref_slice %arg11[%add3A_48, %dma_wait3A_71] : memref<10240x128xf32, #tpu.memory_space<vmem_shared>> -> memref<128x128xf32, #tpu.memory_space<vmem_shared>>
      tpu.wait_dma2 semaphore(%run_scoped3A : memref<!tpu.dma_semaphore, #tpu.memory_space<semaphore_mem>>) src(%dma_wait3A_72 : memref<128x128xf32, #tpu.memory_space<vmem_shared>>) dst(%dma_wait3A_70 : memref<128x128xf32, #tpu.memory_space<vmem>>)
      tpu.yield
    }) : () -> ()
    %add3A_49 = arith.constant 384 : i32
    %add3A_50 = arith.addi %mul3A_0, %add3A_49 : i32
    "tpu.region"() ({
      %run_scoped3A = tpu.sem_alloc : memref<!tpu.dma_semaphore, #tpu.memory_space<semaphore_mem>>
      %dma_start3A = arith.constant 0 : i32
      %dma_start3A_55 = arith.constant 0 : i32
      %dma_start3A_56 = tpu.memref_slice %arg10[%dma_start3A, %dma_start3A_55] : memref<128x128xf32, #tpu.memory_space<vmem>> -> memref<128x128xf32, #tpu.memory_space<vmem>>
      %dma_start3A_57 = arith.constant 0 : i32
      %dma_start3A_58 = tpu.memref_slice %arg7[%arg0, %add3A_50, %dma_start3A_57] : memref<2x10240x128xf32, #tpu.memory_space<hbm>> -> memref<1x128x128xf32, #tpu.memory_space<hbm>>
      %dma_start3A_59 = tpu.memref_squeeze %dma_start3A_58 : memref<1x128x128xf32, #tpu.memory_space<hbm>> -> memref<128x128xf32, #tpu.memory_space<hbm>>
      %dma_start3A_60 = arith.constant 0 : i32
      %dma_start3A_61 = tpu.memref_slice %arg7[%arg0, %add3A_50, %dma_start3A_60] : memref<2x10240x128xf32, #tpu.memory_space<hbm>> -> memref<1x128x128xf32, #tpu.memory_space<hbm>>
      %dma_start3A_62 = tpu.memref_squeeze %dma_start3A_61 : memref<1x128x128xf32, #tpu.memory_space<hbm>> -> memref<128x128xf32, #tpu.memory_space<hbm>>
      %dma_start3A_63 = arith.constant 0 : i32
      %dma_start3A_64 = arith.constant 0 : i32
      %dma_start3A_65 = tpu.memref_slice %arg10[%dma_start3A_63, %dma_start3A_64] : memref<128x128xf32, #tpu.memory_space<vmem>> -> memref<128x128xf32, #tpu.memory_space<vmem>>
      tpu.enqueue_dma source(%dma_start3A_65 : memref<128x128xf32, #tpu.memory_space<vmem>>) target(%dma_start3A_62 : memref<128x128xf32, #tpu.memory_space<hbm>>) target_semaphore(%run_scoped3A : memref<!tpu.dma_semaphore, #tpu.memory_space<semaphore_mem>>)
      %dma_wait3A = arith.constant 0 : i32
      %dma_wait3A_66 = arith.constant 0 : i32
      %dma_wait3A_67 = tpu.memref_slice %arg10[%dma_wait3A, %dma_wait3A_66] : memref<128x128xf32, #tpu.memory_space<vmem>> -> memref<128x128xf32, #tpu.memory_space<vmem>>
      %dma_wait3A_68 = arith.constant 0 : i32
      %dma_wait3A_69 = tpu.memref_slice %arg7[%arg0, %add3A_50, %dma_wait3A_68] : memref<2x10240x128xf32, #tpu.memory_space<hbm>> -> memref<1x128x128xf32, #tpu.memory_space<hbm>>
      %dma_wait3A_70 = tpu.memref_squeeze %dma_wait3A_69 : memref<1x128x128xf32, #tpu.memory_space<hbm>> -> memref<128x128xf32, #tpu.memory_space<hbm>>
      %dma_wait3A_71 = arith.constant 0 : i32
      %dma_wait3A_72 = tpu.memref_slice %arg7[%arg0, %add3A_50, %dma_wait3A_71] : memref<2x10240x128xf32, #tpu.memory_space<hbm>> -> memref<1x128x128xf32, #tpu.memory_space<hbm>>
      %dma_wait3A_73 = tpu.memref_squeeze %dma_wait3A_72 : memref<1x128x128xf32, #tpu.memory_space<hbm>> -> memref<128x128xf32, #tpu.memory_space<hbm>>
      %dma_wait3A_74 = arith.constant 0 : i32
      %dma_wait3A_75 = arith.constant 0 : i32
      %dma_wait3A_76 = tpu.memref_slice %arg10[%dma_wait3A_74, %dma_wait3A_75] : memref<128x128xf32, #tpu.memory_space<vmem>> -> memref<128x128xf32, #tpu.memory_space<vmem>>
      tpu.wait_dma2 semaphore(%run_scoped3A : memref<!tpu.dma_semaphore, #tpu.memory_space<semaphore_mem>>) src(%dma_wait3A_76 : memref<128x128xf32, #tpu.memory_space<vmem>>) dst(%dma_wait3A_73 : memref<128x128xf32, #tpu.memory_space<hbm>>)
      tpu.yield
    }) : () -> ()
    %add3A_51 = arith.constant 512 : i32
    %add3A_52 = arith.addi %mul3A_0, %add3A_51 : i32
    "tpu.region"() ({
      %run_scoped3A = tpu.sem_alloc : memref<!tpu.dma_semaphore, #tpu.memory_space<semaphore_mem>>
      %dma_start3A = arith.constant 0 : i32
      %dma_start3A_55 = arith.constant 0 : i32
      %dma_start3A_56 = tpu.memref_slice %arg10[%dma_start3A, %dma_start3A_55] : memref<128x128xf32, #tpu.memory_space<vmem>> -> memref<128x128xf32, #tpu.memory_space<vmem>>
      %dma_start3A_57 = arith.constant 0 : i32
      %dma_start3A_58 = tpu.memref_slice %arg11[%add3A_52, %dma_start3A_57] : memref<10240x128xf32, #tpu.memory_space<vmem_shared>> -> memref<128x128xf32, #tpu.memory_space<vmem_shared>>
      %dma_start3A_59 = arith.constant 0 : i32
      %dma_start3A_60 = arith.constant 0 : i32
      %dma_start3A_61 = tpu.memref_slice %arg10[%dma_start3A_59, %dma_start3A_60] : memref<128x128xf32, #tpu.memory_space<vmem>> -> memref<128x128xf32, #tpu.memory_space<vmem>>
      %dma_start3A_62 = arith.constant 0 : i32
      %dma_start3A_63 = tpu.memref_slice %arg11[%add3A_52, %dma_start3A_62] : memref<10240x128xf32, #tpu.memory_space<vmem_shared>> -> memref<128x128xf32, #tpu.memory_space<vmem_shared>>
      tpu.enqueue_dma source(%dma_start3A_63 : memref<128x128xf32, #tpu.memory_space<vmem_shared>>) target(%dma_start3A_61 : memref<128x128xf32, #tpu.memory_space<vmem>>) target_semaphore(%run_scoped3A : memref<!tpu.dma_semaphore, #tpu.memory_space<semaphore_mem>>)
      %dma_wait3A = arith.constant 0 : i32
      %dma_wait3A_64 = arith.constant 0 : i32
      %dma_wait3A_65 = tpu.memref_slice %arg10[%dma_wait3A, %dma_wait3A_64] : memref<128x128xf32, #tpu.memory_space<vmem>> -> memref<128x128xf32, #tpu.memory_space<vmem>>
      %dma_wait3A_66 = arith.constant 0 : i32
      %dma_wait3A_67 = tpu.memref_slice %arg11[%add3A_52, %dma_wait3A_66] : memref<10240x128xf32, #tpu.memory_space<vmem_shared>> -> memref<128x128xf32, #tpu.memory_space<vmem_shared>>
      %dma_wait3A_68 = arith.constant 0 : i32
      %dma_wait3A_69 = arith.constant 0 : i32
      %dma_wait3A_70 = tpu.memref_slice %arg10[%dma_wait3A_68, %dma_wait3A_69] : memref<128x128xf32, #tpu.memory_space<vmem>> -> memref<128x128xf32, #tpu.memory_space<vmem>>
      %dma_wait3A_71 = arith.constant 0 : i32
      %dma_wait3A_72 = tpu.memref_slice %arg11[%add3A_52, %dma_wait3A_71] : memref<10240x128xf32, #tpu.memory_space<vmem_shared>> -> memref<128x128xf32, #tpu.memory_space<vmem_shared>>
      tpu.wait_dma2 semaphore(%run_scoped3A : memref<!tpu.dma_semaphore, #tpu.memory_space<semaphore_mem>>) src(%dma_wait3A_72 : memref<128x128xf32, #tpu.memory_space<vmem_shared>>) dst(%dma_wait3A_70 : memref<128x128xf32, #tpu.memory_space<vmem>>)
      tpu.yield
    }) : () -> ()
    %add3A_53 = arith.constant 512 : i32
    %add3A_54 = arith.addi %mul3A_0, %add3A_53 : i32
    "tpu.region"() ({
      %run_scoped3A = tpu.sem_alloc : memref<!tpu.dma_semaphore, #tpu.memory_space<semaphore_mem>>
      %dma_start3A = arith.constant 0 : i32
      %dma_start3A_55 = arith.constant 0 : i32
      %dma_start3A_56 = tpu.memref_slice %arg10[%dma_start3A, %dma_start3A_55] : memref<128x128xf32, #tpu.memory_space<vmem>> -> memref<128x128xf32, #tpu.memory_space<vmem>>
      %dma_start3A_57 = arith.constant 0 : i32
      %dma_start3A_58 = tpu.memref_slice %arg7[%arg0, %add3A_54, %dma_start3A_57] : memref<2x10240x128xf32, #tpu.memory_space<hbm>> -> memref<1x128x128xf32, #tpu.memory_space<hbm>>
      %dma_start3A_59 = tpu.memref_squeeze %dma_start3A_58 : memref<1x128x128xf32, #tpu.memory_space<hbm>> -> memref<128x128xf32, #tpu.memory_space<hbm>>
      %dma_start3A_60 = arith.constant 0 : i32
      %dma_start3A_61 = tpu.memref_slice %arg7[%arg0, %add3A_54, %dma_start3A_60] : memref<2x10240x128xf32, #tpu.memory_space<hbm>> -> memref<1x128x128xf32, #tpu.memory_space<hbm>>
      %dma_start3A_62 = tpu.memref_squeeze %dma_start3A_61 : memref<1x128x128xf32, #tpu.memory_space<hbm>> -> memref<128x128xf32, #tpu.memory_space<hbm>>
      %dma_start3A_63 = arith.constant 0 : i32
      %dma_start3A_64 = arith.constant 0 : i32
      %dma_start3A_65 = tpu.memref_slice %arg10[%dma_start3A_63, %dma_start3A_64] : memref<128x128xf32, #tpu.memory_space<vmem>> -> memref<128x128xf32, #tpu.memory_space<vmem>>
      tpu.enqueue_dma source(%dma_start3A_65 : memref<128x128xf32, #tpu.memory_space<vmem>>) target(%dma_start3A_62 : memref<128x128xf32, #tpu.memory_space<hbm>>) target_semaphore(%run_scoped3A : memref<!tpu.dma_semaphore, #tpu.memory_space<semaphore_mem>>)
      %dma_wait3A = arith.constant 0 : i32
      %dma_wait3A_66 = arith.constant 0 : i32
      %dma_wait3A_67 = tpu.memref_slice %arg10[%dma_wait3A, %dma_wait3A_66] : memref<128x128xf32, #tpu.memory_space<vmem>> -> memref<128x128xf32, #tpu.memory_space<vmem>>
      %dma_wait3A_68 = arith.constant 0 : i32
      %dma_wait3A_69 = tpu.memref_slice %arg7[%arg0, %add3A_54, %dma_wait3A_68] : memref<2x10240x128xf32, #tpu.memory_space<hbm>> -> memref<1x128x128xf32, #tpu.memory_space<hbm>>
      %dma_wait3A_70 = tpu.memref_squeeze %dma_wait3A_69 : memref<1x128x128xf32, #tpu.memory_space<hbm>> -> memref<128x128xf32, #tpu.memory_space<hbm>>
      %dma_wait3A_71 = arith.constant 0 : i32
      %dma_wait3A_72 = tpu.memref_slice %arg7[%arg0, %add3A_54, %dma_wait3A_71] : memref<2x10240x128xf32, #tpu.memory_space<hbm>> -> memref<1x128x128xf32, #tpu.memory_space<hbm>>
      %dma_wait3A_73 = tpu.memref_squeeze %dma_wait3A_72 : memref<1x128x128xf32, #tpu.memory_space<hbm>> -> memref<128x128xf32, #tpu.memory_space<hbm>>
      %dma_wait3A_74 = arith.constant 0 : i32
      %dma_wait3A_75 = arith.constant 0 : i32
      %dma_wait3A_76 = tpu.memref_slice %arg10[%dma_wait3A_74, %dma_wait3A_75] : memref<128x128xf32, #tpu.memory_space<vmem>> -> memref<128x128xf32, #tpu.memory_space<vmem>>
      tpu.wait_dma2 semaphore(%run_scoped3A : memref<!tpu.dma_semaphore, #tpu.memory_space<semaphore_mem>>) src(%dma_wait3A_76 : memref<128x128xf32, #tpu.memory_space<vmem>>) dst(%dma_wait3A_73 : memref<128x128xf32, #tpu.memory_space<hbm>>)
      tpu.yield
    }) : () -> ()
    return
  }
}

#map = affine_map<(d0, d1) -> (0, 0, 0)>
module attributes {stable_mosaic.version = 14 : i64} {
  func.func @sc_deg(%arg0: i32, %arg1: i32, %arg2: memref<32x79x128xi32, #tpu.memory_space<hbm>>, %arg3: memref<2x10240x128xf32, #tpu.memory_space<hbm>>, %arg4: memref<79x128xi32, #tpu.memory_space<vmem>>, %arg5: memref<128x128xf32, #tpu.memory_space<vmem>>, %arg6: memref<10240x128xf32, #tpu.memory_space<vmem_shared>>) attributes {dimension_semantics = [#tpu.dimension_semantics<core_parallel>, #tpu.dimension_semantics<subcore_parallel>], iteration_bounds = array<i64: 2, 16>, scalar_prefetch = 0 : i64, scratch_operands = 3 : i64, tpu.core_type = #tpu.core_type<sc_vector_subcore>, window_params = [{transform_indices = #map}, {transform_indices = #map}]} {
    %mul3A = arith.constant 2 : i32
    %mul3A_0 = arith.muli %arg1, %mul3A : i32
    %add3A = arith.addi %mul3A_0, %arg0 : i32
    %mul3A_1 = arith.constant 640 : i32
    %mul3A_2 = arith.muli %arg1, %mul3A_1 : i32
    %scan3A = arith.constant 0 : i32
    %scan3A_3 = arith.constant 0 : i32
    %scan3A_4 = arith.constant 128 : i32
    %scan3A_5 = arith.addi %scan3A_3, %scan3A_4 : i32
    %scan3A_6 = arith.constant 1 : i32
    scf.for %scan3A_51 = %scan3A_3 to %scan3A_5 step %scan3A_6  : i32 {
      %broadcast_in_dim3A = arith.constant 0.000000e+00 : f32
      %broadcast_in_dim3A_52 = vector.broadcast %broadcast_in_dim3A : f32 to vector<16xf32>
      %swap3A = arith.index_cast %scan3A_51 : i32 to index
      %swap3A_53 = arith.constant 0 : index
      %swap3A_54 = tpu.vector_load %arg5[%swap3A, %swap3A_53] {strides = array<i32>} : memref<128x128xf32, #tpu.memory_space<vmem>>, vector<1x16xf32>,
      %swap3A_55 = vector.shape_cast %swap3A_54 : vector<1x16xf32> to vector<16xf32>
      %swap3A_56 = vector.shape_cast %broadcast_in_dim3A_52 : vector<16xf32> to vector<1x16xf32>
      tpu.vector_store %arg5[%swap3A, %swap3A_53], %swap3A_56 {strides = array<i32>} : memref<128x128xf32, #tpu.memory_space<vmem>>, vector<1x16xf32>,
      %broadcast_in_dim3A_57 = arith.constant 0.000000e+00 : f32
      %broadcast_in_dim3A_58 = vector.broadcast %broadcast_in_dim3A_57 : f32 to vector<16xf32>
      %swap3A_59 = arith.index_cast %scan3A_51 : i32 to index
      %swap3A_60 = arith.constant 16 : index
      %swap3A_61 = tpu.vector_load %arg5[%swap3A_59, %swap3A_60] {strides = array<i32>} : memref<128x128xf32, #tpu.memory_space<vmem>>, vector<1x16xf32>,
      %swap3A_62 = vector.shape_cast %swap3A_61 : vector<1x16xf32> to vector<16xf32>
      %swap3A_63 = vector.shape_cast %broadcast_in_dim3A_58 : vector<16xf32> to vector<1x16xf32>
      tpu.vector_store %arg5[%swap3A_59, %swap3A_60], %swap3A_63 {strides = array<i32>} : memref<128x128xf32, #tpu.memory_space<vmem>>, vector<1x16xf32>,
      %broadcast_in_dim3A_64 = arith.constant 0.000000e+00 : f32
      %broadcast_in_dim3A_65 = vector.broadcast %broadcast_in_dim3A_64 : f32 to vector<16xf32>
      %swap3A_66 = arith.index_cast %scan3A_51 : i32 to index
      %swap3A_67 = arith.constant 32 : index
      %swap3A_68 = tpu.vector_load %arg5[%swap3A_66, %swap3A_67] {strides = array<i32>} : memref<128x128xf32, #tpu.memory_space<vmem>>, vector<1x16xf32>,
      %swap3A_69 = vector.shape_cast %swap3A_68 : vector<1x16xf32> to vector<16xf32>
      %swap3A_70 = vector.shape_cast %broadcast_in_dim3A_65 : vector<16xf32> to vector<1x16xf32>
      tpu.vector_store %arg5[%swap3A_66, %swap3A_67], %swap3A_70 {strides = array<i32>} : memref<128x128xf32, #tpu.memory_space<vmem>>, vector<1x16xf32>,
      %broadcast_in_dim3A_71 = arith.constant 0.000000e+00 : f32
      %broadcast_in_dim3A_72 = vector.broadcast %broadcast_in_dim3A_71 : f32 to vector<16xf32>
      %swap3A_73 = arith.index_cast %scan3A_51 : i32 to index
      %swap3A_74 = arith.constant 48 : index
      %swap3A_75 = tpu.vector_load %arg5[%swap3A_73, %swap3A_74] {strides = array<i32>} : memref<128x128xf32, #tpu.memory_space<vmem>>, vector<1x16xf32>,
      %swap3A_76 = vector.shape_cast %swap3A_75 : vector<1x16xf32> to vector<16xf32>
      %swap3A_77 = vector.shape_cast %broadcast_in_dim3A_72 : vector<16xf32> to vector<1x16xf32>
      tpu.vector_store %arg5[%swap3A_73, %swap3A_74], %swap3A_77 {strides = array<i32>} : memref<128x128xf32, #tpu.memory_space<vmem>>, vector<1x16xf32>,
      %broadcast_in_dim3A_78 = arith.constant 0.000000e+00 : f32
      %broadcast_in_dim3A_79 = vector.broadcast %broadcast_in_dim3A_78 : f32 to vector<16xf32>
      %swap3A_80 = arith.index_cast %scan3A_51 : i32 to index
      %swap3A_81 = arith.constant 64 : index
      %swap3A_82 = tpu.vector_load %arg5[%swap3A_80, %swap3A_81] {strides = array<i32>} : memref<128x128xf32, #tpu.memory_space<vmem>>, vector<1x16xf32>,
      %swap3A_83 = vector.shape_cast %swap3A_82 : vector<1x16xf32> to vector<16xf32>
      %swap3A_84 = vector.shape_cast %broadcast_in_dim3A_79 : vector<16xf32> to vector<1x16xf32>
      tpu.vector_store %arg5[%swap3A_80, %swap3A_81], %swap3A_84 {strides = array<i32>} : memref<128x128xf32, #tpu.memory_space<vmem>>, vector<1x16xf32>,
      %broadcast_in_dim3A_85 = arith.constant 0.000000e+00 : f32
      %broadcast_in_dim3A_86 = vector.broadcast %broadcast_in_dim3A_85 : f32 to vector<16xf32>
      %swap3A_87 = arith.index_cast %scan3A_51 : i32 to index
      %swap3A_88 = arith.constant 80 : index
      %swap3A_89 = tpu.vector_load %arg5[%swap3A_87, %swap3A_88] {strides = array<i32>} : memref<128x128xf32, #tpu.memory_space<vmem>>, vector<1x16xf32>,
      %swap3A_90 = vector.shape_cast %swap3A_89 : vector<1x16xf32> to vector<16xf32>
      %swap3A_91 = vector.shape_cast %broadcast_in_dim3A_86 : vector<16xf32> to vector<1x16xf32>
      tpu.vector_store %arg5[%swap3A_87, %swap3A_88], %swap3A_91 {strides = array<i32>} : memref<128x128xf32, #tpu.memory_space<vmem>>, vector<1x16xf32>,
      %broadcast_in_dim3A_92 = arith.constant 0.000000e+00 : f32
      %broadcast_in_dim3A_93 = vector.broadcast %broadcast_in_dim3A_92 : f32 to vector<16xf32>
      %swap3A_94 = arith.index_cast %scan3A_51 : i32 to index
      %swap3A_95 = arith.constant 96 : index
      %swap3A_96 = tpu.vector_load %arg5[%swap3A_94, %swap3A_95] {strides = array<i32>} : memref<128x128xf32, #tpu.memory_space<vmem>>, vector<1x16xf32>,
      %swap3A_97 = vector.shape_cast %swap3A_96 : vector<1x16xf32> to vector<16xf32>
      %swap3A_98 = vector.shape_cast %broadcast_in_dim3A_93 : vector<16xf32> to vector<1x16xf32>
      tpu.vector_store %arg5[%swap3A_94, %swap3A_95], %swap3A_98 {strides = array<i32>} : memref<128x128xf32, #tpu.memory_space<vmem>>, vector<1x16xf32>,
      %broadcast_in_dim3A_99 = arith.constant 0.000000e+00 : f32
      %broadcast_in_dim3A_100 = vector.broadcast %broadcast_in_dim3A_99 : f32 to vector<16xf32>
      %swap3A_101 = arith.index_cast %scan3A_51 : i32 to index
      %swap3A_102 = arith.constant 112 : index
      %swap3A_103 = tpu.vector_load %arg5[%swap3A_101, %swap3A_102] {strides = array<i32>} : memref<128x128xf32, #tpu.memory_space<vmem>>, vector<1x16xf32>,
      %swap3A_104 = vector.shape_cast %swap3A_103 : vector<1x16xf32> to vector<16xf32>
      %swap3A_105 = vector.shape_cast %broadcast_in_dim3A_100 : vector<16xf32> to vector<1x16xf32>
      tpu.vector_store %arg5[%swap3A_101, %swap3A_102], %swap3A_105 {strides = array<i32>} : memref<128x128xf32, #tpu.memory_space<vmem>>, vector<1x16xf32>,
    }
    %scan3A_7 = arith.constant 128 : i32
    %add3A_8 = arith.constant 0 : i32
    %add3A_9 = arith.addi %mul3A_2, %add3A_8 : i32
    "tpu.region"() ({
      %run_scoped3A = tpu.sem_alloc : memref<!tpu.dma_semaphore, #tpu.memory_space<semaphore_mem>>
      %dma_start3A = arith.constant 0 : i32
      %dma_start3A_51 = arith.constant 0 : i32
      %dma_start3A_52 = tpu.memref_slice %arg5[%dma_start3A, %dma_start3A_51] : memref<128x128xf32, #tpu.memory_space<vmem>> -> memref<128x128xf32, #tpu.memory_space<vmem>>
      %dma_start3A_53 = arith.constant 0 : i32
      %dma_start3A_54 = tpu.memref_slice %arg6[%add3A_9, %dma_start3A_53] : memref<10240x128xf32, #tpu.memory_space<vmem_shared>> -> memref<128x128xf32, #tpu.memory_space<vmem_shared>>
      %dma_start3A_55 = arith.constant 0 : i32
      %dma_start3A_56 = tpu.memref_slice %arg6[%add3A_9, %dma_start3A_55] : memref<10240x128xf32, #tpu.memory_space<vmem_shared>> -> memref<128x128xf32, #tpu.memory_space<vmem_shared>>
      %dma_start3A_57 = arith.constant 0 : i32
      %dma_start3A_58 = arith.constant 0 : i32
      %dma_start3A_59 = tpu.memref_slice %arg5[%dma_start3A_57, %dma_start3A_58] : memref<128x128xf32, #tpu.memory_space<vmem>> -> memref<128x128xf32, #tpu.memory_space<vmem>>
      tpu.enqueue_dma source(%dma_start3A_59 : memref<128x128xf32, #tpu.memory_space<vmem>>) target(%dma_start3A_56 : memref<128x128xf32, #tpu.memory_space<vmem_shared>>) target_semaphore(%run_scoped3A : memref<!tpu.dma_semaphore, #tpu.memory_space<semaphore_mem>>)
      %dma_wait3A = arith.constant 0 : i32
      %dma_wait3A_60 = arith.constant 0 : i32
      %dma_wait3A_61 = tpu.memref_slice %arg5[%dma_wait3A, %dma_wait3A_60] : memref<128x128xf32, #tpu.memory_space<vmem>> -> memref<128x128xf32, #tpu.memory_space<vmem>>
      %dma_wait3A_62 = arith.constant 0 : i32
      %dma_wait3A_63 = tpu.memref_slice %arg6[%add3A_9, %dma_wait3A_62] : memref<10240x128xf32, #tpu.memory_space<vmem_shared>> -> memref<128x128xf32, #tpu.memory_space<vmem_shared>>
      %dma_wait3A_64 = arith.constant 0 : i32
      %dma_wait3A_65 = tpu.memref_slice %arg6[%add3A_9, %dma_wait3A_64] : memref<10240x128xf32, #tpu.memory_space<vmem_shared>> -> memref<128x128xf32, #tpu.memory_space<vmem_shared>>
      %dma_wait3A_66 = arith.constant 0 : i32
      %dma_wait3A_67 = arith.constant 0 : i32
      %dma_wait3A_68 = tpu.memref_slice %arg5[%dma_wait3A_66, %dma_wait3A_67] : memref<128x128xf32, #tpu.memory_space<vmem>> -> memref<128x128xf32, #tpu.memory_space<vmem>>
      tpu.wait_dma2 semaphore(%run_scoped3A : memref<!tpu.dma_semaphore, #tpu.memory_space<semaphore_mem>>) src(%dma_wait3A_68 : memref<128x128xf32, #tpu.memory_space<vmem>>) dst(%dma_wait3A_65 : memref<128x128xf32, #tpu.memory_space<vmem_shared>>)
      tpu.yield
    }) : () -> ()
    %add3A_10 = arith.constant 128 : i32
    %add3A_11 = arith.addi %mul3A_2, %add3A_10 : i32
    "tpu.region"() ({
      %run_scoped3A = tpu.sem_alloc : memref<!tpu.dma_semaphore, #tpu.memory_space<semaphore_mem>>
      %dma_start3A = arith.constant 0 : i32
      %dma_start3A_51 = arith.constant 0 : i32
      %dma_start3A_52 = tpu.memref_slice %arg5[%dma_start3A, %dma_start3A_51] : memref<128x128xf32, #tpu.memory_space<vmem>> -> memref<128x128xf32, #tpu.memory_space<vmem>>
      %dma_start3A_53 = arith.constant 0 : i32
      %dma_start3A_54 = tpu.memref_slice %arg6[%add3A_11, %dma_start3A_53] : memref<10240x128xf32, #tpu.memory_space<vmem_shared>> -> memref<128x128xf32, #tpu.memory_space<vmem_shared>>
      %dma_start3A_55 = arith.constant 0 : i32
      %dma_start3A_56 = tpu.memref_slice %arg6[%add3A_11, %dma_start3A_55] : memref<10240x128xf32, #tpu.memory_space<vmem_shared>> -> memref<128x128xf32, #tpu.memory_space<vmem_shared>>
      %dma_start3A_57 = arith.constant 0 : i32
      %dma_start3A_58 = arith.constant 0 : i32
      %dma_start3A_59 = tpu.memref_slice %arg5[%dma_start3A_57, %dma_start3A_58] : memref<128x128xf32, #tpu.memory_space<vmem>> -> memref<128x128xf32, #tpu.memory_space<vmem>>
      tpu.enqueue_dma source(%dma_start3A_59 : memref<128x128xf32, #tpu.memory_space<vmem>>) target(%dma_start3A_56 : memref<128x128xf32, #tpu.memory_space<vmem_shared>>) target_semaphore(%run_scoped3A : memref<!tpu.dma_semaphore, #tpu.memory_space<semaphore_mem>>)
      %dma_wait3A = arith.constant 0 : i32
      %dma_wait3A_60 = arith.constant 0 : i32
      %dma_wait3A_61 = tpu.memref_slice %arg5[%dma_wait3A, %dma_wait3A_60] : memref<128x128xf32, #tpu.memory_space<vmem>> -> memref<128x128xf32, #tpu.memory_space<vmem>>
      %dma_wait3A_62 = arith.constant 0 : i32
      %dma_wait3A_63 = tpu.memref_slice %arg6[%add3A_11, %dma_wait3A_62] : memref<10240x128xf32, #tpu.memory_space<vmem_shared>> -> memref<128x128xf32, #tpu.memory_space<vmem_shared>>
      %dma_wait3A_64 = arith.constant 0 : i32
      %dma_wait3A_65 = tpu.memref_slice %arg6[%add3A_11, %dma_wait3A_64] : memref<10240x128xf32, #tpu.memory_space<vmem_shared>> -> memref<128x128xf32, #tpu.memory_space<vmem_shared>>
      %dma_wait3A_66 = arith.constant 0 : i32
      %dma_wait3A_67 = arith.constant 0 : i32
      %dma_wait3A_68 = tpu.memref_slice %arg5[%dma_wait3A_66, %dma_wait3A_67] : memref<128x128xf32, #tpu.memory_space<vmem>> -> memref<128x128xf32, #tpu.memory_space<vmem>>
      tpu.wait_dma2 semaphore(%run_scoped3A : memref<!tpu.dma_semaphore, #tpu.memory_space<semaphore_mem>>) src(%dma_wait3A_68 : memref<128x128xf32, #tpu.memory_space<vmem>>) dst(%dma_wait3A_65 : memref<128x128xf32, #tpu.memory_space<vmem_shared>>)
      tpu.yield
    }) : () -> ()
    %add3A_12 = arith.constant 256 : i32
    %add3A_13 = arith.addi %mul3A_2, %add3A_12 : i32
    "tpu.region"() ({
      %run_scoped3A = tpu.sem_alloc : memref<!tpu.dma_semaphore, #tpu.memory_space<semaphore_mem>>
      %dma_start3A = arith.constant 0 : i32
      %dma_start3A_51 = arith.constant 0 : i32
      %dma_start3A_52 = tpu.memref_slice %arg5[%dma_start3A, %dma_start3A_51] : memref<128x128xf32, #tpu.memory_space<vmem>> -> memref<128x128xf32, #tpu.memory_space<vmem>>
      %dma_start3A_53 = arith.constant 0 : i32
      %dma_start3A_54 = tpu.memref_slice %arg6[%add3A_13, %dma_start3A_53] : memref<10240x128xf32, #tpu.memory_space<vmem_shared>> -> memref<128x128xf32, #tpu.memory_space<vmem_shared>>
      %dma_start3A_55 = arith.constant 0 : i32
      %dma_start3A_56 = tpu.memref_slice %arg6[%add3A_13, %dma_start3A_55] : memref<10240x128xf32, #tpu.memory_space<vmem_shared>> -> memref<128x128xf32, #tpu.memory_space<vmem_shared>>
      %dma_start3A_57 = arith.constant 0 : i32
      %dma_start3A_58 = arith.constant 0 : i32
      %dma_start3A_59 = tpu.memref_slice %arg5[%dma_start3A_57, %dma_start3A_58] : memref<128x128xf32, #tpu.memory_space<vmem>> -> memref<128x128xf32, #tpu.memory_space<vmem>>
      tpu.enqueue_dma source(%dma_start3A_59 : memref<128x128xf32, #tpu.memory_space<vmem>>) target(%dma_start3A_56 : memref<128x128xf32, #tpu.memory_space<vmem_shared>>) target_semaphore(%run_scoped3A : memref<!tpu.dma_semaphore, #tpu.memory_space<semaphore_mem>>)
      %dma_wait3A = arith.constant 0 : i32
      %dma_wait3A_60 = arith.constant 0 : i32
      %dma_wait3A_61 = tpu.memref_slice %arg5[%dma_wait3A, %dma_wait3A_60] : memref<128x128xf32, #tpu.memory_space<vmem>> -> memref<128x128xf32, #tpu.memory_space<vmem>>
      %dma_wait3A_62 = arith.constant 0 : i32
      %dma_wait3A_63 = tpu.memref_slice %arg6[%add3A_13, %dma_wait3A_62] : memref<10240x128xf32, #tpu.memory_space<vmem_shared>> -> memref<128x128xf32, #tpu.memory_space<vmem_shared>>
      %dma_wait3A_64 = arith.constant 0 : i32
      %dma_wait3A_65 = tpu.memref_slice %arg6[%add3A_13, %dma_wait3A_64] : memref<10240x128xf32, #tpu.memory_space<vmem_shared>> -> memref<128x128xf32, #tpu.memory_space<vmem_shared>>
      %dma_wait3A_66 = arith.constant 0 : i32
      %dma_wait3A_67 = arith.constant 0 : i32
      %dma_wait3A_68 = tpu.memref_slice %arg5[%dma_wait3A_66, %dma_wait3A_67] : memref<128x128xf32, #tpu.memory_space<vmem>> -> memref<128x128xf32, #tpu.memory_space<vmem>>
      tpu.wait_dma2 semaphore(%run_scoped3A : memref<!tpu.dma_semaphore, #tpu.memory_space<semaphore_mem>>) src(%dma_wait3A_68 : memref<128x128xf32, #tpu.memory_space<vmem>>) dst(%dma_wait3A_65 : memref<128x128xf32, #tpu.memory_space<vmem_shared>>)
      tpu.yield
    }) : () -> ()
    %add3A_14 = arith.constant 384 : i32
    %add3A_15 = arith.addi %mul3A_2, %add3A_14 : i32
    "tpu.region"() ({
      %run_scoped3A = tpu.sem_alloc : memref<!tpu.dma_semaphore, #tpu.memory_space<semaphore_mem>>
      %dma_start3A = arith.constant 0 : i32
      %dma_start3A_51 = arith.constant 0 : i32
      %dma_start3A_52 = tpu.memref_slice %arg5[%dma_start3A, %dma_start3A_51] : memref<128x128xf32, #tpu.memory_space<vmem>> -> memref<128x128xf32, #tpu.memory_space<vmem>>
      %dma_start3A_53 = arith.constant 0 : i32
      %dma_start3A_54 = tpu.memref_slice %arg6[%add3A_15, %dma_start3A_53] : memref<10240x128xf32, #tpu.memory_space<vmem_shared>> -> memref<128x128xf32, #tpu.memory_space<vmem_shared>>
      %dma_start3A_55 = arith.constant 0 : i32
      %dma_start3A_56 = tpu.memref_slice %arg6[%add3A_15, %dma_start3A_55] : memref<10240x128xf32, #tpu.memory_space<vmem_shared>> -> memref<128x128xf32, #tpu.memory_space<vmem_shared>>
      %dma_start3A_57 = arith.constant 0 : i32
      %dma_start3A_58 = arith.constant 0 : i32
      %dma_start3A_59 = tpu.memref_slice %arg5[%dma_start3A_57, %dma_start3A_58] : memref<128x128xf32, #tpu.memory_space<vmem>> -> memref<128x128xf32, #tpu.memory_space<vmem>>
      tpu.enqueue_dma source(%dma_start3A_59 : memref<128x128xf32, #tpu.memory_space<vmem>>) target(%dma_start3A_56 : memref<128x128xf32, #tpu.memory_space<vmem_shared>>) target_semaphore(%run_scoped3A : memref<!tpu.dma_semaphore, #tpu.memory_space<semaphore_mem>>)
      %dma_wait3A = arith.constant 0 : i32
      %dma_wait3A_60 = arith.constant 0 : i32
      %dma_wait3A_61 = tpu.memref_slice %arg5[%dma_wait3A, %dma_wait3A_60] : memref<128x128xf32, #tpu.memory_space<vmem>> -> memref<128x128xf32, #tpu.memory_space<vmem>>
      %dma_wait3A_62 = arith.constant 0 : i32
      %dma_wait3A_63 = tpu.memref_slice %arg6[%add3A_15, %dma_wait3A_62] : memref<10240x128xf32, #tpu.memory_space<vmem_shared>> -> memref<128x128xf32, #tpu.memory_space<vmem_shared>>
      %dma_wait3A_64 = arith.constant 0 : i32
      %dma_wait3A_65 = tpu.memref_slice %arg6[%add3A_15, %dma_wait3A_64] : memref<10240x128xf32, #tpu.memory_space<vmem_shared>> -> memref<128x128xf32, #tpu.memory_space<vmem_shared>>
      %dma_wait3A_66 = arith.constant 0 : i32
      %dma_wait3A_67 = arith.constant 0 : i32
      %dma_wait3A_68 = tpu.memref_slice %arg5[%dma_wait3A_66, %dma_wait3A_67] : memref<128x128xf32, #tpu.memory_space<vmem>> -> memref<128x128xf32, #tpu.memory_space<vmem>>
      tpu.wait_dma2 semaphore(%run_scoped3A : memref<!tpu.dma_semaphore, #tpu.memory_space<semaphore_mem>>) src(%dma_wait3A_68 : memref<128x128xf32, #tpu.memory_space<vmem>>) dst(%dma_wait3A_65 : memref<128x128xf32, #tpu.memory_space<vmem_shared>>)
      tpu.yield
    }) : () -> ()
    %add3A_16 = arith.constant 512 : i32
    %add3A_17 = arith.addi %mul3A_2, %add3A_16 : i32
    "tpu.region"() ({
      %run_scoped3A = tpu.sem_alloc : memref<!tpu.dma_semaphore, #tpu.memory_space<semaphore_mem>>
      %dma_start3A = arith.constant 0 : i32
      %dma_start3A_51 = arith.constant 0 : i32
      %dma_start3A_52 = tpu.memref_slice %arg5[%dma_start3A, %dma_start3A_51] : memref<128x128xf32, #tpu.memory_space<vmem>> -> memref<128x128xf32, #tpu.memory_space<vmem>>
      %dma_start3A_53 = arith.constant 0 : i32
      %dma_start3A_54 = tpu.memref_slice %arg6[%add3A_17, %dma_start3A_53] : memref<10240x128xf32, #tpu.memory_space<vmem_shared>> -> memref<128x128xf32, #tpu.memory_space<vmem_shared>>
      %dma_start3A_55 = arith.constant 0 : i32
      %dma_start3A_56 = tpu.memref_slice %arg6[%add3A_17, %dma_start3A_55] : memref<10240x128xf32, #tpu.memory_space<vmem_shared>> -> memref<128x128xf32, #tpu.memory_space<vmem_shared>>
      %dma_start3A_57 = arith.constant 0 : i32
      %dma_start3A_58 = arith.constant 0 : i32
      %dma_start3A_59 = tpu.memref_slice %arg5[%dma_start3A_57, %dma_start3A_58] : memref<128x128xf32, #tpu.memory_space<vmem>> -> memref<128x128xf32, #tpu.memory_space<vmem>>
      tpu.enqueue_dma source(%dma_start3A_59 : memref<128x128xf32, #tpu.memory_space<vmem>>) target(%dma_start3A_56 : memref<128x128xf32, #tpu.memory_space<vmem_shared>>) target_semaphore(%run_scoped3A : memref<!tpu.dma_semaphore, #tpu.memory_space<semaphore_mem>>)
      %dma_wait3A = arith.constant 0 : i32
      %dma_wait3A_60 = arith.constant 0 : i32
      %dma_wait3A_61 = tpu.memref_slice %arg5[%dma_wait3A, %dma_wait3A_60] : memref<128x128xf32, #tpu.memory_space<vmem>> -> memref<128x128xf32, #tpu.memory_space<vmem>>
      %dma_wait3A_62 = arith.constant 0 : i32
      %dma_wait3A_63 = tpu.memref_slice %arg6[%add3A_17, %dma_wait3A_62] : memref<10240x128xf32, #tpu.memory_space<vmem_shared>> -> memref<128x128xf32, #tpu.memory_space<vmem_shared>>
      %dma_wait3A_64 = arith.constant 0 : i32
      %dma_wait3A_65 = tpu.memref_slice %arg6[%add3A_17, %dma_wait3A_64] : memref<10240x128xf32, #tpu.memory_space<vmem_shared>> -> memref<128x128xf32, #tpu.memory_space<vmem_shared>>
      %dma_wait3A_66 = arith.constant 0 : i32
      %dma_wait3A_67 = arith.constant 0 : i32
      %dma_wait3A_68 = tpu.memref_slice %arg5[%dma_wait3A_66, %dma_wait3A_67] : memref<128x128xf32, #tpu.memory_space<vmem>> -> memref<128x128xf32, #tpu.memory_space<vmem>>
      tpu.wait_dma2 semaphore(%run_scoped3A : memref<!tpu.dma_semaphore, #tpu.memory_space<semaphore_mem>>) src(%dma_wait3A_68 : memref<128x128xf32, #tpu.memory_space<vmem>>) dst(%dma_wait3A_65 : memref<128x128xf32, #tpu.memory_space<vmem_shared>>)
      tpu.yield
    }) : () -> ()
    %scan3A_18 = arith.constant 0 : i32
    %scan3A_19 = arith.constant 0 : i32
    %scan3A_20 = arith.constant 128 : i32
    %scan3A_21 = arith.addi %scan3A_19, %scan3A_20 : i32
    %scan3A_22 = arith.constant 1 : i32
    scf.for %scan3A_51 = %scan3A_19 to %scan3A_21 step %scan3A_22  : i32 {
      %broadcast_in_dim3A = arith.constant 1.000000e+00 : f32
      %broadcast_in_dim3A_52 = vector.broadcast %broadcast_in_dim3A : f32 to vector<16xf32>
      %swap3A = arith.index_cast %scan3A_51 : i32 to index
      %swap3A_53 = arith.constant 0 : index
      %swap3A_54 = tpu.vector_load %arg5[%swap3A, %swap3A_53] {strides = array<i32>} : memref<128x128xf32, #tpu.memory_space<vmem>>, vector<1x16xf32>,
      %swap3A_55 = vector.shape_cast %swap3A_54 : vector<1x16xf32> to vector<16xf32>
      %swap3A_56 = vector.shape_cast %broadcast_in_dim3A_52 : vector<16xf32> to vector<1x16xf32>
      tpu.vector_store %arg5[%swap3A, %swap3A_53], %swap3A_56 {strides = array<i32>} : memref<128x128xf32, #tpu.memory_space<vmem>>, vector<1x16xf32>,
      %broadcast_in_dim3A_57 = arith.constant 1.000000e+00 : f32
      %broadcast_in_dim3A_58 = vector.broadcast %broadcast_in_dim3A_57 : f32 to vector<16xf32>
      %swap3A_59 = arith.index_cast %scan3A_51 : i32 to index
      %swap3A_60 = arith.constant 16 : index
      %swap3A_61 = tpu.vector_load %arg5[%swap3A_59, %swap3A_60] {strides = array<i32>} : memref<128x128xf32, #tpu.memory_space<vmem>>, vector<1x16xf32>,
      %swap3A_62 = vector.shape_cast %swap3A_61 : vector<1x16xf32> to vector<16xf32>
      %swap3A_63 = vector.shape_cast %broadcast_in_dim3A_58 : vector<16xf32> to vector<1x16xf32>
      tpu.vector_store %arg5[%swap3A_59, %swap3A_60], %swap3A_63 {strides = array<i32>} : memref<128x128xf32, #tpu.memory_space<vmem>>, vector<1x16xf32>,
      %broadcast_in_dim3A_64 = arith.constant 1.000000e+00 : f32
      %broadcast_in_dim3A_65 = vector.broadcast %broadcast_in_dim3A_64 : f32 to vector<16xf32>
      %swap3A_66 = arith.index_cast %scan3A_51 : i32 to index
      %swap3A_67 = arith.constant 32 : index
      %swap3A_68 = tpu.vector_load %arg5[%swap3A_66, %swap3A_67] {strides = array<i32>} : memref<128x128xf32, #tpu.memory_space<vmem>>, vector<1x16xf32>,
      %swap3A_69 = vector.shape_cast %swap3A_68 : vector<1x16xf32> to vector<16xf32>
      %swap3A_70 = vector.shape_cast %broadcast_in_dim3A_65 : vector<16xf32> to vector<1x16xf32>
      tpu.vector_store %arg5[%swap3A_66, %swap3A_67], %swap3A_70 {strides = array<i32>} : memref<128x128xf32, #tpu.memory_space<vmem>>, vector<1x16xf32>,
      %broadcast_in_dim3A_71 = arith.constant 1.000000e+00 : f32
      %broadcast_in_dim3A_72 = vector.broadcast %broadcast_in_dim3A_71 : f32 to vector<16xf32>
      %swap3A_73 = arith.index_cast %scan3A_51 : i32 to index
      %swap3A_74 = arith.constant 48 : index
      %swap3A_75 = tpu.vector_load %arg5[%swap3A_73, %swap3A_74] {strides = array<i32>} : memref<128x128xf32, #tpu.memory_space<vmem>>, vector<1x16xf32>,
      %swap3A_76 = vector.shape_cast %swap3A_75 : vector<1x16xf32> to vector<16xf32>
      %swap3A_77 = vector.shape_cast %broadcast_in_dim3A_72 : vector<16xf32> to vector<1x16xf32>
      tpu.vector_store %arg5[%swap3A_73, %swap3A_74], %swap3A_77 {strides = array<i32>} : memref<128x128xf32, #tpu.memory_space<vmem>>, vector<1x16xf32>,
      %broadcast_in_dim3A_78 = arith.constant 1.000000e+00 : f32
      %broadcast_in_dim3A_79 = vector.broadcast %broadcast_in_dim3A_78 : f32 to vector<16xf32>
      %swap3A_80 = arith.index_cast %scan3A_51 : i32 to index
      %swap3A_81 = arith.constant 64 : index
      %swap3A_82 = tpu.vector_load %arg5[%swap3A_80, %swap3A_81] {strides = array<i32>} : memref<128x128xf32, #tpu.memory_space<vmem>>, vector<1x16xf32>,
      %swap3A_83 = vector.shape_cast %swap3A_82 : vector<1x16xf32> to vector<16xf32>
      %swap3A_84 = vector.shape_cast %broadcast_in_dim3A_79 : vector<16xf32> to vector<1x16xf32>
      tpu.vector_store %arg5[%swap3A_80, %swap3A_81], %swap3A_84 {strides = array<i32>} : memref<128x128xf32, #tpu.memory_space<vmem>>, vector<1x16xf32>,
      %broadcast_in_dim3A_85 = arith.constant 1.000000e+00 : f32
      %broadcast_in_dim3A_86 = vector.broadcast %broadcast_in_dim3A_85 : f32 to vector<16xf32>
      %swap3A_87 = arith.index_cast %scan3A_51 : i32 to index
      %swap3A_88 = arith.constant 80 : index
      %swap3A_89 = tpu.vector_load %arg5[%swap3A_87, %swap3A_88] {strides = array<i32>} : memref<128x128xf32, #tpu.memory_space<vmem>>, vector<1x16xf32>,
      %swap3A_90 = vector.shape_cast %swap3A_89 : vector<1x16xf32> to vector<16xf32>
      %swap3A_91 = vector.shape_cast %broadcast_in_dim3A_86 : vector<16xf32> to vector<1x16xf32>
      tpu.vector_store %arg5[%swap3A_87, %swap3A_88], %swap3A_91 {strides = array<i32>} : memref<128x128xf32, #tpu.memory_space<vmem>>, vector<1x16xf32>,
      %broadcast_in_dim3A_92 = arith.constant 1.000000e+00 : f32
      %broadcast_in_dim3A_93 = vector.broadcast %broadcast_in_dim3A_92 : f32 to vector<16xf32>
      %swap3A_94 = arith.index_cast %scan3A_51 : i32 to index
      %swap3A_95 = arith.constant 96 : index
      %swap3A_96 = tpu.vector_load %arg5[%swap3A_94, %swap3A_95] {strides = array<i32>} : memref<128x128xf32, #tpu.memory_space<vmem>>, vector<1x16xf32>,
      %swap3A_97 = vector.shape_cast %swap3A_96 : vector<1x16xf32> to vector<16xf32>
      %swap3A_98 = vector.shape_cast %broadcast_in_dim3A_93 : vector<16xf32> to vector<1x16xf32>
      tpu.vector_store %arg5[%swap3A_94, %swap3A_95], %swap3A_98 {strides = array<i32>} : memref<128x128xf32, #tpu.memory_space<vmem>>, vector<1x16xf32>,
      %broadcast_in_dim3A_99 = arith.constant 1.000000e+00 : f32
      %broadcast_in_dim3A_100 = vector.broadcast %broadcast_in_dim3A_99 : f32 to vector<16xf32>
      %swap3A_101 = arith.index_cast %scan3A_51 : i32 to index
      %swap3A_102 = arith.constant 112 : index
      %swap3A_103 = tpu.vector_load %arg5[%swap3A_101, %swap3A_102] {strides = array<i32>} : memref<128x128xf32, #tpu.memory_space<vmem>>, vector<1x16xf32>,
      %swap3A_104 = vector.shape_cast %swap3A_103 : vector<1x16xf32> to vector<16xf32>
      %swap3A_105 = vector.shape_cast %broadcast_in_dim3A_100 : vector<16xf32> to vector<1x16xf32>
      tpu.vector_store %arg5[%swap3A_101, %swap3A_102], %swap3A_105 {strides = array<i32>} : memref<128x128xf32, #tpu.memory_space<vmem>>, vector<1x16xf32>,
    }
    %scan3A_23 = arith.constant 128 : i32
    %barrier3A = arith.constant 0 : index
    tpu.barrier barrier_id(%barrier3A)
    "tpu.region"() ({
      %run_scoped3A = tpu.sem_alloc : memref<!tpu.dma_semaphore, #tpu.memory_space<semaphore_mem>>
      %dma_start3A = arith.constant 0 : i32
      %dma_start3A_51 = arith.constant 0 : i32
      %dma_start3A_52 = tpu.memref_slice %arg2[%add3A, %dma_start3A, %dma_start3A_51] : memref<32x79x128xi32, #tpu.memory_space<hbm>> -> memref<1x79x128xi32, #tpu.memory_space<hbm>>
      %dma_start3A_53 = tpu.memref_squeeze %dma_start3A_52 : memref<1x79x128xi32, #tpu.memory_space<hbm>> -> memref<79x128xi32, #tpu.memory_space<hbm>>
      %dma_start3A_54 = arith.constant 0 : i32
      %dma_start3A_55 = arith.constant 0 : i32
      %dma_start3A_56 = tpu.memref_slice %arg2[%add3A, %dma_start3A_54, %dma_start3A_55] : memref<32x79x128xi32, #tpu.memory_space<hbm>> -> memref<1x79x128xi32, #tpu.memory_space<hbm>>
      %dma_start3A_57 = tpu.memref_squeeze %dma_start3A_56 : memref<1x79x128xi32, #tpu.memory_space<hbm>> -> memref<79x128xi32, #tpu.memory_space<hbm>>
      tpu.enqueue_dma source(%dma_start3A_57 : memref<79x128xi32, #tpu.memory_space<hbm>>) target(%arg4 : memref<79x128xi32, #tpu.memory_space<vmem>>) target_semaphore(%run_scoped3A : memref<!tpu.dma_semaphore, #tpu.memory_space<semaphore_mem>>)
      %dma_wait3A = arith.constant 0 : i32
      %dma_wait3A_58 = arith.constant 0 : i32
      %dma_wait3A_59 = tpu.memref_slice %arg2[%add3A, %dma_wait3A, %dma_wait3A_58] : memref<32x79x128xi32, #tpu.memory_space<hbm>> -> memref<1x79x128xi32, #tpu.memory_space<hbm>>
      %dma_wait3A_60 = tpu.memref_squeeze %dma_wait3A_59 : memref<1x79x128xi32, #tpu.memory_space<hbm>> -> memref<79x128xi32, #tpu.memory_space<hbm>>
      %dma_wait3A_61 = arith.constant 0 : i32
      %dma_wait3A_62 = arith.constant 0 : i32
      %dma_wait3A_63 = tpu.memref_slice %arg2[%add3A, %dma_wait3A_61, %dma_wait3A_62] : memref<32x79x128xi32, #tpu.memory_space<hbm>> -> memref<1x79x128xi32, #tpu.memory_space<hbm>>
      %dma_wait3A_64 = tpu.memref_squeeze %dma_wait3A_63 : memref<1x79x128xi32, #tpu.memory_space<hbm>> -> memref<79x128xi32, #tpu.memory_space<hbm>>
      tpu.wait_dma2 semaphore(%run_scoped3A : memref<!tpu.dma_semaphore, #tpu.memory_space<semaphore_mem>>) src(%dma_wait3A_64 : memref<79x128xi32, #tpu.memory_space<hbm>>) dst(%arg4 : memref<79x128xi32, #tpu.memory_space<vmem>>)
      tpu.yield
    }) : () -> ()
    %scan3A_24 = arith.constant 0 : i32
    %scan3A_25 = arith.constant 0 : i32
    %scan3A_26 = arith.constant 79 : i32
    %scan3A_27 = arith.addi %scan3A_25, %scan3A_26 : i32
    %scan3A_28 = arith.constant 1 : i32
    scf.for %scan3A_51 = %scan3A_25 to %scan3A_27 step %scan3A_28  : i32 {
      "tpu.region"() ({
        %run_scoped3A = tpu.sem_alloc : memref<!tpu.dma_semaphore, #tpu.memory_space<semaphore_mem>>
        %dma_start3A = arith.constant 0 : i32
        %dma_start3A_52 = tpu.memref_slice %arg4[%scan3A_51, %dma_start3A] : memref<79x128xi32, #tpu.memory_space<vmem>> -> memref<1x128xi32, #tpu.memory_space<vmem>>
        %dma_start3A_53 = tpu.memref_squeeze %dma_start3A_52 : memref<1x128xi32, #tpu.memory_space<vmem>> -> memref<128xi32, #tpu.memory_space<vmem>>
        %dma_start3A_54 = arith.constant 0 : i32
        %dma_start3A_55 = arith.constant 0 : i32
        %dma_start3A_56 = tpu.memref_slice %arg6[%dma_start3A_54, %dma_start3A_55] : memref<10240x128xf32, #tpu.memory_space<vmem_shared>> -> memref<10240x128xf32, #tpu.memory_space<vmem_shared>>
        tpu.enqueue_indirect_dma source(%arg5 : memref<128x128xf32, #tpu.memory_space<vmem>>) target(%dma_start3A_56 : memref<10240x128xf32, #tpu.memory_space<vmem_shared>>) offsets(%dma_start3A_53 : memref<128xi32, #tpu.memory_space<vmem>>) semaphore(%run_scoped3A : memref<!tpu.dma_semaphore, #tpu.memory_space<semaphore_mem>>) {add = true}
        %dma_wait3A = arith.constant 0 : i32
        %dma_wait3A_57 = tpu.memref_slice %arg4[%scan3A_51, %dma_wait3A] : memref<79x128xi32, #tpu.memory_space<vmem>> -> memref<1x128xi32, #tpu.memory_space<vmem>>
        %dma_wait3A_58 = tpu.memref_squeeze %dma_wait3A_57 : memref<1x128xi32, #tpu.memory_space<vmem>> -> memref<128xi32, #tpu.memory_space<vmem>>
        %dma_wait3A_59 = arith.constant 0 : i32
        %dma_wait3A_60 = arith.constant 0 : i32
        %dma_wait3A_61 = tpu.memref_slice %arg6[%dma_wait3A_59, %dma_wait3A_60] : memref<10240x128xf32, #tpu.memory_space<vmem_shared>> -> memref<10240x128xf32, #tpu.memory_space<vmem_shared>>
        tpu.wait_indirect_dma semaphore(%run_scoped3A : memref<!tpu.dma_semaphore, #tpu.memory_space<semaphore_mem>>) src(%arg5 : memref<128x128xf32, #tpu.memory_space<vmem>>) dst(%dma_wait3A_61 : memref<10240x128xf32, #tpu.memory_space<vmem_shared>>)
        tpu.yield
      }) : () -> ()
    }
    %scan3A_29 = arith.constant 79 : i32
    %barrier3A_30 = arith.constant 0 : index
    tpu.barrier barrier_id(%barrier3A_30)
    %add3A_31 = arith.constant 0 : i32
    %add3A_32 = arith.addi %mul3A_2, %add3A_31 : i32
    "tpu.region"() ({
      %run_scoped3A = tpu.sem_alloc : memref<!tpu.dma_semaphore, #tpu.memory_space<semaphore_mem>>
      %dma_start3A = arith.constant 0 : i32
      %dma_start3A_51 = arith.constant 0 : i32
      %dma_start3A_52 = tpu.memref_slice %arg5[%dma_start3A, %dma_start3A_51] : memref<128x128xf32, #tpu.memory_space<vmem>> -> memref<128x128xf32, #tpu.memory_space<vmem>>
      %dma_start3A_53 = arith.constant 0 : i32
      %dma_start3A_54 = tpu.memref_slice %arg6[%add3A_32, %dma_start3A_53] : memref<10240x128xf32, #tpu.memory_space<vmem_shared>> -> memref<128x128xf32, #tpu.memory_space<vmem_shared>>
      %dma_start3A_55 = arith.constant 0 : i32
      %dma_start3A_56 = arith.constant 0 : i32
      %dma_start3A_57 = tpu.memref_slice %arg5[%dma_start3A_55, %dma_start3A_56] : memref<128x128xf32, #tpu.memory_space<vmem>> -> memref<128x128xf32, #tpu.memory_space<vmem>>
      %dma_start3A_58 = arith.constant 0 : i32
      %dma_start3A_59 = tpu.memref_slice %arg6[%add3A_32, %dma_start3A_58] : memref<10240x128xf32, #tpu.memory_space<vmem_shared>> -> memref<128x128xf32, #tpu.memory_space<vmem_shared>>
      tpu.enqueue_dma source(%dma_start3A_59 : memref<128x128xf32, #tpu.memory_space<vmem_shared>>) target(%dma_start3A_57 : memref<128x128xf32, #tpu.memory_space<vmem>>) target_semaphore(%run_scoped3A : memref<!tpu.dma_semaphore, #tpu.memory_space<semaphore_mem>>)
      %dma_wait3A = arith.constant 0 : i32
      %dma_wait3A_60 = arith.constant 0 : i32
      %dma_wait3A_61 = tpu.memref_slice %arg5[%dma_wait3A, %dma_wait3A_60] : memref<128x128xf32, #tpu.memory_space<vmem>> -> memref<128x128xf32, #tpu.memory_space<vmem>>
      %dma_wait3A_62 = arith.constant 0 : i32
      %dma_wait3A_63 = tpu.memref_slice %arg6[%add3A_32, %dma_wait3A_62] : memref<10240x128xf32, #tpu.memory_space<vmem_shared>> -> memref<128x128xf32, #tpu.memory_space<vmem_shared>>
      %dma_wait3A_64 = arith.constant 0 : i32
      %dma_wait3A_65 = arith.constant 0 : i32
      %dma_wait3A_66 = tpu.memref_slice %arg5[%dma_wait3A_64, %dma_wait3A_65] : memref<128x128xf32, #tpu.memory_space<vmem>> -> memref<128x128xf32, #tpu.memory_space<vmem>>
      %dma_wait3A_67 = arith.constant 0 : i32
      %dma_wait3A_68 = tpu.memref_slice %arg6[%add3A_32, %dma_wait3A_67] : memref<10240x128xf32, #tpu.memory_space<vmem_shared>> -> memref<128x128xf32, #tpu.memory_space<vmem_shared>>
      tpu.wait_dma2 semaphore(%run_scoped3A : memref<!tpu.dma_semaphore, #tpu.memory_space<semaphore_mem>>) src(%dma_wait3A_68 : memref<128x128xf32, #tpu.memory_space<vmem_shared>>) dst(%dma_wait3A_66 : memref<128x128xf32, #tpu.memory_space<vmem>>)
      tpu.yield
    }) : () -> ()
    %add3A_33 = arith.constant 0 : i32
    %add3A_34 = arith.addi %mul3A_2, %add3A_33 : i32
    "tpu.region"() ({
      %run_scoped3A = tpu.sem_alloc : memref<!tpu.dma_semaphore, #tpu.memory_space<semaphore_mem>>
      %dma_start3A = arith.constant 0 : i32
      %dma_start3A_51 = arith.constant 0 : i32
      %dma_start3A_52 = tpu.memref_slice %arg5[%dma_start3A, %dma_start3A_51] : memref<128x128xf32, #tpu.memory_space<vmem>> -> memref<128x128xf32, #tpu.memory_space<vmem>>
      %dma_start3A_53 = arith.constant 0 : i32
      %dma_start3A_54 = tpu.memref_slice %arg3[%arg0, %add3A_34, %dma_start3A_53] : memref<2x10240x128xf32, #tpu.memory_space<hbm>> -> memref<1x128x128xf32, #tpu.memory_space<hbm>>
      %dma_start3A_55 = tpu.memref_squeeze %dma_start3A_54 : memref<1x128x128xf32, #tpu.memory_space<hbm>> -> memref<128x128xf32, #tpu.memory_space<hbm>>
      %dma_start3A_56 = arith.constant 0 : i32
      %dma_start3A_57 = tpu.memref_slice %arg3[%arg0, %add3A_34, %dma_start3A_56] : memref<2x10240x128xf32, #tpu.memory_space<hbm>> -> memref<1x128x128xf32, #tpu.memory_space<hbm>>
      %dma_start3A_58 = tpu.memref_squeeze %dma_start3A_57 : memref<1x128x128xf32, #tpu.memory_space<hbm>> -> memref<128x128xf32, #tpu.memory_space<hbm>>
      %dma_start3A_59 = arith.constant 0 : i32
      %dma_start3A_60 = arith.constant 0 : i32
      %dma_start3A_61 = tpu.memref_slice %arg5[%dma_start3A_59, %dma_start3A_60] : memref<128x128xf32, #tpu.memory_space<vmem>> -> memref<128x128xf32, #tpu.memory_space<vmem>>
      tpu.enqueue_dma source(%dma_start3A_61 : memref<128x128xf32, #tpu.memory_space<vmem>>) target(%dma_start3A_58 : memref<128x128xf32, #tpu.memory_space<hbm>>) target_semaphore(%run_scoped3A : memref<!tpu.dma_semaphore, #tpu.memory_space<semaphore_mem>>)
      %dma_wait3A = arith.constant 0 : i32
      %dma_wait3A_62 = arith.constant 0 : i32
      %dma_wait3A_63 = tpu.memref_slice %arg5[%dma_wait3A, %dma_wait3A_62] : memref<128x128xf32, #tpu.memory_space<vmem>> -> memref<128x128xf32, #tpu.memory_space<vmem>>
      %dma_wait3A_64 = arith.constant 0 : i32
      %dma_wait3A_65 = tpu.memref_slice %arg3[%arg0, %add3A_34, %dma_wait3A_64] : memref<2x10240x128xf32, #tpu.memory_space<hbm>> -> memref<1x128x128xf32, #tpu.memory_space<hbm>>
      %dma_wait3A_66 = tpu.memref_squeeze %dma_wait3A_65 : memref<1x128x128xf32, #tpu.memory_space<hbm>> -> memref<128x128xf32, #tpu.memory_space<hbm>>
      %dma_wait3A_67 = arith.constant 0 : i32
      %dma_wait3A_68 = tpu.memref_slice %arg3[%arg0, %add3A_34, %dma_wait3A_67] : memref<2x10240x128xf32, #tpu.memory_space<hbm>> -> memref<1x128x128xf32, #tpu.memory_space<hbm>>
      %dma_wait3A_69 = tpu.memref_squeeze %dma_wait3A_68 : memref<1x128x128xf32, #tpu.memory_space<hbm>> -> memref<128x128xf32, #tpu.memory_space<hbm>>
      %dma_wait3A_70 = arith.constant 0 : i32
      %dma_wait3A_71 = arith.constant 0 : i32
      %dma_wait3A_72 = tpu.memref_slice %arg5[%dma_wait3A_70, %dma_wait3A_71] : memref<128x128xf32, #tpu.memory_space<vmem>> -> memref<128x128xf32, #tpu.memory_space<vmem>>
      tpu.wait_dma2 semaphore(%run_scoped3A : memref<!tpu.dma_semaphore, #tpu.memory_space<semaphore_mem>>) src(%dma_wait3A_72 : memref<128x128xf32, #tpu.memory_space<vmem>>) dst(%dma_wait3A_69 : memref<128x128xf32, #tpu.memory_space<hbm>>)
      tpu.yield
    }) : () -> ()
    %add3A_35 = arith.constant 128 : i32
    %add3A_36 = arith.addi %mul3A_2, %add3A_35 : i32
    "tpu.region"() ({
      %run_scoped3A = tpu.sem_alloc : memref<!tpu.dma_semaphore, #tpu.memory_space<semaphore_mem>>
      %dma_start3A = arith.constant 0 : i32
      %dma_start3A_51 = arith.constant 0 : i32
      %dma_start3A_52 = tpu.memref_slice %arg5[%dma_start3A, %dma_start3A_51] : memref<128x128xf32, #tpu.memory_space<vmem>> -> memref<128x128xf32, #tpu.memory_space<vmem>>
      %dma_start3A_53 = arith.constant 0 : i32
      %dma_start3A_54 = tpu.memref_slice %arg6[%add3A_36, %dma_start3A_53] : memref<10240x128xf32, #tpu.memory_space<vmem_shared>> -> memref<128x128xf32, #tpu.memory_space<vmem_shared>>
      %dma_start3A_55 = arith.constant 0 : i32
      %dma_start3A_56 = arith.constant 0 : i32
      %dma_start3A_57 = tpu.memref_slice %arg5[%dma_start3A_55, %dma_start3A_56] : memref<128x128xf32, #tpu.memory_space<vmem>> -> memref<128x128xf32, #tpu.memory_space<vmem>>
      %dma_start3A_58 = arith.constant 0 : i32
      %dma_start3A_59 = tpu.memref_slice %arg6[%add3A_36, %dma_start3A_58] : memref<10240x128xf32, #tpu.memory_space<vmem_shared>> -> memref<128x128xf32, #tpu.memory_space<vmem_shared>>
      tpu.enqueue_dma source(%dma_start3A_59 : memref<128x128xf32, #tpu.memory_space<vmem_shared>>) target(%dma_start3A_57 : memref<128x128xf32, #tpu.memory_space<vmem>>) target_semaphore(%run_scoped3A : memref<!tpu.dma_semaphore, #tpu.memory_space<semaphore_mem>>)
      %dma_wait3A = arith.constant 0 : i32
      %dma_wait3A_60 = arith.constant 0 : i32
      %dma_wait3A_61 = tpu.memref_slice %arg5[%dma_wait3A, %dma_wait3A_60] : memref<128x128xf32, #tpu.memory_space<vmem>> -> memref<128x128xf32, #tpu.memory_space<vmem>>
      %dma_wait3A_62 = arith.constant 0 : i32
      %dma_wait3A_63 = tpu.memref_slice %arg6[%add3A_36, %dma_wait3A_62] : memref<10240x128xf32, #tpu.memory_space<vmem_shared>> -> memref<128x128xf32, #tpu.memory_space<vmem_shared>>
      %dma_wait3A_64 = arith.constant 0 : i32
      %dma_wait3A_65 = arith.constant 0 : i32
      %dma_wait3A_66 = tpu.memref_slice %arg5[%dma_wait3A_64, %dma_wait3A_65] : memref<128x128xf32, #tpu.memory_space<vmem>> -> memref<128x128xf32, #tpu.memory_space<vmem>>
      %dma_wait3A_67 = arith.constant 0 : i32
      %dma_wait3A_68 = tpu.memref_slice %arg6[%add3A_36, %dma_wait3A_67] : memref<10240x128xf32, #tpu.memory_space<vmem_shared>> -> memref<128x128xf32, #tpu.memory_space<vmem_shared>>
      tpu.wait_dma2 semaphore(%run_scoped3A : memref<!tpu.dma_semaphore, #tpu.memory_space<semaphore_mem>>) src(%dma_wait3A_68 : memref<128x128xf32, #tpu.memory_space<vmem_shared>>) dst(%dma_wait3A_66 : memref<128x128xf32, #tpu.memory_space<vmem>>)
      tpu.yield
    }) : () -> ()
    %add3A_37 = arith.constant 128 : i32
    %add3A_38 = arith.addi %mul3A_2, %add3A_37 : i32
    "tpu.region"() ({
      %run_scoped3A = tpu.sem_alloc : memref<!tpu.dma_semaphore, #tpu.memory_space<semaphore_mem>>
      %dma_start3A = arith.constant 0 : i32
      %dma_start3A_51 = arith.constant 0 : i32
      %dma_start3A_52 = tpu.memref_slice %arg5[%dma_start3A, %dma_start3A_51] : memref<128x128xf32, #tpu.memory_space<vmem>> -> memref<128x128xf32, #tpu.memory_space<vmem>>
      %dma_start3A_53 = arith.constant 0 : i32
      %dma_start3A_54 = tpu.memref_slice %arg3[%arg0, %add3A_38, %dma_start3A_53] : memref<2x10240x128xf32, #tpu.memory_space<hbm>> -> memref<1x128x128xf32, #tpu.memory_space<hbm>>
      %dma_start3A_55 = tpu.memref_squeeze %dma_start3A_54 : memref<1x128x128xf32, #tpu.memory_space<hbm>> -> memref<128x128xf32, #tpu.memory_space<hbm>>
      %dma_start3A_56 = arith.constant 0 : i32
      %dma_start3A_57 = tpu.memref_slice %arg3[%arg0, %add3A_38, %dma_start3A_56] : memref<2x10240x128xf32, #tpu.memory_space<hbm>> -> memref<1x128x128xf32, #tpu.memory_space<hbm>>
      %dma_start3A_58 = tpu.memref_squeeze %dma_start3A_57 : memref<1x128x128xf32, #tpu.memory_space<hbm>> -> memref<128x128xf32, #tpu.memory_space<hbm>>
      %dma_start3A_59 = arith.constant 0 : i32
      %dma_start3A_60 = arith.constant 0 : i32
      %dma_start3A_61 = tpu.memref_slice %arg5[%dma_start3A_59, %dma_start3A_60] : memref<128x128xf32, #tpu.memory_space<vmem>> -> memref<128x128xf32, #tpu.memory_space<vmem>>
      tpu.enqueue_dma source(%dma_start3A_61 : memref<128x128xf32, #tpu.memory_space<vmem>>) target(%dma_start3A_58 : memref<128x128xf32, #tpu.memory_space<hbm>>) target_semaphore(%run_scoped3A : memref<!tpu.dma_semaphore, #tpu.memory_space<semaphore_mem>>)
      %dma_wait3A = arith.constant 0 : i32
      %dma_wait3A_62 = arith.constant 0 : i32
      %dma_wait3A_63 = tpu.memref_slice %arg5[%dma_wait3A, %dma_wait3A_62] : memref<128x128xf32, #tpu.memory_space<vmem>> -> memref<128x128xf32, #tpu.memory_space<vmem>>
      %dma_wait3A_64 = arith.constant 0 : i32
      %dma_wait3A_65 = tpu.memref_slice %arg3[%arg0, %add3A_38, %dma_wait3A_64] : memref<2x10240x128xf32, #tpu.memory_space<hbm>> -> memref<1x128x128xf32, #tpu.memory_space<hbm>>
      %dma_wait3A_66 = tpu.memref_squeeze %dma_wait3A_65 : memref<1x128x128xf32, #tpu.memory_space<hbm>> -> memref<128x128xf32, #tpu.memory_space<hbm>>
      %dma_wait3A_67 = arith.constant 0 : i32
      %dma_wait3A_68 = tpu.memref_slice %arg3[%arg0, %add3A_38, %dma_wait3A_67] : memref<2x10240x128xf32, #tpu.memory_space<hbm>> -> memref<1x128x128xf32, #tpu.memory_space<hbm>>
      %dma_wait3A_69 = tpu.memref_squeeze %dma_wait3A_68 : memref<1x128x128xf32, #tpu.memory_space<hbm>> -> memref<128x128xf32, #tpu.memory_space<hbm>>
      %dma_wait3A_70 = arith.constant 0 : i32
      %dma_wait3A_71 = arith.constant 0 : i32
      %dma_wait3A_72 = tpu.memref_slice %arg5[%dma_wait3A_70, %dma_wait3A_71] : memref<128x128xf32, #tpu.memory_space<vmem>> -> memref<128x128xf32, #tpu.memory_space<vmem>>
      tpu.wait_dma2 semaphore(%run_scoped3A : memref<!tpu.dma_semaphore, #tpu.memory_space<semaphore_mem>>) src(%dma_wait3A_72 : memref<128x128xf32, #tpu.memory_space<vmem>>) dst(%dma_wait3A_69 : memref<128x128xf32, #tpu.memory_space<hbm>>)
      tpu.yield
    }) : () -> ()
    %add3A_39 = arith.constant 256 : i32
    %add3A_40 = arith.addi %mul3A_2, %add3A_39 : i32
    "tpu.region"() ({
      %run_scoped3A = tpu.sem_alloc : memref<!tpu.dma_semaphore, #tpu.memory_space<semaphore_mem>>
      %dma_start3A = arith.constant 0 : i32
      %dma_start3A_51 = arith.constant 0 : i32
      %dma_start3A_52 = tpu.memref_slice %arg5[%dma_start3A, %dma_start3A_51] : memref<128x128xf32, #tpu.memory_space<vmem>> -> memref<128x128xf32, #tpu.memory_space<vmem>>
      %dma_start3A_53 = arith.constant 0 : i32
      %dma_start3A_54 = tpu.memref_slice %arg6[%add3A_40, %dma_start3A_53] : memref<10240x128xf32, #tpu.memory_space<vmem_shared>> -> memref<128x128xf32, #tpu.memory_space<vmem_shared>>
      %dma_start3A_55 = arith.constant 0 : i32
      %dma_start3A_56 = arith.constant 0 : i32
      %dma_start3A_57 = tpu.memref_slice %arg5[%dma_start3A_55, %dma_start3A_56] : memref<128x128xf32, #tpu.memory_space<vmem>> -> memref<128x128xf32, #tpu.memory_space<vmem>>
      %dma_start3A_58 = arith.constant 0 : i32
      %dma_start3A_59 = tpu.memref_slice %arg6[%add3A_40, %dma_start3A_58] : memref<10240x128xf32, #tpu.memory_space<vmem_shared>> -> memref<128x128xf32, #tpu.memory_space<vmem_shared>>
      tpu.enqueue_dma source(%dma_start3A_59 : memref<128x128xf32, #tpu.memory_space<vmem_shared>>) target(%dma_start3A_57 : memref<128x128xf32, #tpu.memory_space<vmem>>) target_semaphore(%run_scoped3A : memref<!tpu.dma_semaphore, #tpu.memory_space<semaphore_mem>>)
      %dma_wait3A = arith.constant 0 : i32
      %dma_wait3A_60 = arith.constant 0 : i32
      %dma_wait3A_61 = tpu.memref_slice %arg5[%dma_wait3A, %dma_wait3A_60] : memref<128x128xf32, #tpu.memory_space<vmem>> -> memref<128x128xf32, #tpu.memory_space<vmem>>
      %dma_wait3A_62 = arith.constant 0 : i32
      %dma_wait3A_63 = tpu.memref_slice %arg6[%add3A_40, %dma_wait3A_62] : memref<10240x128xf32, #tpu.memory_space<vmem_shared>> -> memref<128x128xf32, #tpu.memory_space<vmem_shared>>
      %dma_wait3A_64 = arith.constant 0 : i32
      %dma_wait3A_65 = arith.constant 0 : i32
      %dma_wait3A_66 = tpu.memref_slice %arg5[%dma_wait3A_64, %dma_wait3A_65] : memref<128x128xf32, #tpu.memory_space<vmem>> -> memref<128x128xf32, #tpu.memory_space<vmem>>
      %dma_wait3A_67 = arith.constant 0 : i32
      %dma_wait3A_68 = tpu.memref_slice %arg6[%add3A_40, %dma_wait3A_67] : memref<10240x128xf32, #tpu.memory_space<vmem_shared>> -> memref<128x128xf32, #tpu.memory_space<vmem_shared>>
      tpu.wait_dma2 semaphore(%run_scoped3A : memref<!tpu.dma_semaphore, #tpu.memory_space<semaphore_mem>>) src(%dma_wait3A_68 : memref<128x128xf32, #tpu.memory_space<vmem_shared>>) dst(%dma_wait3A_66 : memref<128x128xf32, #tpu.memory_space<vmem>>)
      tpu.yield
    }) : () -> ()
    %add3A_41 = arith.constant 256 : i32
    %add3A_42 = arith.addi %mul3A_2, %add3A_41 : i32
    "tpu.region"() ({
      %run_scoped3A = tpu.sem_alloc : memref<!tpu.dma_semaphore, #tpu.memory_space<semaphore_mem>>
      %dma_start3A = arith.constant 0 : i32
      %dma_start3A_51 = arith.constant 0 : i32
      %dma_start3A_52 = tpu.memref_slice %arg5[%dma_start3A, %dma_start3A_51] : memref<128x128xf32, #tpu.memory_space<vmem>> -> memref<128x128xf32, #tpu.memory_space<vmem>>
      %dma_start3A_53 = arith.constant 0 : i32
      %dma_start3A_54 = tpu.memref_slice %arg3[%arg0, %add3A_42, %dma_start3A_53] : memref<2x10240x128xf32, #tpu.memory_space<hbm>> -> memref<1x128x128xf32, #tpu.memory_space<hbm>>
      %dma_start3A_55 = tpu.memref_squeeze %dma_start3A_54 : memref<1x128x128xf32, #tpu.memory_space<hbm>> -> memref<128x128xf32, #tpu.memory_space<hbm>>
      %dma_start3A_56 = arith.constant 0 : i32
      %dma_start3A_57 = tpu.memref_slice %arg3[%arg0, %add3A_42, %dma_start3A_56] : memref<2x10240x128xf32, #tpu.memory_space<hbm>> -> memref<1x128x128xf32, #tpu.memory_space<hbm>>
      %dma_start3A_58 = tpu.memref_squeeze %dma_start3A_57 : memref<1x128x128xf32, #tpu.memory_space<hbm>> -> memref<128x128xf32, #tpu.memory_space<hbm>>
      %dma_start3A_59 = arith.constant 0 : i32
      %dma_start3A_60 = arith.constant 0 : i32
      %dma_start3A_61 = tpu.memref_slice %arg5[%dma_start3A_59, %dma_start3A_60] : memref<128x128xf32, #tpu.memory_space<vmem>> -> memref<128x128xf32, #tpu.memory_space<vmem>>
      tpu.enqueue_dma source(%dma_start3A_61 : memref<128x128xf32, #tpu.memory_space<vmem>>) target(%dma_start3A_58 : memref<128x128xf32, #tpu.memory_space<hbm>>) target_semaphore(%run_scoped3A : memref<!tpu.dma_semaphore, #tpu.memory_space<semaphore_mem>>)
      %dma_wait3A = arith.constant 0 : i32
      %dma_wait3A_62 = arith.constant 0 : i32
      %dma_wait3A_63 = tpu.memref_slice %arg5[%dma_wait3A, %dma_wait3A_62] : memref<128x128xf32, #tpu.memory_space<vmem>> -> memref<128x128xf32, #tpu.memory_space<vmem>>
      %dma_wait3A_64 = arith.constant 0 : i32
      %dma_wait3A_65 = tpu.memref_slice %arg3[%arg0, %add3A_42, %dma_wait3A_64] : memref<2x10240x128xf32, #tpu.memory_space<hbm>> -> memref<1x128x128xf32, #tpu.memory_space<hbm>>
      %dma_wait3A_66 = tpu.memref_squeeze %dma_wait3A_65 : memref<1x128x128xf32, #tpu.memory_space<hbm>> -> memref<128x128xf32, #tpu.memory_space<hbm>>
      %dma_wait3A_67 = arith.constant 0 : i32
      %dma_wait3A_68 = tpu.memref_slice %arg3[%arg0, %add3A_42, %dma_wait3A_67] : memref<2x10240x128xf32, #tpu.memory_space<hbm>> -> memref<1x128x128xf32, #tpu.memory_space<hbm>>
      %dma_wait3A_69 = tpu.memref_squeeze %dma_wait3A_68 : memref<1x128x128xf32, #tpu.memory_space<hbm>> -> memref<128x128xf32, #tpu.memory_space<hbm>>
      %dma_wait3A_70 = arith.constant 0 : i32
      %dma_wait3A_71 = arith.constant 0 : i32
      %dma_wait3A_72 = tpu.memref_slice %arg5[%dma_wait3A_70, %dma_wait3A_71] : memref<128x128xf32, #tpu.memory_space<vmem>> -> memref<128x128xf32, #tpu.memory_space<vmem>>
      tpu.wait_dma2 semaphore(%run_scoped3A : memref<!tpu.dma_semaphore, #tpu.memory_space<semaphore_mem>>) src(%dma_wait3A_72 : memref<128x128xf32, #tpu.memory_space<vmem>>) dst(%dma_wait3A_69 : memref<128x128xf32, #tpu.memory_space<hbm>>)
      tpu.yield
    }) : () -> ()
    %add3A_43 = arith.constant 384 : i32
    %add3A_44 = arith.addi %mul3A_2, %add3A_43 : i32
    "tpu.region"() ({
      %run_scoped3A = tpu.sem_alloc : memref<!tpu.dma_semaphore, #tpu.memory_space<semaphore_mem>>
      %dma_start3A = arith.constant 0 : i32
      %dma_start3A_51 = arith.constant 0 : i32
      %dma_start3A_52 = tpu.memref_slice %arg5[%dma_start3A, %dma_start3A_51] : memref<128x128xf32, #tpu.memory_space<vmem>> -> memref<128x128xf32, #tpu.memory_space<vmem>>
      %dma_start3A_53 = arith.constant 0 : i32
      %dma_start3A_54 = tpu.memref_slice %arg6[%add3A_44, %dma_start3A_53] : memref<10240x128xf32, #tpu.memory_space<vmem_shared>> -> memref<128x128xf32, #tpu.memory_space<vmem_shared>>
      %dma_start3A_55 = arith.constant 0 : i32
      %dma_start3A_56 = arith.constant 0 : i32
      %dma_start3A_57 = tpu.memref_slice %arg5[%dma_start3A_55, %dma_start3A_56] : memref<128x128xf32, #tpu.memory_space<vmem>> -> memref<128x128xf32, #tpu.memory_space<vmem>>
      %dma_start3A_58 = arith.constant 0 : i32
      %dma_start3A_59 = tpu.memref_slice %arg6[%add3A_44, %dma_start3A_58] : memref<10240x128xf32, #tpu.memory_space<vmem_shared>> -> memref<128x128xf32, #tpu.memory_space<vmem_shared>>
      tpu.enqueue_dma source(%dma_start3A_59 : memref<128x128xf32, #tpu.memory_space<vmem_shared>>) target(%dma_start3A_57 : memref<128x128xf32, #tpu.memory_space<vmem>>) target_semaphore(%run_scoped3A : memref<!tpu.dma_semaphore, #tpu.memory_space<semaphore_mem>>)
      %dma_wait3A = arith.constant 0 : i32
      %dma_wait3A_60 = arith.constant 0 : i32
      %dma_wait3A_61 = tpu.memref_slice %arg5[%dma_wait3A, %dma_wait3A_60] : memref<128x128xf32, #tpu.memory_space<vmem>> -> memref<128x128xf32, #tpu.memory_space<vmem>>
      %dma_wait3A_62 = arith.constant 0 : i32
      %dma_wait3A_63 = tpu.memref_slice %arg6[%add3A_44, %dma_wait3A_62] : memref<10240x128xf32, #tpu.memory_space<vmem_shared>> -> memref<128x128xf32, #tpu.memory_space<vmem_shared>>
      %dma_wait3A_64 = arith.constant 0 : i32
      %dma_wait3A_65 = arith.constant 0 : i32
      %dma_wait3A_66 = tpu.memref_slice %arg5[%dma_wait3A_64, %dma_wait3A_65] : memref<128x128xf32, #tpu.memory_space<vmem>> -> memref<128x128xf32, #tpu.memory_space<vmem>>
      %dma_wait3A_67 = arith.constant 0 : i32
      %dma_wait3A_68 = tpu.memref_slice %arg6[%add3A_44, %dma_wait3A_67] : memref<10240x128xf32, #tpu.memory_space<vmem_shared>> -> memref<128x128xf32, #tpu.memory_space<vmem_shared>>
      tpu.wait_dma2 semaphore(%run_scoped3A : memref<!tpu.dma_semaphore, #tpu.memory_space<semaphore_mem>>) src(%dma_wait3A_68 : memref<128x128xf32, #tpu.memory_space<vmem_shared>>) dst(%dma_wait3A_66 : memref<128x128xf32, #tpu.memory_space<vmem>>)
      tpu.yield
    }) : () -> ()
    %add3A_45 = arith.constant 384 : i32
    %add3A_46 = arith.addi %mul3A_2, %add3A_45 : i32
    "tpu.region"() ({
      %run_scoped3A = tpu.sem_alloc : memref<!tpu.dma_semaphore, #tpu.memory_space<semaphore_mem>>
      %dma_start3A = arith.constant 0 : i32
      %dma_start3A_51 = arith.constant 0 : i32
      %dma_start3A_52 = tpu.memref_slice %arg5[%dma_start3A, %dma_start3A_51] : memref<128x128xf32, #tpu.memory_space<vmem>> -> memref<128x128xf32, #tpu.memory_space<vmem>>
      %dma_start3A_53 = arith.constant 0 : i32
      %dma_start3A_54 = tpu.memref_slice %arg3[%arg0, %add3A_46, %dma_start3A_53] : memref<2x10240x128xf32, #tpu.memory_space<hbm>> -> memref<1x128x128xf32, #tpu.memory_space<hbm>>
      %dma_start3A_55 = tpu.memref_squeeze %dma_start3A_54 : memref<1x128x128xf32, #tpu.memory_space<hbm>> -> memref<128x128xf32, #tpu.memory_space<hbm>>
      %dma_start3A_56 = arith.constant 0 : i32
      %dma_start3A_57 = tpu.memref_slice %arg3[%arg0, %add3A_46, %dma_start3A_56] : memref<2x10240x128xf32, #tpu.memory_space<hbm>> -> memref<1x128x128xf32, #tpu.memory_space<hbm>>
      %dma_start3A_58 = tpu.memref_squeeze %dma_start3A_57 : memref<1x128x128xf32, #tpu.memory_space<hbm>> -> memref<128x128xf32, #tpu.memory_space<hbm>>
      %dma_start3A_59 = arith.constant 0 : i32
      %dma_start3A_60 = arith.constant 0 : i32
      %dma_start3A_61 = tpu.memref_slice %arg5[%dma_start3A_59, %dma_start3A_60] : memref<128x128xf32, #tpu.memory_space<vmem>> -> memref<128x128xf32, #tpu.memory_space<vmem>>
      tpu.enqueue_dma source(%dma_start3A_61 : memref<128x128xf32, #tpu.memory_space<vmem>>) target(%dma_start3A_58 : memref<128x128xf32, #tpu.memory_space<hbm>>) target_semaphore(%run_scoped3A : memref<!tpu.dma_semaphore, #tpu.memory_space<semaphore_mem>>)
      %dma_wait3A = arith.constant 0 : i32
      %dma_wait3A_62 = arith.constant 0 : i32
      %dma_wait3A_63 = tpu.memref_slice %arg5[%dma_wait3A, %dma_wait3A_62] : memref<128x128xf32, #tpu.memory_space<vmem>> -> memref<128x128xf32, #tpu.memory_space<vmem>>
      %dma_wait3A_64 = arith.constant 0 : i32
      %dma_wait3A_65 = tpu.memref_slice %arg3[%arg0, %add3A_46, %dma_wait3A_64] : memref<2x10240x128xf32, #tpu.memory_space<hbm>> -> memref<1x128x128xf32, #tpu.memory_space<hbm>>
      %dma_wait3A_66 = tpu.memref_squeeze %dma_wait3A_65 : memref<1x128x128xf32, #tpu.memory_space<hbm>> -> memref<128x128xf32, #tpu.memory_space<hbm>>
      %dma_wait3A_67 = arith.constant 0 : i32
      %dma_wait3A_68 = tpu.memref_slice %arg3[%arg0, %add3A_46, %dma_wait3A_67] : memref<2x10240x128xf32, #tpu.memory_space<hbm>> -> memref<1x128x128xf32, #tpu.memory_space<hbm>>
      %dma_wait3A_69 = tpu.memref_squeeze %dma_wait3A_68 : memref<1x128x128xf32, #tpu.memory_space<hbm>> -> memref<128x128xf32, #tpu.memory_space<hbm>>
      %dma_wait3A_70 = arith.constant 0 : i32
      %dma_wait3A_71 = arith.constant 0 : i32
      %dma_wait3A_72 = tpu.memref_slice %arg5[%dma_wait3A_70, %dma_wait3A_71] : memref<128x128xf32, #tpu.memory_space<vmem>> -> memref<128x128xf32, #tpu.memory_space<vmem>>
      tpu.wait_dma2 semaphore(%run_scoped3A : memref<!tpu.dma_semaphore, #tpu.memory_space<semaphore_mem>>) src(%dma_wait3A_72 : memref<128x128xf32, #tpu.memory_space<vmem>>) dst(%dma_wait3A_69 : memref<128x128xf32, #tpu.memory_space<hbm>>)
      tpu.yield
    }) : () -> ()
    %add3A_47 = arith.constant 512 : i32
    %add3A_48 = arith.addi %mul3A_2, %add3A_47 : i32
    "tpu.region"() ({
      %run_scoped3A = tpu.sem_alloc : memref<!tpu.dma_semaphore, #tpu.memory_space<semaphore_mem>>
      %dma_start3A = arith.constant 0 : i32
      %dma_start3A_51 = arith.constant 0 : i32
      %dma_start3A_52 = tpu.memref_slice %arg5[%dma_start3A, %dma_start3A_51] : memref<128x128xf32, #tpu.memory_space<vmem>> -> memref<128x128xf32, #tpu.memory_space<vmem>>
      %dma_start3A_53 = arith.constant 0 : i32
      %dma_start3A_54 = tpu.memref_slice %arg6[%add3A_48, %dma_start3A_53] : memref<10240x128xf32, #tpu.memory_space<vmem_shared>> -> memref<128x128xf32, #tpu.memory_space<vmem_shared>>
      %dma_start3A_55 = arith.constant 0 : i32
      %dma_start3A_56 = arith.constant 0 : i32
      %dma_start3A_57 = tpu.memref_slice %arg5[%dma_start3A_55, %dma_start3A_56] : memref<128x128xf32, #tpu.memory_space<vmem>> -> memref<128x128xf32, #tpu.memory_space<vmem>>
      %dma_start3A_58 = arith.constant 0 : i32
      %dma_start3A_59 = tpu.memref_slice %arg6[%add3A_48, %dma_start3A_58] : memref<10240x128xf32, #tpu.memory_space<vmem_shared>> -> memref<128x128xf32, #tpu.memory_space<vmem_shared>>
      tpu.enqueue_dma source(%dma_start3A_59 : memref<128x128xf32, #tpu.memory_space<vmem_shared>>) target(%dma_start3A_57 : memref<128x128xf32, #tpu.memory_space<vmem>>) target_semaphore(%run_scoped3A : memref<!tpu.dma_semaphore, #tpu.memory_space<semaphore_mem>>)
      %dma_wait3A = arith.constant 0 : i32
      %dma_wait3A_60 = arith.constant 0 : i32
      %dma_wait3A_61 = tpu.memref_slice %arg5[%dma_wait3A, %dma_wait3A_60] : memref<128x128xf32, #tpu.memory_space<vmem>> -> memref<128x128xf32, #tpu.memory_space<vmem>>
      %dma_wait3A_62 = arith.constant 0 : i32
      %dma_wait3A_63 = tpu.memref_slice %arg6[%add3A_48, %dma_wait3A_62] : memref<10240x128xf32, #tpu.memory_space<vmem_shared>> -> memref<128x128xf32, #tpu.memory_space<vmem_shared>>
      %dma_wait3A_64 = arith.constant 0 : i32
      %dma_wait3A_65 = arith.constant 0 : i32
      %dma_wait3A_66 = tpu.memref_slice %arg5[%dma_wait3A_64, %dma_wait3A_65] : memref<128x128xf32, #tpu.memory_space<vmem>> -> memref<128x128xf32, #tpu.memory_space<vmem>>
      %dma_wait3A_67 = arith.constant 0 : i32
      %dma_wait3A_68 = tpu.memref_slice %arg6[%add3A_48, %dma_wait3A_67] : memref<10240x128xf32, #tpu.memory_space<vmem_shared>> -> memref<128x128xf32, #tpu.memory_space<vmem_shared>>
      tpu.wait_dma2 semaphore(%run_scoped3A : memref<!tpu.dma_semaphore, #tpu.memory_space<semaphore_mem>>) src(%dma_wait3A_68 : memref<128x128xf32, #tpu.memory_space<vmem_shared>>) dst(%dma_wait3A_66 : memref<128x128xf32, #tpu.memory_space<vmem>>)
      tpu.yield
    }) : () -> ()
    %add3A_49 = arith.constant 512 : i32
    %add3A_50 = arith.addi %mul3A_2, %add3A_49 : i32
    "tpu.region"() ({
      %run_scoped3A = tpu.sem_alloc : memref<!tpu.dma_semaphore, #tpu.memory_space<semaphore_mem>>
      %dma_start3A = arith.constant 0 : i32
      %dma_start3A_51 = arith.constant 0 : i32
      %dma_start3A_52 = tpu.memref_slice %arg5[%dma_start3A, %dma_start3A_51] : memref<128x128xf32, #tpu.memory_space<vmem>> -> memref<128x128xf32, #tpu.memory_space<vmem>>
      %dma_start3A_53 = arith.constant 0 : i32
      %dma_start3A_54 = tpu.memref_slice %arg3[%arg0, %add3A_50, %dma_start3A_53] : memref<2x10240x128xf32, #tpu.memory_space<hbm>> -> memref<1x128x128xf32, #tpu.memory_space<hbm>>
      %dma_start3A_55 = tpu.memref_squeeze %dma_start3A_54 : memref<1x128x128xf32, #tpu.memory_space<hbm>> -> memref<128x128xf32, #tpu.memory_space<hbm>>
      %dma_start3A_56 = arith.constant 0 : i32
      %dma_start3A_57 = tpu.memref_slice %arg3[%arg0, %add3A_50, %dma_start3A_56] : memref<2x10240x128xf32, #tpu.memory_space<hbm>> -> memref<1x128x128xf32, #tpu.memory_space<hbm>>
      %dma_start3A_58 = tpu.memref_squeeze %dma_start3A_57 : memref<1x128x128xf32, #tpu.memory_space<hbm>> -> memref<128x128xf32, #tpu.memory_space<hbm>>
      %dma_start3A_59 = arith.constant 0 : i32
      %dma_start3A_60 = arith.constant 0 : i32
      %dma_start3A_61 = tpu.memref_slice %arg5[%dma_start3A_59, %dma_start3A_60] : memref<128x128xf32, #tpu.memory_space<vmem>> -> memref<128x128xf32, #tpu.memory_space<vmem>>
      tpu.enqueue_dma source(%dma_start3A_61 : memref<128x128xf32, #tpu.memory_space<vmem>>) target(%dma_start3A_58 : memref<128x128xf32, #tpu.memory_space<hbm>>) target_semaphore(%run_scoped3A : memref<!tpu.dma_semaphore, #tpu.memory_space<semaphore_mem>>)
      %dma_wait3A = arith.constant 0 : i32
      %dma_wait3A_62 = arith.constant 0 : i32
      %dma_wait3A_63 = tpu.memref_slice %arg5[%dma_wait3A, %dma_wait3A_62] : memref<128x128xf32, #tpu.memory_space<vmem>> -> memref<128x128xf32, #tpu.memory_space<vmem>>
      %dma_wait3A_64 = arith.constant 0 : i32
      %dma_wait3A_65 = tpu.memref_slice %arg3[%arg0, %add3A_50, %dma_wait3A_64] : memref<2x10240x128xf32, #tpu.memory_space<hbm>> -> memref<1x128x128xf32, #tpu.memory_space<hbm>>
      %dma_wait3A_66 = tpu.memref_squeeze %dma_wait3A_65 : memref<1x128x128xf32, #tpu.memory_space<hbm>> -> memref<128x128xf32, #tpu.memory_space<hbm>>
      %dma_wait3A_67 = arith.constant 0 : i32
      %dma_wait3A_68 = tpu.memref_slice %arg3[%arg0, %add3A_50, %dma_wait3A_67] : memref<2x10240x128xf32, #tpu.memory_space<hbm>> -> memref<1x128x128xf32, #tpu.memory_space<hbm>>
      %dma_wait3A_69 = tpu.memref_squeeze %dma_wait3A_68 : memref<1x128x128xf32, #tpu.memory_space<hbm>> -> memref<128x128xf32, #tpu.memory_space<hbm>>
      %dma_wait3A_70 = arith.constant 0 : i32
      %dma_wait3A_71 = arith.constant 0 : i32
      %dma_wait3A_72 = tpu.memref_slice %arg5[%dma_wait3A_70, %dma_wait3A_71] : memref<128x128xf32, #tpu.memory_space<vmem>> -> memref<128x128xf32, #tpu.memory_space<vmem>>
      tpu.wait_dma2 semaphore(%run_scoped3A : memref<!tpu.dma_semaphore, #tpu.memory_space<semaphore_mem>>) src(%dma_wait3A_72 : memref<128x128xf32, #tpu.memory_space<vmem>>) dst(%dma_wait3A_69 : memref<128x128xf32, #tpu.memory_space<hbm>>)
      tpu.yield
    }) : () -> ()
    return
  }
}

#map = affine_map<(d0, d1) -> (0, 0)>
#map1 = affine_map<(d0, d1) -> (0, 0, 0)>
module attributes {stable_mosaic.version = 14 : i64} {
  func.func @sc_agg(%arg0: i32, %arg1: i32, %arg2: memref<10000x128xf32, #tpu.memory_space<hbm>>, %arg3: memref<16x79x128xi32, #tpu.memory_space<hbm>>, %arg4: memref<16x79x128xi32, #tpu.memory_space<hbm>>, %arg5: memref<16x79x128xi32, #tpu.memory_space<hbm>>, %arg6: memref<16x79x128xi32, #tpu.memory_space<hbm>>, %arg7: memref<2x10240x128xf32, #tpu.memory_space<hbm>>, %arg8: memref<79x128xi32, #tpu.memory_space<vmem>>, %arg9: memref<79x128xi32, #tpu.memory_space<vmem>>, %arg10: memref<128x128xf32, #tpu.memory_space<vmem>>, %arg11: memref<10240x128xf32, #tpu.memory_space<vmem_shared>>, %arg12: memref<!tpu.dma_semaphore, #tpu.memory_space<semaphore_mem>>) attributes {dimension_semantics = [#tpu.dimension_semantics<core_parallel>, #tpu.dimension_semantics<subcore_parallel>], iteration_bounds = array<i64: 2, 16>, scalar_prefetch = 0 : i64, scratch_operands = 5 : i64, tpu.core_type = #tpu.core_type<sc_vector_subcore>, window_params = [{transform_indices = #map}, {transform_indices = #map1}, {transform_indices = #map1}, {transform_indices = #map1}, {transform_indices = #map1}, {transform_indices = #map1}]} {
    %mul3A = arith.constant 640 : i32
    %mul3A_0 = arith.muli %arg1, %mul3A : i32
    %scan3A = arith.constant 0 : i32
    %scan3A_1 = arith.constant 0 : i32
    %scan3A_2 = arith.constant 128 : i32
    %scan3A_3 = arith.addi %scan3A_1, %scan3A_2 : i32
    %scan3A_4 = arith.constant 1 : i32
    scf.for %scan3A_55 = %scan3A_1 to %scan3A_3 step %scan3A_4  : i32 {
      %broadcast_in_dim3A = arith.constant 0.000000e+00 : f32
      %broadcast_in_dim3A_56 = vector.broadcast %broadcast_in_dim3A : f32 to vector<16xf32>
      %swap3A = arith.index_cast %scan3A_55 : i32 to index
      %swap3A_57 = arith.constant 0 : index
      %swap3A_58 = tpu.vector_load %arg10[%swap3A, %swap3A_57] {strides = array<i32>} : memref<128x128xf32, #tpu.memory_space<vmem>>, vector<1x16xf32>,
      %swap3A_59 = vector.shape_cast %swap3A_58 : vector<1x16xf32> to vector<16xf32>
      %swap3A_60 = vector.shape_cast %broadcast_in_dim3A_56 : vector<16xf32> to vector<1x16xf32>
      tpu.vector_store %arg10[%swap3A, %swap3A_57], %swap3A_60 {strides = array<i32>} : memref<128x128xf32, #tpu.memory_space<vmem>>, vector<1x16xf32>,
      %broadcast_in_dim3A_61 = arith.constant 0.000000e+00 : f32
      %broadcast_in_dim3A_62 = vector.broadcast %broadcast_in_dim3A_61 : f32 to vector<16xf32>
      %swap3A_63 = arith.index_cast %scan3A_55 : i32 to index
      %swap3A_64 = arith.constant 16 : index
      %swap3A_65 = tpu.vector_load %arg10[%swap3A_63, %swap3A_64] {strides = array<i32>} : memref<128x128xf32, #tpu.memory_space<vmem>>, vector<1x16xf32>,
      %swap3A_66 = vector.shape_cast %swap3A_65 : vector<1x16xf32> to vector<16xf32>
      %swap3A_67 = vector.shape_cast %broadcast_in_dim3A_62 : vector<16xf32> to vector<1x16xf32>
      tpu.vector_store %arg10[%swap3A_63, %swap3A_64], %swap3A_67 {strides = array<i32>} : memref<128x128xf32, #tpu.memory_space<vmem>>, vector<1x16xf32>,
      %broadcast_in_dim3A_68 = arith.constant 0.000000e+00 : f32
      %broadcast_in_dim3A_69 = vector.broadcast %broadcast_in_dim3A_68 : f32 to vector<16xf32>
      %swap3A_70 = arith.index_cast %scan3A_55 : i32 to index
      %swap3A_71 = arith.constant 32 : index
      %swap3A_72 = tpu.vector_load %arg10[%swap3A_70, %swap3A_71] {strides = array<i32>} : memref<128x128xf32, #tpu.memory_space<vmem>>, vector<1x16xf32>,
      %swap3A_73 = vector.shape_cast %swap3A_72 : vector<1x16xf32> to vector<16xf32>
      %swap3A_74 = vector.shape_cast %broadcast_in_dim3A_69 : vector<16xf32> to vector<1x16xf32>
      tpu.vector_store %arg10[%swap3A_70, %swap3A_71], %swap3A_74 {strides = array<i32>} : memref<128x128xf32, #tpu.memory_space<vmem>>, vector<1x16xf32>,
      %broadcast_in_dim3A_75 = arith.constant 0.000000e+00 : f32
      %broadcast_in_dim3A_76 = vector.broadcast %broadcast_in_dim3A_75 : f32 to vector<16xf32>
      %swap3A_77 = arith.index_cast %scan3A_55 : i32 to index
      %swap3A_78 = arith.constant 48 : index
      %swap3A_79 = tpu.vector_load %arg10[%swap3A_77, %swap3A_78] {strides = array<i32>} : memref<128x128xf32, #tpu.memory_space<vmem>>, vector<1x16xf32>,
      %swap3A_80 = vector.shape_cast %swap3A_79 : vector<1x16xf32> to vector<16xf32>
      %swap3A_81 = vector.shape_cast %broadcast_in_dim3A_76 : vector<16xf32> to vector<1x16xf32>
      tpu.vector_store %arg10[%swap3A_77, %swap3A_78], %swap3A_81 {strides = array<i32>} : memref<128x128xf32, #tpu.memory_space<vmem>>, vector<1x16xf32>,
      %broadcast_in_dim3A_82 = arith.constant 0.000000e+00 : f32
      %broadcast_in_dim3A_83 = vector.broadcast %broadcast_in_dim3A_82 : f32 to vector<16xf32>
      %swap3A_84 = arith.index_cast %scan3A_55 : i32 to index
      %swap3A_85 = arith.constant 64 : index
      %swap3A_86 = tpu.vector_load %arg10[%swap3A_84, %swap3A_85] {strides = array<i32>} : memref<128x128xf32, #tpu.memory_space<vmem>>, vector<1x16xf32>,
      %swap3A_87 = vector.shape_cast %swap3A_86 : vector<1x16xf32> to vector<16xf32>
      %swap3A_88 = vector.shape_cast %broadcast_in_dim3A_83 : vector<16xf32> to vector<1x16xf32>
      tpu.vector_store %arg10[%swap3A_84, %swap3A_85], %swap3A_88 {strides = array<i32>} : memref<128x128xf32, #tpu.memory_space<vmem>>, vector<1x16xf32>,
      %broadcast_in_dim3A_89 = arith.constant 0.000000e+00 : f32
      %broadcast_in_dim3A_90 = vector.broadcast %broadcast_in_dim3A_89 : f32 to vector<16xf32>
      %swap3A_91 = arith.index_cast %scan3A_55 : i32 to index
      %swap3A_92 = arith.constant 80 : index
      %swap3A_93 = tpu.vector_load %arg10[%swap3A_91, %swap3A_92] {strides = array<i32>} : memref<128x128xf32, #tpu.memory_space<vmem>>, vector<1x16xf32>,
      %swap3A_94 = vector.shape_cast %swap3A_93 : vector<1x16xf32> to vector<16xf32>
      %swap3A_95 = vector.shape_cast %broadcast_in_dim3A_90 : vector<16xf32> to vector<1x16xf32>
      tpu.vector_store %arg10[%swap3A_91, %swap3A_92], %swap3A_95 {strides = array<i32>} : memref<128x128xf32, #tpu.memory_space<vmem>>, vector<1x16xf32>,
      %broadcast_in_dim3A_96 = arith.constant 0.000000e+00 : f32
      %broadcast_in_dim3A_97 = vector.broadcast %broadcast_in_dim3A_96 : f32 to vector<16xf32>
      %swap3A_98 = arith.index_cast %scan3A_55 : i32 to index
      %swap3A_99 = arith.constant 96 : index
      %swap3A_100 = tpu.vector_load %arg10[%swap3A_98, %swap3A_99] {strides = array<i32>} : memref<128x128xf32, #tpu.memory_space<vmem>>, vector<1x16xf32>,
      %swap3A_101 = vector.shape_cast %swap3A_100 : vector<1x16xf32> to vector<16xf32>
      %swap3A_102 = vector.shape_cast %broadcast_in_dim3A_97 : vector<16xf32> to vector<1x16xf32>
      tpu.vector_store %arg10[%swap3A_98, %swap3A_99], %swap3A_102 {strides = array<i32>} : memref<128x128xf32, #tpu.memory_space<vmem>>, vector<1x16xf32>,
      %broadcast_in_dim3A_103 = arith.constant 0.000000e+00 : f32
      %broadcast_in_dim3A_104 = vector.broadcast %broadcast_in_dim3A_103 : f32 to vector<16xf32>
      %swap3A_105 = arith.index_cast %scan3A_55 : i32 to index
      %swap3A_106 = arith.constant 112 : index
      %swap3A_107 = tpu.vector_load %arg10[%swap3A_105, %swap3A_106] {strides = array<i32>} : memref<128x128xf32, #tpu.memory_space<vmem>>, vector<1x16xf32>,
      %swap3A_108 = vector.shape_cast %swap3A_107 : vector<1x16xf32> to vector<16xf32>
      %swap3A_109 = vector.shape_cast %broadcast_in_dim3A_104 : vector<16xf32> to vector<1x16xf32>
      tpu.vector_store %arg10[%swap3A_105, %swap3A_106], %swap3A_109 {strides = array<i32>} : memref<128x128xf32, #tpu.memory_space<vmem>>, vector<1x16xf32>,
    }
    %scan3A_5 = arith.constant 128 : i32
    %add3A = arith.constant 0 : i32
    %add3A_6 = arith.addi %mul3A_0, %add3A : i32
    "tpu.region"() ({
      %run_scoped3A = tpu.sem_alloc : memref<!tpu.dma_semaphore, #tpu.memory_space<semaphore_mem>>
      %dma_start3A = arith.constant 0 : i32
      %dma_start3A_55 = arith.constant 0 : i32
      %dma_start3A_56 = tpu.memref_slice %arg10[%dma_start3A, %dma_start3A_55] : memref<128x128xf32, #tpu.memory_space<vmem>> -> memref<128x128xf32, #tpu.memory_space<vmem>>
      %dma_start3A_57 = arith.constant 0 : i32
      %dma_start3A_58 = tpu.memref_slice %arg11[%add3A_6, %dma_start3A_57] : memref<10240x128xf32, #tpu.memory_space<vmem_shared>> -> memref<128x128xf32, #tpu.memory_space<vmem_shared>>
      %dma_start3A_59 = arith.constant 0 : i32
      %dma_start3A_60 = tpu.memref_slice %arg11[%add3A_6, %dma_start3A_59] : memref<10240x128xf32, #tpu.memory_space<vmem_shared>> -> memref<128x128xf32, #tpu.memory_space<vmem_shared>>
      %dma_start3A_61 = arith.constant 0 : i32
      %dma_start3A_62 = arith.constant 0 : i32
      %dma_start3A_63 = tpu.memref_slice %arg10[%dma_start3A_61, %dma_start3A_62] : memref<128x128xf32, #tpu.memory_space<vmem>> -> memref<128x128xf32, #tpu.memory_space<vmem>>
      tpu.enqueue_dma source(%dma_start3A_63 : memref<128x128xf32, #tpu.memory_space<vmem>>) target(%dma_start3A_60 : memref<128x128xf32, #tpu.memory_space<vmem_shared>>) target_semaphore(%run_scoped3A : memref<!tpu.dma_semaphore, #tpu.memory_space<semaphore_mem>>)
      %dma_wait3A = arith.constant 0 : i32
      %dma_wait3A_64 = arith.constant 0 : i32
      %dma_wait3A_65 = tpu.memref_slice %arg10[%dma_wait3A, %dma_wait3A_64] : memref<128x128xf32, #tpu.memory_space<vmem>> -> memref<128x128xf32, #tpu.memory_space<vmem>>
      %dma_wait3A_66 = arith.constant 0 : i32
      %dma_wait3A_67 = tpu.memref_slice %arg11[%add3A_6, %dma_wait3A_66] : memref<10240x128xf32, #tpu.memory_space<vmem_shared>> -> memref<128x128xf32, #tpu.memory_space<vmem_shared>>
      %dma_wait3A_68 = arith.constant 0 : i32
      %dma_wait3A_69 = tpu.memref_slice %arg11[%add3A_6, %dma_wait3A_68] : memref<10240x128xf32, #tpu.memory_space<vmem_shared>> -> memref<128x128xf32, #tpu.memory_space<vmem_shared>>
      %dma_wait3A_70 = arith.constant 0 : i32
      %dma_wait3A_71 = arith.constant 0 : i32
      %dma_wait3A_72 = tpu.memref_slice %arg10[%dma_wait3A_70, %dma_wait3A_71] : memref<128x128xf32, #tpu.memory_space<vmem>> -> memref<128x128xf32, #tpu.memory_space<vmem>>
      tpu.wait_dma2 semaphore(%run_scoped3A : memref<!tpu.dma_semaphore, #tpu.memory_space<semaphore_mem>>) src(%dma_wait3A_72 : memref<128x128xf32, #tpu.memory_space<vmem>>) dst(%dma_wait3A_69 : memref<128x128xf32, #tpu.memory_space<vmem_shared>>)
      tpu.yield
    }) : () -> ()
    %add3A_7 = arith.constant 128 : i32
    %add3A_8 = arith.addi %mul3A_0, %add3A_7 : i32
    "tpu.region"() ({
      %run_scoped3A = tpu.sem_alloc : memref<!tpu.dma_semaphore, #tpu.memory_space<semaphore_mem>>
      %dma_start3A = arith.constant 0 : i32
      %dma_start3A_55 = arith.constant 0 : i32
      %dma_start3A_56 = tpu.memref_slice %arg10[%dma_start3A, %dma_start3A_55] : memref<128x128xf32, #tpu.memory_space<vmem>> -> memref<128x128xf32, #tpu.memory_space<vmem>>
      %dma_start3A_57 = arith.constant 0 : i32
      %dma_start3A_58 = tpu.memref_slice %arg11[%add3A_8, %dma_start3A_57] : memref<10240x128xf32, #tpu.memory_space<vmem_shared>> -> memref<128x128xf32, #tpu.memory_space<vmem_shared>>
      %dma_start3A_59 = arith.constant 0 : i32
      %dma_start3A_60 = tpu.memref_slice %arg11[%add3A_8, %dma_start3A_59] : memref<10240x128xf32, #tpu.memory_space<vmem_shared>> -> memref<128x128xf32, #tpu.memory_space<vmem_shared>>
      %dma_start3A_61 = arith.constant 0 : i32
      %dma_start3A_62 = arith.constant 0 : i32
      %dma_start3A_63 = tpu.memref_slice %arg10[%dma_start3A_61, %dma_start3A_62] : memref<128x128xf32, #tpu.memory_space<vmem>> -> memref<128x128xf32, #tpu.memory_space<vmem>>
      tpu.enqueue_dma source(%dma_start3A_63 : memref<128x128xf32, #tpu.memory_space<vmem>>) target(%dma_start3A_60 : memref<128x128xf32, #tpu.memory_space<vmem_shared>>) target_semaphore(%run_scoped3A : memref<!tpu.dma_semaphore, #tpu.memory_space<semaphore_mem>>)
      %dma_wait3A = arith.constant 0 : i32
      %dma_wait3A_64 = arith.constant 0 : i32
      %dma_wait3A_65 = tpu.memref_slice %arg10[%dma_wait3A, %dma_wait3A_64] : memref<128x128xf32, #tpu.memory_space<vmem>> -> memref<128x128xf32, #tpu.memory_space<vmem>>
      %dma_wait3A_66 = arith.constant 0 : i32
      %dma_wait3A_67 = tpu.memref_slice %arg11[%add3A_8, %dma_wait3A_66] : memref<10240x128xf32, #tpu.memory_space<vmem_shared>> -> memref<128x128xf32, #tpu.memory_space<vmem_shared>>
      %dma_wait3A_68 = arith.constant 0 : i32
      %dma_wait3A_69 = tpu.memref_slice %arg11[%add3A_8, %dma_wait3A_68] : memref<10240x128xf32, #tpu.memory_space<vmem_shared>> -> memref<128x128xf32, #tpu.memory_space<vmem_shared>>
      %dma_wait3A_70 = arith.constant 0 : i32
      %dma_wait3A_71 = arith.constant 0 : i32
      %dma_wait3A_72 = tpu.memref_slice %arg10[%dma_wait3A_70, %dma_wait3A_71] : memref<128x128xf32, #tpu.memory_space<vmem>> -> memref<128x128xf32, #tpu.memory_space<vmem>>
      tpu.wait_dma2 semaphore(%run_scoped3A : memref<!tpu.dma_semaphore, #tpu.memory_space<semaphore_mem>>) src(%dma_wait3A_72 : memref<128x128xf32, #tpu.memory_space<vmem>>) dst(%dma_wait3A_69 : memref<128x128xf32, #tpu.memory_space<vmem_shared>>)
      tpu.yield
    }) : () -> ()
    %add3A_9 = arith.constant 256 : i32
    %add3A_10 = arith.addi %mul3A_0, %add3A_9 : i32
    "tpu.region"() ({
      %run_scoped3A = tpu.sem_alloc : memref<!tpu.dma_semaphore, #tpu.memory_space<semaphore_mem>>
      %dma_start3A = arith.constant 0 : i32
      %dma_start3A_55 = arith.constant 0 : i32
      %dma_start3A_56 = tpu.memref_slice %arg10[%dma_start3A, %dma_start3A_55] : memref<128x128xf32, #tpu.memory_space<vmem>> -> memref<128x128xf32, #tpu.memory_space<vmem>>
      %dma_start3A_57 = arith.constant 0 : i32
      %dma_start3A_58 = tpu.memref_slice %arg11[%add3A_10, %dma_start3A_57] : memref<10240x128xf32, #tpu.memory_space<vmem_shared>> -> memref<128x128xf32, #tpu.memory_space<vmem_shared>>
      %dma_start3A_59 = arith.constant 0 : i32
      %dma_start3A_60 = tpu.memref_slice %arg11[%add3A_10, %dma_start3A_59] : memref<10240x128xf32, #tpu.memory_space<vmem_shared>> -> memref<128x128xf32, #tpu.memory_space<vmem_shared>>
      %dma_start3A_61 = arith.constant 0 : i32
      %dma_start3A_62 = arith.constant 0 : i32
      %dma_start3A_63 = tpu.memref_slice %arg10[%dma_start3A_61, %dma_start3A_62] : memref<128x128xf32, #tpu.memory_space<vmem>> -> memref<128x128xf32, #tpu.memory_space<vmem>>
      tpu.enqueue_dma source(%dma_start3A_63 : memref<128x128xf32, #tpu.memory_space<vmem>>) target(%dma_start3A_60 : memref<128x128xf32, #tpu.memory_space<vmem_shared>>) target_semaphore(%run_scoped3A : memref<!tpu.dma_semaphore, #tpu.memory_space<semaphore_mem>>)
      %dma_wait3A = arith.constant 0 : i32
      %dma_wait3A_64 = arith.constant 0 : i32
      %dma_wait3A_65 = tpu.memref_slice %arg10[%dma_wait3A, %dma_wait3A_64] : memref<128x128xf32, #tpu.memory_space<vmem>> -> memref<128x128xf32, #tpu.memory_space<vmem>>
      %dma_wait3A_66 = arith.constant 0 : i32
      %dma_wait3A_67 = tpu.memref_slice %arg11[%add3A_10, %dma_wait3A_66] : memref<10240x128xf32, #tpu.memory_space<vmem_shared>> -> memref<128x128xf32, #tpu.memory_space<vmem_shared>>
      %dma_wait3A_68 = arith.constant 0 : i32
      %dma_wait3A_69 = tpu.memref_slice %arg11[%add3A_10, %dma_wait3A_68] : memref<10240x128xf32, #tpu.memory_space<vmem_shared>> -> memref<128x128xf32, #tpu.memory_space<vmem_shared>>
      %dma_wait3A_70 = arith.constant 0 : i32
      %dma_wait3A_71 = arith.constant 0 : i32
      %dma_wait3A_72 = tpu.memref_slice %arg10[%dma_wait3A_70, %dma_wait3A_71] : memref<128x128xf32, #tpu.memory_space<vmem>> -> memref<128x128xf32, #tpu.memory_space<vmem>>
      tpu.wait_dma2 semaphore(%run_scoped3A : memref<!tpu.dma_semaphore, #tpu.memory_space<semaphore_mem>>) src(%dma_wait3A_72 : memref<128x128xf32, #tpu.memory_space<vmem>>) dst(%dma_wait3A_69 : memref<128x128xf32, #tpu.memory_space<vmem_shared>>)
      tpu.yield
    }) : () -> ()
    %add3A_11 = arith.constant 384 : i32
    %add3A_12 = arith.addi %mul3A_0, %add3A_11 : i32
    "tpu.region"() ({
      %run_scoped3A = tpu.sem_alloc : memref<!tpu.dma_semaphore, #tpu.memory_space<semaphore_mem>>
      %dma_start3A = arith.constant 0 : i32
      %dma_start3A_55 = arith.constant 0 : i32
      %dma_start3A_56 = tpu.memref_slice %arg10[%dma_start3A, %dma_start3A_55] : memref<128x128xf32, #tpu.memory_space<vmem>> -> memref<128x128xf32, #tpu.memory_space<vmem>>
      %dma_start3A_57 = arith.constant 0 : i32
      %dma_start3A_58 = tpu.memref_slice %arg11[%add3A_12, %dma_start3A_57] : memref<10240x128xf32, #tpu.memory_space<vmem_shared>> -> memref<128x128xf32, #tpu.memory_space<vmem_shared>>
      %dma_start3A_59 = arith.constant 0 : i32
      %dma_start3A_60 = tpu.memref_slice %arg11[%add3A_12, %dma_start3A_59] : memref<10240x128xf32, #tpu.memory_space<vmem_shared>> -> memref<128x128xf32, #tpu.memory_space<vmem_shared>>
      %dma_start3A_61 = arith.constant 0 : i32
      %dma_start3A_62 = arith.constant 0 : i32
      %dma_start3A_63 = tpu.memref_slice %arg10[%dma_start3A_61, %dma_start3A_62] : memref<128x128xf32, #tpu.memory_space<vmem>> -> memref<128x128xf32, #tpu.memory_space<vmem>>
      tpu.enqueue_dma source(%dma_start3A_63 : memref<128x128xf32, #tpu.memory_space<vmem>>) target(%dma_start3A_60 : memref<128x128xf32, #tpu.memory_space<vmem_shared>>) target_semaphore(%run_scoped3A : memref<!tpu.dma_semaphore, #tpu.memory_space<semaphore_mem>>)
      %dma_wait3A = arith.constant 0 : i32
      %dma_wait3A_64 = arith.constant 0 : i32
      %dma_wait3A_65 = tpu.memref_slice %arg10[%dma_wait3A, %dma_wait3A_64] : memref<128x128xf32, #tpu.memory_space<vmem>> -> memref<128x128xf32, #tpu.memory_space<vmem>>
      %dma_wait3A_66 = arith.constant 0 : i32
      %dma_wait3A_67 = tpu.memref_slice %arg11[%add3A_12, %dma_wait3A_66] : memref<10240x128xf32, #tpu.memory_space<vmem_shared>> -> memref<128x128xf32, #tpu.memory_space<vmem_shared>>
      %dma_wait3A_68 = arith.constant 0 : i32
      %dma_wait3A_69 = tpu.memref_slice %arg11[%add3A_12, %dma_wait3A_68] : memref<10240x128xf32, #tpu.memory_space<vmem_shared>> -> memref<128x128xf32, #tpu.memory_space<vmem_shared>>
      %dma_wait3A_70 = arith.constant 0 : i32
      %dma_wait3A_71 = arith.constant 0 : i32
      %dma_wait3A_72 = tpu.memref_slice %arg10[%dma_wait3A_70, %dma_wait3A_71] : memref<128x128xf32, #tpu.memory_space<vmem>> -> memref<128x128xf32, #tpu.memory_space<vmem>>
      tpu.wait_dma2 semaphore(%run_scoped3A : memref<!tpu.dma_semaphore, #tpu.memory_space<semaphore_mem>>) src(%dma_wait3A_72 : memref<128x128xf32, #tpu.memory_space<vmem>>) dst(%dma_wait3A_69 : memref<128x128xf32, #tpu.memory_space<vmem_shared>>)
      tpu.yield
    }) : () -> ()
    %add3A_13 = arith.constant 512 : i32
    %add3A_14 = arith.addi %mul3A_0, %add3A_13 : i32
    "tpu.region"() ({
      %run_scoped3A = tpu.sem_alloc : memref<!tpu.dma_semaphore, #tpu.memory_space<semaphore_mem>>
      %dma_start3A = arith.constant 0 : i32
      %dma_start3A_55 = arith.constant 0 : i32
      %dma_start3A_56 = tpu.memref_slice %arg10[%dma_start3A, %dma_start3A_55] : memref<128x128xf32, #tpu.memory_space<vmem>> -> memref<128x128xf32, #tpu.memory_space<vmem>>
      %dma_start3A_57 = arith.constant 0 : i32
      %dma_start3A_58 = tpu.memref_slice %arg11[%add3A_14, %dma_start3A_57] : memref<10240x128xf32, #tpu.memory_space<vmem_shared>> -> memref<128x128xf32, #tpu.memory_space<vmem_shared>>
      %dma_start3A_59 = arith.constant 0 : i32
      %dma_start3A_60 = tpu.memref_slice %arg11[%add3A_14, %dma_start3A_59] : memref<10240x128xf32, #tpu.memory_space<vmem_shared>> -> memref<128x128xf32, #tpu.memory_space<vmem_shared>>
      %dma_start3A_61 = arith.constant 0 : i32
      %dma_start3A_62 = arith.constant 0 : i32
      %dma_start3A_63 = tpu.memref_slice %arg10[%dma_start3A_61, %dma_start3A_62] : memref<128x128xf32, #tpu.memory_space<vmem>> -> memref<128x128xf32, #tpu.memory_space<vmem>>
      tpu.enqueue_dma source(%dma_start3A_63 : memref<128x128xf32, #tpu.memory_space<vmem>>) target(%dma_start3A_60 : memref<128x128xf32, #tpu.memory_space<vmem_shared>>) target_semaphore(%run_scoped3A : memref<!tpu.dma_semaphore, #tpu.memory_space<semaphore_mem>>)
      %dma_wait3A = arith.constant 0 : i32
      %dma_wait3A_64 = arith.constant 0 : i32
      %dma_wait3A_65 = tpu.memref_slice %arg10[%dma_wait3A, %dma_wait3A_64] : memref<128x128xf32, #tpu.memory_space<vmem>> -> memref<128x128xf32, #tpu.memory_space<vmem>>
      %dma_wait3A_66 = arith.constant 0 : i32
      %dma_wait3A_67 = tpu.memref_slice %arg11[%add3A_14, %dma_wait3A_66] : memref<10240x128xf32, #tpu.memory_space<vmem_shared>> -> memref<128x128xf32, #tpu.memory_space<vmem_shared>>
      %dma_wait3A_68 = arith.constant 0 : i32
      %dma_wait3A_69 = tpu.memref_slice %arg11[%add3A_14, %dma_wait3A_68] : memref<10240x128xf32, #tpu.memory_space<vmem_shared>> -> memref<128x128xf32, #tpu.memory_space<vmem_shared>>
      %dma_wait3A_70 = arith.constant 0 : i32
      %dma_wait3A_71 = arith.constant 0 : i32
      %dma_wait3A_72 = tpu.memref_slice %arg10[%dma_wait3A_70, %dma_wait3A_71] : memref<128x128xf32, #tpu.memory_space<vmem>> -> memref<128x128xf32, #tpu.memory_space<vmem>>
      tpu.wait_dma2 semaphore(%run_scoped3A : memref<!tpu.dma_semaphore, #tpu.memory_space<semaphore_mem>>) src(%dma_wait3A_72 : memref<128x128xf32, #tpu.memory_space<vmem>>) dst(%dma_wait3A_69 : memref<128x128xf32, #tpu.memory_space<vmem_shared>>)
      tpu.yield
    }) : () -> ()
    %barrier3A = arith.constant 0 : index
    tpu.barrier barrier_id(%barrier3A)
    %eq3A = arith.constant 0 : i32
    %eq3A_15 = arith.cmpi eq, %arg0, %eq3A : i32
    %convert_element_type3A = arith.extui %eq3A_15 : i1 to i32
    %cond3A = arith.constant 0 : i32
    %cond3A_16 = arith.cmpi ne, %convert_element_type3A, %cond3A : i32
    scf.if %cond3A_16 {
      "tpu.region"() ({
        %run_scoped3A = tpu.sem_alloc : memref<!tpu.dma_semaphore, #tpu.memory_space<semaphore_mem>>
        %dma_start3A = arith.constant 0 : i32
        %dma_start3A_55 = arith.constant 0 : i32
        %dma_start3A_56 = tpu.memref_slice %arg8[%dma_start3A, %dma_start3A_55] : memref<79x128xi32, #tpu.memory_space<vmem>> -> memref<79x128xi32, #tpu.memory_space<vmem>>
        %dma_start3A_57 = arith.constant 0 : i32
        %dma_start3A_58 = arith.constant 0 : i32
        %dma_start3A_59 = tpu.memref_slice %arg3[%arg1, %dma_start3A_57, %dma_start3A_58] : memref<16x79x128xi32, #tpu.memory_space<hbm>> -> memref<1x79x128xi32, #tpu.memory_space<hbm>>
        %dma_start3A_60 = tpu.memref_squeeze %dma_start3A_59 : memref<1x79x128xi32, #tpu.memory_space<hbm>> -> memref<79x128xi32, #tpu.memory_space<hbm>>
        %dma_start3A_61 = arith.constant 0 : i32
        %dma_start3A_62 = arith.constant 0 : i32
        %dma_start3A_63 = tpu.memref_slice %arg8[%dma_start3A_61, %dma_start3A_62] : memref<79x128xi32, #tpu.memory_space<vmem>> -> memref<79x128xi32, #tpu.memory_space<vmem>>
        %dma_start3A_64 = arith.constant 0 : i32
        %dma_start3A_65 = arith.constant 0 : i32
        %dma_start3A_66 = tpu.memref_slice %arg3[%arg1, %dma_start3A_64, %dma_start3A_65] : memref<16x79x128xi32, #tpu.memory_space<hbm>> -> memref<1x79x128xi32, #tpu.memory_space<hbm>>
        %dma_start3A_67 = tpu.memref_squeeze %dma_start3A_66 : memref<1x79x128xi32, #tpu.memory_space<hbm>> -> memref<79x128xi32, #tpu.memory_space<hbm>>
        tpu.enqueue_dma source(%dma_start3A_67 : memref<79x128xi32, #tpu.memory_space<hbm>>) target(%dma_start3A_63 : memref<79x128xi32, #tpu.memory_space<vmem>>) target_semaphore(%run_scoped3A : memref<!tpu.dma_semaphore, #tpu.memory_space<semaphore_mem>>)
        %dma_wait3A = arith.constant 0 : i32
        %dma_wait3A_68 = arith.constant 0 : i32
        %dma_wait3A_69 = tpu.memref_slice %arg8[%dma_wait3A, %dma_wait3A_68] : memref<79x128xi32, #tpu.memory_space<vmem>> -> memref<79x128xi32, #tpu.memory_space<vmem>>
        %dma_wait3A_70 = arith.constant 0 : i32
        %dma_wait3A_71 = arith.constant 0 : i32
        %dma_wait3A_72 = tpu.memref_slice %arg3[%arg1, %dma_wait3A_70, %dma_wait3A_71] : memref<16x79x128xi32, #tpu.memory_space<hbm>> -> memref<1x79x128xi32, #tpu.memory_space<hbm>>
        %dma_wait3A_73 = tpu.memref_squeeze %dma_wait3A_72 : memref<1x79x128xi32, #tpu.memory_space<hbm>> -> memref<79x128xi32, #tpu.memory_space<hbm>>
        %dma_wait3A_74 = arith.constant 0 : i32
        %dma_wait3A_75 = arith.constant 0 : i32
        %dma_wait3A_76 = tpu.memref_slice %arg8[%dma_wait3A_74, %dma_wait3A_75] : memref<79x128xi32, #tpu.memory_space<vmem>> -> memref<79x128xi32, #tpu.memory_space<vmem>>
        %dma_wait3A_77 = arith.constant 0 : i32
        %dma_wait3A_78 = arith.constant 0 : i32
        %dma_wait3A_79 = tpu.memref_slice %arg3[%arg1, %dma_wait3A_77, %dma_wait3A_78] : memref<16x79x128xi32, #tpu.memory_space<hbm>> -> memref<1x79x128xi32, #tpu.memory_space<hbm>>
        %dma_wait3A_80 = tpu.memref_squeeze %dma_wait3A_79 : memref<1x79x128xi32, #tpu.memory_space<hbm>> -> memref<79x128xi32, #tpu.memory_space<hbm>>
        tpu.wait_dma2 semaphore(%run_scoped3A : memref<!tpu.dma_semaphore, #tpu.memory_space<semaphore_mem>>) src(%dma_wait3A_80 : memref<79x128xi32, #tpu.memory_space<hbm>>) dst(%dma_wait3A_76 : memref<79x128xi32, #tpu.memory_space<vmem>>)
        tpu.yield
      }) : () -> ()
      "tpu.region"() ({
        %run_scoped3A = tpu.sem_alloc : memref<!tpu.dma_semaphore, #tpu.memory_space<semaphore_mem>>
        %dma_start3A = arith.constant 0 : i32
        %dma_start3A_55 = arith.constant 0 : i32
        %dma_start3A_56 = tpu.memref_slice %arg9[%dma_start3A, %dma_start3A_55] : memref<79x128xi32, #tpu.memory_space<vmem>> -> memref<79x128xi32, #tpu.memory_space<vmem>>
        %dma_start3A_57 = arith.constant 0 : i32
        %dma_start3A_58 = arith.constant 0 : i32
        %dma_start3A_59 = tpu.memref_slice %arg4[%arg1, %dma_start3A_57, %dma_start3A_58] : memref<16x79x128xi32, #tpu.memory_space<hbm>> -> memref<1x79x128xi32, #tpu.memory_space<hbm>>
        %dma_start3A_60 = tpu.memref_squeeze %dma_start3A_59 : memref<1x79x128xi32, #tpu.memory_space<hbm>> -> memref<79x128xi32, #tpu.memory_space<hbm>>
        %dma_start3A_61 = arith.constant 0 : i32
        %dma_start3A_62 = arith.constant 0 : i32
        %dma_start3A_63 = tpu.memref_slice %arg9[%dma_start3A_61, %dma_start3A_62] : memref<79x128xi32, #tpu.memory_space<vmem>> -> memref<79x128xi32, #tpu.memory_space<vmem>>
        %dma_start3A_64 = arith.constant 0 : i32
        %dma_start3A_65 = arith.constant 0 : i32
        %dma_start3A_66 = tpu.memref_slice %arg4[%arg1, %dma_start3A_64, %dma_start3A_65] : memref<16x79x128xi32, #tpu.memory_space<hbm>> -> memref<1x79x128xi32, #tpu.memory_space<hbm>>
        %dma_start3A_67 = tpu.memref_squeeze %dma_start3A_66 : memref<1x79x128xi32, #tpu.memory_space<hbm>> -> memref<79x128xi32, #tpu.memory_space<hbm>>
        tpu.enqueue_dma source(%dma_start3A_67 : memref<79x128xi32, #tpu.memory_space<hbm>>) target(%dma_start3A_63 : memref<79x128xi32, #tpu.memory_space<vmem>>) target_semaphore(%run_scoped3A : memref<!tpu.dma_semaphore, #tpu.memory_space<semaphore_mem>>)
        %dma_wait3A = arith.constant 0 : i32
        %dma_wait3A_68 = arith.constant 0 : i32
        %dma_wait3A_69 = tpu.memref_slice %arg9[%dma_wait3A, %dma_wait3A_68] : memref<79x128xi32, #tpu.memory_space<vmem>> -> memref<79x128xi32, #tpu.memory_space<vmem>>
        %dma_wait3A_70 = arith.constant 0 : i32
        %dma_wait3A_71 = arith.constant 0 : i32
        %dma_wait3A_72 = tpu.memref_slice %arg4[%arg1, %dma_wait3A_70, %dma_wait3A_71] : memref<16x79x128xi32, #tpu.memory_space<hbm>> -> memref<1x79x128xi32, #tpu.memory_space<hbm>>
        %dma_wait3A_73 = tpu.memref_squeeze %dma_wait3A_72 : memref<1x79x128xi32, #tpu.memory_space<hbm>> -> memref<79x128xi32, #tpu.memory_space<hbm>>
        %dma_wait3A_74 = arith.constant 0 : i32
        %dma_wait3A_75 = arith.constant 0 : i32
        %dma_wait3A_76 = tpu.memref_slice %arg9[%dma_wait3A_74, %dma_wait3A_75] : memref<79x128xi32, #tpu.memory_space<vmem>> -> memref<79x128xi32, #tpu.memory_space<vmem>>
        %dma_wait3A_77 = arith.constant 0 : i32
        %dma_wait3A_78 = arith.constant 0 : i32
        %dma_wait3A_79 = tpu.memref_slice %arg4[%arg1, %dma_wait3A_77, %dma_wait3A_78] : memref<16x79x128xi32, #tpu.memory_space<hbm>> -> memref<1x79x128xi32, #tpu.memory_space<hbm>>
        %dma_wait3A_80 = tpu.memref_squeeze %dma_wait3A_79 : memref<1x79x128xi32, #tpu.memory_space<hbm>> -> memref<79x128xi32, #tpu.memory_space<hbm>>
        tpu.wait_dma2 semaphore(%run_scoped3A : memref<!tpu.dma_semaphore, #tpu.memory_space<semaphore_mem>>) src(%dma_wait3A_80 : memref<79x128xi32, #tpu.memory_space<hbm>>) dst(%dma_wait3A_76 : memref<79x128xi32, #tpu.memory_space<vmem>>)
        tpu.yield
      }) : () -> ()
    } else {
    }
    %eq3A_17 = arith.constant 1 : i32
    %eq3A_18 = arith.cmpi eq, %arg0, %eq3A_17 : i32
    %convert_element_type3A_19 = arith.extui %eq3A_18 : i1 to i32
    %cond3A_20 = arith.constant 0 : i32
    %cond3A_21 = arith.cmpi ne, %convert_element_type3A_19, %cond3A_20 : i32
    scf.if %cond3A_21 {
      "tpu.region"() ({
        %run_scoped3A = tpu.sem_alloc : memref<!tpu.dma_semaphore, #tpu.memory_space<semaphore_mem>>
        %dma_start3A = arith.constant 0 : i32
        %dma_start3A_55 = arith.constant 0 : i32
        %dma_start3A_56 = tpu.memref_slice %arg8[%dma_start3A, %dma_start3A_55] : memref<79x128xi32, #tpu.memory_space<vmem>> -> memref<79x128xi32, #tpu.memory_space<vmem>>
        %dma_start3A_57 = arith.constant 0 : i32
        %dma_start3A_58 = arith.constant 0 : i32
        %dma_start3A_59 = tpu.memref_slice %arg5[%arg1, %dma_start3A_57, %dma_start3A_58] : memref<16x79x128xi32, #tpu.memory_space<hbm>> -> memref<1x79x128xi32, #tpu.memory_space<hbm>>
        %dma_start3A_60 = tpu.memref_squeeze %dma_start3A_59 : memref<1x79x128xi32, #tpu.memory_space<hbm>> -> memref<79x128xi32, #tpu.memory_space<hbm>>
        %dma_start3A_61 = arith.constant 0 : i32
        %dma_start3A_62 = arith.constant 0 : i32
        %dma_start3A_63 = tpu.memref_slice %arg8[%dma_start3A_61, %dma_start3A_62] : memref<79x128xi32, #tpu.memory_space<vmem>> -> memref<79x128xi32, #tpu.memory_space<vmem>>
        %dma_start3A_64 = arith.constant 0 : i32
        %dma_start3A_65 = arith.constant 0 : i32
        %dma_start3A_66 = tpu.memref_slice %arg5[%arg1, %dma_start3A_64, %dma_start3A_65] : memref<16x79x128xi32, #tpu.memory_space<hbm>> -> memref<1x79x128xi32, #tpu.memory_space<hbm>>
        %dma_start3A_67 = tpu.memref_squeeze %dma_start3A_66 : memref<1x79x128xi32, #tpu.memory_space<hbm>> -> memref<79x128xi32, #tpu.memory_space<hbm>>
        tpu.enqueue_dma source(%dma_start3A_67 : memref<79x128xi32, #tpu.memory_space<hbm>>) target(%dma_start3A_63 : memref<79x128xi32, #tpu.memory_space<vmem>>) target_semaphore(%run_scoped3A : memref<!tpu.dma_semaphore, #tpu.memory_space<semaphore_mem>>)
        %dma_wait3A = arith.constant 0 : i32
        %dma_wait3A_68 = arith.constant 0 : i32
        %dma_wait3A_69 = tpu.memref_slice %arg8[%dma_wait3A, %dma_wait3A_68] : memref<79x128xi32, #tpu.memory_space<vmem>> -> memref<79x128xi32, #tpu.memory_space<vmem>>
        %dma_wait3A_70 = arith.constant 0 : i32
        %dma_wait3A_71 = arith.constant 0 : i32
        %dma_wait3A_72 = tpu.memref_slice %arg5[%arg1, %dma_wait3A_70, %dma_wait3A_71] : memref<16x79x128xi32, #tpu.memory_space<hbm>> -> memref<1x79x128xi32, #tpu.memory_space<hbm>>
        %dma_wait3A_73 = tpu.memref_squeeze %dma_wait3A_72 : memref<1x79x128xi32, #tpu.memory_space<hbm>> -> memref<79x128xi32, #tpu.memory_space<hbm>>
        %dma_wait3A_74 = arith.constant 0 : i32
        %dma_wait3A_75 = arith.constant 0 : i32
        %dma_wait3A_76 = tpu.memref_slice %arg8[%dma_wait3A_74, %dma_wait3A_75] : memref<79x128xi32, #tpu.memory_space<vmem>> -> memref<79x128xi32, #tpu.memory_space<vmem>>
        %dma_wait3A_77 = arith.constant 0 : i32
        %dma_wait3A_78 = arith.constant 0 : i32
        %dma_wait3A_79 = tpu.memref_slice %arg5[%arg1, %dma_wait3A_77, %dma_wait3A_78] : memref<16x79x128xi32, #tpu.memory_space<hbm>> -> memref<1x79x128xi32, #tpu.memory_space<hbm>>
        %dma_wait3A_80 = tpu.memref_squeeze %dma_wait3A_79 : memref<1x79x128xi32, #tpu.memory_space<hbm>> -> memref<79x128xi32, #tpu.memory_space<hbm>>
        tpu.wait_dma2 semaphore(%run_scoped3A : memref<!tpu.dma_semaphore, #tpu.memory_space<semaphore_mem>>) src(%dma_wait3A_80 : memref<79x128xi32, #tpu.memory_space<hbm>>) dst(%dma_wait3A_76 : memref<79x128xi32, #tpu.memory_space<vmem>>)
        tpu.yield
      }) : () -> ()
      "tpu.region"() ({
        %run_scoped3A = tpu.sem_alloc : memref<!tpu.dma_semaphore, #tpu.memory_space<semaphore_mem>>
        %dma_start3A = arith.constant 0 : i32
        %dma_start3A_55 = arith.constant 0 : i32
        %dma_start3A_56 = tpu.memref_slice %arg9[%dma_start3A, %dma_start3A_55] : memref<79x128xi32, #tpu.memory_space<vmem>> -> memref<79x128xi32, #tpu.memory_space<vmem>>
        %dma_start3A_57 = arith.constant 0 : i32
        %dma_start3A_58 = arith.constant 0 : i32
        %dma_start3A_59 = tpu.memref_slice %arg6[%arg1, %dma_start3A_57, %dma_start3A_58] : memref<16x79x128xi32, #tpu.memory_space<hbm>> -> memref<1x79x128xi32, #tpu.memory_space<hbm>>
        %dma_start3A_60 = tpu.memref_squeeze %dma_start3A_59 : memref<1x79x128xi32, #tpu.memory_space<hbm>> -> memref<79x128xi32, #tpu.memory_space<hbm>>
        %dma_start3A_61 = arith.constant 0 : i32
        %dma_start3A_62 = arith.constant 0 : i32
        %dma_start3A_63 = tpu.memref_slice %arg9[%dma_start3A_61, %dma_start3A_62] : memref<79x128xi32, #tpu.memory_space<vmem>> -> memref<79x128xi32, #tpu.memory_space<vmem>>
        %dma_start3A_64 = arith.constant 0 : i32
        %dma_start3A_65 = arith.constant 0 : i32
        %dma_start3A_66 = tpu.memref_slice %arg6[%arg1, %dma_start3A_64, %dma_start3A_65] : memref<16x79x128xi32, #tpu.memory_space<hbm>> -> memref<1x79x128xi32, #tpu.memory_space<hbm>>
        %dma_start3A_67 = tpu.memref_squeeze %dma_start3A_66 : memref<1x79x128xi32, #tpu.memory_space<hbm>> -> memref<79x128xi32, #tpu.memory_space<hbm>>
        tpu.enqueue_dma source(%dma_start3A_67 : memref<79x128xi32, #tpu.memory_space<hbm>>) target(%dma_start3A_63 : memref<79x128xi32, #tpu.memory_space<vmem>>) target_semaphore(%run_scoped3A : memref<!tpu.dma_semaphore, #tpu.memory_space<semaphore_mem>>)
        %dma_wait3A = arith.constant 0 : i32
        %dma_wait3A_68 = arith.constant 0 : i32
        %dma_wait3A_69 = tpu.memref_slice %arg9[%dma_wait3A, %dma_wait3A_68] : memref<79x128xi32, #tpu.memory_space<vmem>> -> memref<79x128xi32, #tpu.memory_space<vmem>>
        %dma_wait3A_70 = arith.constant 0 : i32
        %dma_wait3A_71 = arith.constant 0 : i32
        %dma_wait3A_72 = tpu.memref_slice %arg6[%arg1, %dma_wait3A_70, %dma_wait3A_71] : memref<16x79x128xi32, #tpu.memory_space<hbm>> -> memref<1x79x128xi32, #tpu.memory_space<hbm>>
        %dma_wait3A_73 = tpu.memref_squeeze %dma_wait3A_72 : memref<1x79x128xi32, #tpu.memory_space<hbm>> -> memref<79x128xi32, #tpu.memory_space<hbm>>
        %dma_wait3A_74 = arith.constant 0 : i32
        %dma_wait3A_75 = arith.constant 0 : i32
        %dma_wait3A_76 = tpu.memref_slice %arg9[%dma_wait3A_74, %dma_wait3A_75] : memref<79x128xi32, #tpu.memory_space<vmem>> -> memref<79x128xi32, #tpu.memory_space<vmem>>
        %dma_wait3A_77 = arith.constant 0 : i32
        %dma_wait3A_78 = arith.constant 0 : i32
        %dma_wait3A_79 = tpu.memref_slice %arg6[%arg1, %dma_wait3A_77, %dma_wait3A_78] : memref<16x79x128xi32, #tpu.memory_space<hbm>> -> memref<1x79x128xi32, #tpu.memory_space<hbm>>
        %dma_wait3A_80 = tpu.memref_squeeze %dma_wait3A_79 : memref<1x79x128xi32, #tpu.memory_space<hbm>> -> memref<79x128xi32, #tpu.memory_space<hbm>>
        tpu.wait_dma2 semaphore(%run_scoped3A : memref<!tpu.dma_semaphore, #tpu.memory_space<semaphore_mem>>) src(%dma_wait3A_80 : memref<79x128xi32, #tpu.memory_space<hbm>>) dst(%dma_wait3A_76 : memref<79x128xi32, #tpu.memory_space<vmem>>)
        tpu.yield
      }) : () -> ()
    } else {
    }
    %eq3A_22 = arith.constant 0 : i32
    %eq3A_23 = arith.cmpi eq, %arg0, %eq3A_22 : i32
    %jit3A = arith.constant 79 : i32
    %jit3A_24 = arith.constant 79 : i32
    %select_n3A = arith.select %eq3A_23, %jit3A, %jit3A_24 : i32
    %while3A = arith.constant 0 : i32
    %while3A_25 = arith.constant 0 : i32
    %while3A_26 = arith.subi %select_n3A, %while3A_25 : i32
    %while3A_27 = arith.addi %while3A_25, %while3A_26 : i32
    %while3A_28 = arith.constant 1 : i32
    %while3A_29 = arith.divsi %while3A_26, %while3A_28 : i32
    %while3A_30 = arith.muli %while3A_29, %while3A_28 : i32
    %while3A_31 = arith.addi %while3A_25, %while3A_30 : i32
    %while3A_32 = arith.constant 1 : i32
    scf.for %while3A_55 = %while3A_25 to %while3A_31 step %while3A_32  : i32 {
      %dma_start3A = arith.constant 0 : i32
      %dma_start3A_56 = tpu.memref_slice %arg8[%while3A_55, %dma_start3A] : memref<79x128xi32, #tpu.memory_space<vmem>> -> memref<1x128xi32, #tpu.memory_space<vmem>>
      %dma_start3A_57 = tpu.memref_squeeze %dma_start3A_56 : memref<1x128xi32, #tpu.memory_space<vmem>> -> memref<128xi32, #tpu.memory_space<vmem>>
      %dma_start3A_58 = arith.constant 0 : i32
      %dma_start3A_59 = arith.constant 0 : i32
      %dma_start3A_60 = tpu.memref_slice %arg2[%dma_start3A_58, %dma_start3A_59] : memref<10000x128xf32, #tpu.memory_space<hbm>> -> memref<10000x128xf32, #tpu.memory_space<hbm>>
      tpu.enqueue_indirect_dma source(%dma_start3A_60 : memref<10000x128xf32, #tpu.memory_space<hbm>>) target(%arg10 : memref<128x128xf32, #tpu.memory_space<vmem>>) offsets(%dma_start3A_57 : memref<128xi32, #tpu.memory_space<vmem>>) semaphore(%arg12 : memref<!tpu.dma_semaphore, #tpu.memory_space<semaphore_mem>>)
      %dma_wait3A = arith.constant 0 : i32
      %dma_wait3A_61 = tpu.memref_slice %arg8[%while3A_55, %dma_wait3A] : memref<79x128xi32, #tpu.memory_space<vmem>> -> memref<1x128xi32, #tpu.memory_space<vmem>>
      %dma_wait3A_62 = tpu.memref_squeeze %dma_wait3A_61 : memref<1x128xi32, #tpu.memory_space<vmem>> -> memref<128xi32, #tpu.memory_space<vmem>>
      %dma_wait3A_63 = arith.constant 0 : i32
      %dma_wait3A_64 = arith.constant 0 : i32
      %dma_wait3A_65 = tpu.memref_slice %arg2[%dma_wait3A_63, %dma_wait3A_64] : memref<10000x128xf32, #tpu.memory_space<hbm>> -> memref<10000x128xf32, #tpu.memory_space<hbm>>
      tpu.wait_indirect_dma semaphore(%arg12 : memref<!tpu.dma_semaphore, #tpu.memory_space<semaphore_mem>>) src(%dma_wait3A_65 : memref<10000x128xf32, #tpu.memory_space<hbm>>) dst(%arg10 : memref<128x128xf32, #tpu.memory_space<vmem>>)
      "tpu.region"() ({
        %run_scoped3A = tpu.sem_alloc : memref<!tpu.dma_semaphore, #tpu.memory_space<semaphore_mem>>
        %dma_start3A_66 = arith.constant 0 : i32
        %dma_start3A_67 = tpu.memref_slice %arg9[%while3A_55, %dma_start3A_66] : memref<79x128xi32, #tpu.memory_space<vmem>> -> memref<1x128xi32, #tpu.memory_space<vmem>>
        %dma_start3A_68 = tpu.memref_squeeze %dma_start3A_67 : memref<1x128xi32, #tpu.memory_space<vmem>> -> memref<128xi32, #tpu.memory_space<vmem>>
        %dma_start3A_69 = arith.constant 0 : i32
        %dma_start3A_70 = arith.constant 0 : i32
        %dma_start3A_71 = tpu.memref_slice %arg11[%dma_start3A_69, %dma_start3A_70] : memref<10240x128xf32, #tpu.memory_space<vmem_shared>> -> memref<10240x128xf32, #tpu.memory_space<vmem_shared>>
        tpu.enqueue_indirect_dma source(%arg10 : memref<128x128xf32, #tpu.memory_space<vmem>>) target(%dma_start3A_71 : memref<10240x128xf32, #tpu.memory_space<vmem_shared>>) offsets(%dma_start3A_68 : memref<128xi32, #tpu.memory_space<vmem>>) semaphore(%run_scoped3A : memref<!tpu.dma_semaphore, #tpu.memory_space<semaphore_mem>>) {add = true}
        %dma_wait3A_72 = arith.constant 0 : i32
        %dma_wait3A_73 = tpu.memref_slice %arg9[%while3A_55, %dma_wait3A_72] : memref<79x128xi32, #tpu.memory_space<vmem>> -> memref<1x128xi32, #tpu.memory_space<vmem>>
        %dma_wait3A_74 = tpu.memref_squeeze %dma_wait3A_73 : memref<1x128xi32, #tpu.memory_space<vmem>> -> memref<128xi32, #tpu.memory_space<vmem>>
        %dma_wait3A_75 = arith.constant 0 : i32
        %dma_wait3A_76 = arith.constant 0 : i32
        %dma_wait3A_77 = tpu.memref_slice %arg11[%dma_wait3A_75, %dma_wait3A_76] : memref<10240x128xf32, #tpu.memory_space<vmem_shared>> -> memref<10240x128xf32, #tpu.memory_space<vmem_shared>>
        tpu.wait_indirect_dma semaphore(%run_scoped3A : memref<!tpu.dma_semaphore, #tpu.memory_space<semaphore_mem>>) src(%arg10 : memref<128x128xf32, #tpu.memory_space<vmem>>) dst(%dma_wait3A_77 : memref<10240x128xf32, #tpu.memory_space<vmem_shared>>)
        tpu.yield
      }) : () -> ()
    }
    %while3A_33 = arith.constant 1 : i32
    scf.for %while3A_55 = %while3A_31 to %while3A_27 step %while3A_33  : i32 {
      %dma_start3A = arith.constant 0 : i32
      %dma_start3A_56 = tpu.memref_slice %arg8[%while3A_55, %dma_start3A] : memref<79x128xi32, #tpu.memory_space<vmem>> -> memref<1x128xi32, #tpu.memory_space<vmem>>
      %dma_start3A_57 = tpu.memref_squeeze %dma_start3A_56 : memref<1x128xi32, #tpu.memory_space<vmem>> -> memref<128xi32, #tpu.memory_space<vmem>>
      %dma_start3A_58 = arith.constant 0 : i32
      %dma_start3A_59 = arith.constant 0 : i32
      %dma_start3A_60 = tpu.memref_slice %arg2[%dma_start3A_58, %dma_start3A_59] : memref<10000x128xf32, #tpu.memory_space<hbm>> -> memref<10000x128xf32, #tpu.memory_space<hbm>>
      tpu.enqueue_indirect_dma source(%dma_start3A_60 : memref<10000x128xf32, #tpu.memory_space<hbm>>) target(%arg10 : memref<128x128xf32, #tpu.memory_space<vmem>>) offsets(%dma_start3A_57 : memref<128xi32, #tpu.memory_space<vmem>>) semaphore(%arg12 : memref<!tpu.dma_semaphore, #tpu.memory_space<semaphore_mem>>)
      %dma_wait3A = arith.constant 0 : i32
      %dma_wait3A_61 = tpu.memref_slice %arg8[%while3A_55, %dma_wait3A] : memref<79x128xi32, #tpu.memory_space<vmem>> -> memref<1x128xi32, #tpu.memory_space<vmem>>
      %dma_wait3A_62 = tpu.memref_squeeze %dma_wait3A_61 : memref<1x128xi32, #tpu.memory_space<vmem>> -> memref<128xi32, #tpu.memory_space<vmem>>
      %dma_wait3A_63 = arith.constant 0 : i32
      %dma_wait3A_64 = arith.constant 0 : i32
      %dma_wait3A_65 = tpu.memref_slice %arg2[%dma_wait3A_63, %dma_wait3A_64] : memref<10000x128xf32, #tpu.memory_space<hbm>> -> memref<10000x128xf32, #tpu.memory_space<hbm>>
      tpu.wait_indirect_dma semaphore(%arg12 : memref<!tpu.dma_semaphore, #tpu.memory_space<semaphore_mem>>) src(%dma_wait3A_65 : memref<10000x128xf32, #tpu.memory_space<hbm>>) dst(%arg10 : memref<128x128xf32, #tpu.memory_space<vmem>>)
      "tpu.region"() ({
        %run_scoped3A = tpu.sem_alloc : memref<!tpu.dma_semaphore, #tpu.memory_space<semaphore_mem>>
        %dma_start3A_66 = arith.constant 0 : i32
        %dma_start3A_67 = tpu.memref_slice %arg9[%while3A_55, %dma_start3A_66] : memref<79x128xi32, #tpu.memory_space<vmem>> -> memref<1x128xi32, #tpu.memory_space<vmem>>
        %dma_start3A_68 = tpu.memref_squeeze %dma_start3A_67 : memref<1x128xi32, #tpu.memory_space<vmem>> -> memref<128xi32, #tpu.memory_space<vmem>>
        %dma_start3A_69 = arith.constant 0 : i32
        %dma_start3A_70 = arith.constant 0 : i32
        %dma_start3A_71 = tpu.memref_slice %arg11[%dma_start3A_69, %dma_start3A_70] : memref<10240x128xf32, #tpu.memory_space<vmem_shared>> -> memref<10240x128xf32, #tpu.memory_space<vmem_shared>>
        tpu.enqueue_indirect_dma source(%arg10 : memref<128x128xf32, #tpu.memory_space<vmem>>) target(%dma_start3A_71 : memref<10240x128xf32, #tpu.memory_space<vmem_shared>>) offsets(%dma_start3A_68 : memref<128xi32, #tpu.memory_space<vmem>>) semaphore(%run_scoped3A : memref<!tpu.dma_semaphore, #tpu.memory_space<semaphore_mem>>) {add = true}
        %dma_wait3A_72 = arith.constant 0 : i32
        %dma_wait3A_73 = tpu.memref_slice %arg9[%while3A_55, %dma_wait3A_72] : memref<79x128xi32, #tpu.memory_space<vmem>> -> memref<1x128xi32, #tpu.memory_space<vmem>>
        %dma_wait3A_74 = tpu.memref_squeeze %dma_wait3A_73 : memref<1x128xi32, #tpu.memory_space<vmem>> -> memref<128xi32, #tpu.memory_space<vmem>>
        %dma_wait3A_75 = arith.constant 0 : i32
        %dma_wait3A_76 = arith.constant 0 : i32
        %dma_wait3A_77 = tpu.memref_slice %arg11[%dma_wait3A_75, %dma_wait3A_76] : memref<10240x128xf32, #tpu.memory_space<vmem_shared>> -> memref<10240x128xf32, #tpu.memory_space<vmem_shared>>
        tpu.wait_indirect_dma semaphore(%run_scoped3A : memref<!tpu.dma_semaphore, #tpu.memory_space<semaphore_mem>>) src(%arg10 : memref<128x128xf32, #tpu.memory_space<vmem>>) dst(%dma_wait3A_77 : memref<10240x128xf32, #tpu.memory_space<vmem_shared>>)
        tpu.yield
      }) : () -> ()
    }
    %barrier3A_34 = arith.constant 0 : index
    tpu.barrier barrier_id(%barrier3A_34)
    %add3A_35 = arith.constant 0 : i32
    %add3A_36 = arith.addi %mul3A_0, %add3A_35 : i32
    "tpu.region"() ({
      %run_scoped3A = tpu.sem_alloc : memref<!tpu.dma_semaphore, #tpu.memory_space<semaphore_mem>>
      %dma_start3A = arith.constant 0 : i32
      %dma_start3A_55 = arith.constant 0 : i32
      %dma_start3A_56 = tpu.memref_slice %arg10[%dma_start3A, %dma_start3A_55] : memref<128x128xf32, #tpu.memory_space<vmem>> -> memref<128x128xf32, #tpu.memory_space<vmem>>
      %dma_start3A_57 = arith.constant 0 : i32
      %dma_start3A_58 = tpu.memref_slice %arg11[%add3A_36, %dma_start3A_57] : memref<10240x128xf32, #tpu.memory_space<vmem_shared>> -> memref<128x128xf32, #tpu.memory_space<vmem_shared>>
      %dma_start3A_59 = arith.constant 0 : i32
      %dma_start3A_60 = arith.constant 0 : i32
      %dma_start3A_61 = tpu.memref_slice %arg10[%dma_start3A_59, %dma_start3A_60] : memref<128x128xf32, #tpu.memory_space<vmem>> -> memref<128x128xf32, #tpu.memory_space<vmem>>
      %dma_start3A_62 = arith.constant 0 : i32
      %dma_start3A_63 = tpu.memref_slice %arg11[%add3A_36, %dma_start3A_62] : memref<10240x128xf32, #tpu.memory_space<vmem_shared>> -> memref<128x128xf32, #tpu.memory_space<vmem_shared>>
      tpu.enqueue_dma source(%dma_start3A_63 : memref<128x128xf32, #tpu.memory_space<vmem_shared>>) target(%dma_start3A_61 : memref<128x128xf32, #tpu.memory_space<vmem>>) target_semaphore(%run_scoped3A : memref<!tpu.dma_semaphore, #tpu.memory_space<semaphore_mem>>)
      %dma_wait3A = arith.constant 0 : i32
      %dma_wait3A_64 = arith.constant 0 : i32
      %dma_wait3A_65 = tpu.memref_slice %arg10[%dma_wait3A, %dma_wait3A_64] : memref<128x128xf32, #tpu.memory_space<vmem>> -> memref<128x128xf32, #tpu.memory_space<vmem>>
      %dma_wait3A_66 = arith.constant 0 : i32
      %dma_wait3A_67 = tpu.memref_slice %arg11[%add3A_36, %dma_wait3A_66] : memref<10240x128xf32, #tpu.memory_space<vmem_shared>> -> memref<128x128xf32, #tpu.memory_space<vmem_shared>>
      %dma_wait3A_68 = arith.constant 0 : i32
      %dma_wait3A_69 = arith.constant 0 : i32
      %dma_wait3A_70 = tpu.memref_slice %arg10[%dma_wait3A_68, %dma_wait3A_69] : memref<128x128xf32, #tpu.memory_space<vmem>> -> memref<128x128xf32, #tpu.memory_space<vmem>>
      %dma_wait3A_71 = arith.constant 0 : i32
      %dma_wait3A_72 = tpu.memref_slice %arg11[%add3A_36, %dma_wait3A_71] : memref<10240x128xf32, #tpu.memory_space<vmem_shared>> -> memref<128x128xf32, #tpu.memory_space<vmem_shared>>
      tpu.wait_dma2 semaphore(%run_scoped3A : memref<!tpu.dma_semaphore, #tpu.memory_space<semaphore_mem>>) src(%dma_wait3A_72 : memref<128x128xf32, #tpu.memory_space<vmem_shared>>) dst(%dma_wait3A_70 : memref<128x128xf32, #tpu.memory_space<vmem>>)
      tpu.yield
    }) : () -> ()
    %add3A_37 = arith.constant 0 : i32
    %add3A_38 = arith.addi %mul3A_0, %add3A_37 : i32
    "tpu.region"() ({
      %run_scoped3A = tpu.sem_alloc : memref<!tpu.dma_semaphore, #tpu.memory_space<semaphore_mem>>
      %dma_start3A = arith.constant 0 : i32
      %dma_start3A_55 = arith.constant 0 : i32
      %dma_start3A_56 = tpu.memref_slice %arg10[%dma_start3A, %dma_start3A_55] : memref<128x128xf32, #tpu.memory_space<vmem>> -> memref<128x128xf32, #tpu.memory_space<vmem>>
      %dma_start3A_57 = arith.constant 0 : i32
      %dma_start3A_58 = tpu.memref_slice %arg7[%arg0, %add3A_38, %dma_start3A_57] : memref<2x10240x128xf32, #tpu.memory_space<hbm>> -> memref<1x128x128xf32, #tpu.memory_space<hbm>>
      %dma_start3A_59 = tpu.memref_squeeze %dma_start3A_58 : memref<1x128x128xf32, #tpu.memory_space<hbm>> -> memref<128x128xf32, #tpu.memory_space<hbm>>
      %dma_start3A_60 = arith.constant 0 : i32
      %dma_start3A_61 = tpu.memref_slice %arg7[%arg0, %add3A_38, %dma_start3A_60] : memref<2x10240x128xf32, #tpu.memory_space<hbm>> -> memref<1x128x128xf32, #tpu.memory_space<hbm>>
      %dma_start3A_62 = tpu.memref_squeeze %dma_start3A_61 : memref<1x128x128xf32, #tpu.memory_space<hbm>> -> memref<128x128xf32, #tpu.memory_space<hbm>>
      %dma_start3A_63 = arith.constant 0 : i32
      %dma_start3A_64 = arith.constant 0 : i32
      %dma_start3A_65 = tpu.memref_slice %arg10[%dma_start3A_63, %dma_start3A_64] : memref<128x128xf32, #tpu.memory_space<vmem>> -> memref<128x128xf32, #tpu.memory_space<vmem>>
      tpu.enqueue_dma source(%dma_start3A_65 : memref<128x128xf32, #tpu.memory_space<vmem>>) target(%dma_start3A_62 : memref<128x128xf32, #tpu.memory_space<hbm>>) target_semaphore(%run_scoped3A : memref<!tpu.dma_semaphore, #tpu.memory_space<semaphore_mem>>)
      %dma_wait3A = arith.constant 0 : i32
      %dma_wait3A_66 = arith.constant 0 : i32
      %dma_wait3A_67 = tpu.memref_slice %arg10[%dma_wait3A, %dma_wait3A_66] : memref<128x128xf32, #tpu.memory_space<vmem>> -> memref<128x128xf32, #tpu.memory_space<vmem>>
      %dma_wait3A_68 = arith.constant 0 : i32
      %dma_wait3A_69 = tpu.memref_slice %arg7[%arg0, %add3A_38, %dma_wait3A_68] : memref<2x10240x128xf32, #tpu.memory_space<hbm>> -> memref<1x128x128xf32, #tpu.memory_space<hbm>>
      %dma_wait3A_70 = tpu.memref_squeeze %dma_wait3A_69 : memref<1x128x128xf32, #tpu.memory_space<hbm>> -> memref<128x128xf32, #tpu.memory_space<hbm>>
      %dma_wait3A_71 = arith.constant 0 : i32
      %dma_wait3A_72 = tpu.memref_slice %arg7[%arg0, %add3A_38, %dma_wait3A_71] : memref<2x10240x128xf32, #tpu.memory_space<hbm>> -> memref<1x128x128xf32, #tpu.memory_space<hbm>>
      %dma_wait3A_73 = tpu.memref_squeeze %dma_wait3A_72 : memref<1x128x128xf32, #tpu.memory_space<hbm>> -> memref<128x128xf32, #tpu.memory_space<hbm>>
      %dma_wait3A_74 = arith.constant 0 : i32
      %dma_wait3A_75 = arith.constant 0 : i32
      %dma_wait3A_76 = tpu.memref_slice %arg10[%dma_wait3A_74, %dma_wait3A_75] : memref<128x128xf32, #tpu.memory_space<vmem>> -> memref<128x128xf32, #tpu.memory_space<vmem>>
      tpu.wait_dma2 semaphore(%run_scoped3A : memref<!tpu.dma_semaphore, #tpu.memory_space<semaphore_mem>>) src(%dma_wait3A_76 : memref<128x128xf32, #tpu.memory_space<vmem>>) dst(%dma_wait3A_73 : memref<128x128xf32, #tpu.memory_space<hbm>>)
      tpu.yield
    }) : () -> ()
    %add3A_39 = arith.constant 128 : i32
    %add3A_40 = arith.addi %mul3A_0, %add3A_39 : i32
    "tpu.region"() ({
      %run_scoped3A = tpu.sem_alloc : memref<!tpu.dma_semaphore, #tpu.memory_space<semaphore_mem>>
      %dma_start3A = arith.constant 0 : i32
      %dma_start3A_55 = arith.constant 0 : i32
      %dma_start3A_56 = tpu.memref_slice %arg10[%dma_start3A, %dma_start3A_55] : memref<128x128xf32, #tpu.memory_space<vmem>> -> memref<128x128xf32, #tpu.memory_space<vmem>>
      %dma_start3A_57 = arith.constant 0 : i32
      %dma_start3A_58 = tpu.memref_slice %arg11[%add3A_40, %dma_start3A_57] : memref<10240x128xf32, #tpu.memory_space<vmem_shared>> -> memref<128x128xf32, #tpu.memory_space<vmem_shared>>
      %dma_start3A_59 = arith.constant 0 : i32
      %dma_start3A_60 = arith.constant 0 : i32
      %dma_start3A_61 = tpu.memref_slice %arg10[%dma_start3A_59, %dma_start3A_60] : memref<128x128xf32, #tpu.memory_space<vmem>> -> memref<128x128xf32, #tpu.memory_space<vmem>>
      %dma_start3A_62 = arith.constant 0 : i32
      %dma_start3A_63 = tpu.memref_slice %arg11[%add3A_40, %dma_start3A_62] : memref<10240x128xf32, #tpu.memory_space<vmem_shared>> -> memref<128x128xf32, #tpu.memory_space<vmem_shared>>
      tpu.enqueue_dma source(%dma_start3A_63 : memref<128x128xf32, #tpu.memory_space<vmem_shared>>) target(%dma_start3A_61 : memref<128x128xf32, #tpu.memory_space<vmem>>) target_semaphore(%run_scoped3A : memref<!tpu.dma_semaphore, #tpu.memory_space<semaphore_mem>>)
      %dma_wait3A = arith.constant 0 : i32
      %dma_wait3A_64 = arith.constant 0 : i32
      %dma_wait3A_65 = tpu.memref_slice %arg10[%dma_wait3A, %dma_wait3A_64] : memref<128x128xf32, #tpu.memory_space<vmem>> -> memref<128x128xf32, #tpu.memory_space<vmem>>
      %dma_wait3A_66 = arith.constant 0 : i32
      %dma_wait3A_67 = tpu.memref_slice %arg11[%add3A_40, %dma_wait3A_66] : memref<10240x128xf32, #tpu.memory_space<vmem_shared>> -> memref<128x128xf32, #tpu.memory_space<vmem_shared>>
      %dma_wait3A_68 = arith.constant 0 : i32
      %dma_wait3A_69 = arith.constant 0 : i32
      %dma_wait3A_70 = tpu.memref_slice %arg10[%dma_wait3A_68, %dma_wait3A_69] : memref<128x128xf32, #tpu.memory_space<vmem>> -> memref<128x128xf32, #tpu.memory_space<vmem>>
      %dma_wait3A_71 = arith.constant 0 : i32
      %dma_wait3A_72 = tpu.memref_slice %arg11[%add3A_40, %dma_wait3A_71] : memref<10240x128xf32, #tpu.memory_space<vmem_shared>> -> memref<128x128xf32, #tpu.memory_space<vmem_shared>>
      tpu.wait_dma2 semaphore(%run_scoped3A : memref<!tpu.dma_semaphore, #tpu.memory_space<semaphore_mem>>) src(%dma_wait3A_72 : memref<128x128xf32, #tpu.memory_space<vmem_shared>>) dst(%dma_wait3A_70 : memref<128x128xf32, #tpu.memory_space<vmem>>)
      tpu.yield
    }) : () -> ()
    %add3A_41 = arith.constant 128 : i32
    %add3A_42 = arith.addi %mul3A_0, %add3A_41 : i32
    "tpu.region"() ({
      %run_scoped3A = tpu.sem_alloc : memref<!tpu.dma_semaphore, #tpu.memory_space<semaphore_mem>>
      %dma_start3A = arith.constant 0 : i32
      %dma_start3A_55 = arith.constant 0 : i32
      %dma_start3A_56 = tpu.memref_slice %arg10[%dma_start3A, %dma_start3A_55] : memref<128x128xf32, #tpu.memory_space<vmem>> -> memref<128x128xf32, #tpu.memory_space<vmem>>
      %dma_start3A_57 = arith.constant 0 : i32
      %dma_start3A_58 = tpu.memref_slice %arg7[%arg0, %add3A_42, %dma_start3A_57] : memref<2x10240x128xf32, #tpu.memory_space<hbm>> -> memref<1x128x128xf32, #tpu.memory_space<hbm>>
      %dma_start3A_59 = tpu.memref_squeeze %dma_start3A_58 : memref<1x128x128xf32, #tpu.memory_space<hbm>> -> memref<128x128xf32, #tpu.memory_space<hbm>>
      %dma_start3A_60 = arith.constant 0 : i32
      %dma_start3A_61 = tpu.memref_slice %arg7[%arg0, %add3A_42, %dma_start3A_60] : memref<2x10240x128xf32, #tpu.memory_space<hbm>> -> memref<1x128x128xf32, #tpu.memory_space<hbm>>
      %dma_start3A_62 = tpu.memref_squeeze %dma_start3A_61 : memref<1x128x128xf32, #tpu.memory_space<hbm>> -> memref<128x128xf32, #tpu.memory_space<hbm>>
      %dma_start3A_63 = arith.constant 0 : i32
      %dma_start3A_64 = arith.constant 0 : i32
      %dma_start3A_65 = tpu.memref_slice %arg10[%dma_start3A_63, %dma_start3A_64] : memref<128x128xf32, #tpu.memory_space<vmem>> -> memref<128x128xf32, #tpu.memory_space<vmem>>
      tpu.enqueue_dma source(%dma_start3A_65 : memref<128x128xf32, #tpu.memory_space<vmem>>) target(%dma_start3A_62 : memref<128x128xf32, #tpu.memory_space<hbm>>) target_semaphore(%run_scoped3A : memref<!tpu.dma_semaphore, #tpu.memory_space<semaphore_mem>>)
      %dma_wait3A = arith.constant 0 : i32
      %dma_wait3A_66 = arith.constant 0 : i32
      %dma_wait3A_67 = tpu.memref_slice %arg10[%dma_wait3A, %dma_wait3A_66] : memref<128x128xf32, #tpu.memory_space<vmem>> -> memref<128x128xf32, #tpu.memory_space<vmem>>
      %dma_wait3A_68 = arith.constant 0 : i32
      %dma_wait3A_69 = tpu.memref_slice %arg7[%arg0, %add3A_42, %dma_wait3A_68] : memref<2x10240x128xf32, #tpu.memory_space<hbm>> -> memref<1x128x128xf32, #tpu.memory_space<hbm>>
      %dma_wait3A_70 = tpu.memref_squeeze %dma_wait3A_69 : memref<1x128x128xf32, #tpu.memory_space<hbm>> -> memref<128x128xf32, #tpu.memory_space<hbm>>
      %dma_wait3A_71 = arith.constant 0 : i32
      %dma_wait3A_72 = tpu.memref_slice %arg7[%arg0, %add3A_42, %dma_wait3A_71] : memref<2x10240x128xf32, #tpu.memory_space<hbm>> -> memref<1x128x128xf32, #tpu.memory_space<hbm>>
      %dma_wait3A_73 = tpu.memref_squeeze %dma_wait3A_72 : memref<1x128x128xf32, #tpu.memory_space<hbm>> -> memref<128x128xf32, #tpu.memory_space<hbm>>
      %dma_wait3A_74 = arith.constant 0 : i32
      %dma_wait3A_75 = arith.constant 0 : i32
      %dma_wait3A_76 = tpu.memref_slice %arg10[%dma_wait3A_74, %dma_wait3A_75] : memref<128x128xf32, #tpu.memory_space<vmem>> -> memref<128x128xf32, #tpu.memory_space<vmem>>
      tpu.wait_dma2 semaphore(%run_scoped3A : memref<!tpu.dma_semaphore, #tpu.memory_space<semaphore_mem>>) src(%dma_wait3A_76 : memref<128x128xf32, #tpu.memory_space<vmem>>) dst(%dma_wait3A_73 : memref<128x128xf32, #tpu.memory_space<hbm>>)
      tpu.yield
    }) : () -> ()
    %add3A_43 = arith.constant 256 : i32
    %add3A_44 = arith.addi %mul3A_0, %add3A_43 : i32
    "tpu.region"() ({
      %run_scoped3A = tpu.sem_alloc : memref<!tpu.dma_semaphore, #tpu.memory_space<semaphore_mem>>
      %dma_start3A = arith.constant 0 : i32
      %dma_start3A_55 = arith.constant 0 : i32
      %dma_start3A_56 = tpu.memref_slice %arg10[%dma_start3A, %dma_start3A_55] : memref<128x128xf32, #tpu.memory_space<vmem>> -> memref<128x128xf32, #tpu.memory_space<vmem>>
      %dma_start3A_57 = arith.constant 0 : i32
      %dma_start3A_58 = tpu.memref_slice %arg11[%add3A_44, %dma_start3A_57] : memref<10240x128xf32, #tpu.memory_space<vmem_shared>> -> memref<128x128xf32, #tpu.memory_space<vmem_shared>>
      %dma_start3A_59 = arith.constant 0 : i32
      %dma_start3A_60 = arith.constant 0 : i32
      %dma_start3A_61 = tpu.memref_slice %arg10[%dma_start3A_59, %dma_start3A_60] : memref<128x128xf32, #tpu.memory_space<vmem>> -> memref<128x128xf32, #tpu.memory_space<vmem>>
      %dma_start3A_62 = arith.constant 0 : i32
      %dma_start3A_63 = tpu.memref_slice %arg11[%add3A_44, %dma_start3A_62] : memref<10240x128xf32, #tpu.memory_space<vmem_shared>> -> memref<128x128xf32, #tpu.memory_space<vmem_shared>>
      tpu.enqueue_dma source(%dma_start3A_63 : memref<128x128xf32, #tpu.memory_space<vmem_shared>>) target(%dma_start3A_61 : memref<128x128xf32, #tpu.memory_space<vmem>>) target_semaphore(%run_scoped3A : memref<!tpu.dma_semaphore, #tpu.memory_space<semaphore_mem>>)
      %dma_wait3A = arith.constant 0 : i32
      %dma_wait3A_64 = arith.constant 0 : i32
      %dma_wait3A_65 = tpu.memref_slice %arg10[%dma_wait3A, %dma_wait3A_64] : memref<128x128xf32, #tpu.memory_space<vmem>> -> memref<128x128xf32, #tpu.memory_space<vmem>>
      %dma_wait3A_66 = arith.constant 0 : i32
      %dma_wait3A_67 = tpu.memref_slice %arg11[%add3A_44, %dma_wait3A_66] : memref<10240x128xf32, #tpu.memory_space<vmem_shared>> -> memref<128x128xf32, #tpu.memory_space<vmem_shared>>
      %dma_wait3A_68 = arith.constant 0 : i32
      %dma_wait3A_69 = arith.constant 0 : i32
      %dma_wait3A_70 = tpu.memref_slice %arg10[%dma_wait3A_68, %dma_wait3A_69] : memref<128x128xf32, #tpu.memory_space<vmem>> -> memref<128x128xf32, #tpu.memory_space<vmem>>
      %dma_wait3A_71 = arith.constant 0 : i32
      %dma_wait3A_72 = tpu.memref_slice %arg11[%add3A_44, %dma_wait3A_71] : memref<10240x128xf32, #tpu.memory_space<vmem_shared>> -> memref<128x128xf32, #tpu.memory_space<vmem_shared>>
      tpu.wait_dma2 semaphore(%run_scoped3A : memref<!tpu.dma_semaphore, #tpu.memory_space<semaphore_mem>>) src(%dma_wait3A_72 : memref<128x128xf32, #tpu.memory_space<vmem_shared>>) dst(%dma_wait3A_70 : memref<128x128xf32, #tpu.memory_space<vmem>>)
      tpu.yield
    }) : () -> ()
    %add3A_45 = arith.constant 256 : i32
    %add3A_46 = arith.addi %mul3A_0, %add3A_45 : i32
    "tpu.region"() ({
      %run_scoped3A = tpu.sem_alloc : memref<!tpu.dma_semaphore, #tpu.memory_space<semaphore_mem>>
      %dma_start3A = arith.constant 0 : i32
      %dma_start3A_55 = arith.constant 0 : i32
      %dma_start3A_56 = tpu.memref_slice %arg10[%dma_start3A, %dma_start3A_55] : memref<128x128xf32, #tpu.memory_space<vmem>> -> memref<128x128xf32, #tpu.memory_space<vmem>>
      %dma_start3A_57 = arith.constant 0 : i32
      %dma_start3A_58 = tpu.memref_slice %arg7[%arg0, %add3A_46, %dma_start3A_57] : memref<2x10240x128xf32, #tpu.memory_space<hbm>> -> memref<1x128x128xf32, #tpu.memory_space<hbm>>
      %dma_start3A_59 = tpu.memref_squeeze %dma_start3A_58 : memref<1x128x128xf32, #tpu.memory_space<hbm>> -> memref<128x128xf32, #tpu.memory_space<hbm>>
      %dma_start3A_60 = arith.constant 0 : i32
      %dma_start3A_61 = tpu.memref_slice %arg7[%arg0, %add3A_46, %dma_start3A_60] : memref<2x10240x128xf32, #tpu.memory_space<hbm>> -> memref<1x128x128xf32, #tpu.memory_space<hbm>>
      %dma_start3A_62 = tpu.memref_squeeze %dma_start3A_61 : memref<1x128x128xf32, #tpu.memory_space<hbm>> -> memref<128x128xf32, #tpu.memory_space<hbm>>
      %dma_start3A_63 = arith.constant 0 : i32
      %dma_start3A_64 = arith.constant 0 : i32
      %dma_start3A_65 = tpu.memref_slice %arg10[%dma_start3A_63, %dma_start3A_64] : memref<128x128xf32, #tpu.memory_space<vmem>> -> memref<128x128xf32, #tpu.memory_space<vmem>>
      tpu.enqueue_dma source(%dma_start3A_65 : memref<128x128xf32, #tpu.memory_space<vmem>>) target(%dma_start3A_62 : memref<128x128xf32, #tpu.memory_space<hbm>>) target_semaphore(%run_scoped3A : memref<!tpu.dma_semaphore, #tpu.memory_space<semaphore_mem>>)
      %dma_wait3A = arith.constant 0 : i32
      %dma_wait3A_66 = arith.constant 0 : i32
      %dma_wait3A_67 = tpu.memref_slice %arg10[%dma_wait3A, %dma_wait3A_66] : memref<128x128xf32, #tpu.memory_space<vmem>> -> memref<128x128xf32, #tpu.memory_space<vmem>>
      %dma_wait3A_68 = arith.constant 0 : i32
      %dma_wait3A_69 = tpu.memref_slice %arg7[%arg0, %add3A_46, %dma_wait3A_68] : memref<2x10240x128xf32, #tpu.memory_space<hbm>> -> memref<1x128x128xf32, #tpu.memory_space<hbm>>
      %dma_wait3A_70 = tpu.memref_squeeze %dma_wait3A_69 : memref<1x128x128xf32, #tpu.memory_space<hbm>> -> memref<128x128xf32, #tpu.memory_space<hbm>>
      %dma_wait3A_71 = arith.constant 0 : i32
      %dma_wait3A_72 = tpu.memref_slice %arg7[%arg0, %add3A_46, %dma_wait3A_71] : memref<2x10240x128xf32, #tpu.memory_space<hbm>> -> memref<1x128x128xf32, #tpu.memory_space<hbm>>
      %dma_wait3A_73 = tpu.memref_squeeze %dma_wait3A_72 : memref<1x128x128xf32, #tpu.memory_space<hbm>> -> memref<128x128xf32, #tpu.memory_space<hbm>>
      %dma_wait3A_74 = arith.constant 0 : i32
      %dma_wait3A_75 = arith.constant 0 : i32
      %dma_wait3A_76 = tpu.memref_slice %arg10[%dma_wait3A_74, %dma_wait3A_75] : memref<128x128xf32, #tpu.memory_space<vmem>> -> memref<128x128xf32, #tpu.memory_space<vmem>>
      tpu.wait_dma2 semaphore(%run_scoped3A : memref<!tpu.dma_semaphore, #tpu.memory_space<semaphore_mem>>) src(%dma_wait3A_76 : memref<128x128xf32, #tpu.memory_space<vmem>>) dst(%dma_wait3A_73 : memref<128x128xf32, #tpu.memory_space<hbm>>)
      tpu.yield
    }) : () -> ()
    %add3A_47 = arith.constant 384 : i32
    %add3A_48 = arith.addi %mul3A_0, %add3A_47 : i32
    "tpu.region"() ({
      %run_scoped3A = tpu.sem_alloc : memref<!tpu.dma_semaphore, #tpu.memory_space<semaphore_mem>>
      %dma_start3A = arith.constant 0 : i32
      %dma_start3A_55 = arith.constant 0 : i32
      %dma_start3A_56 = tpu.memref_slice %arg10[%dma_start3A, %dma_start3A_55] : memref<128x128xf32, #tpu.memory_space<vmem>> -> memref<128x128xf32, #tpu.memory_space<vmem>>
      %dma_start3A_57 = arith.constant 0 : i32
      %dma_start3A_58 = tpu.memref_slice %arg11[%add3A_48, %dma_start3A_57] : memref<10240x128xf32, #tpu.memory_space<vmem_shared>> -> memref<128x128xf32, #tpu.memory_space<vmem_shared>>
      %dma_start3A_59 = arith.constant 0 : i32
      %dma_start3A_60 = arith.constant 0 : i32
      %dma_start3A_61 = tpu.memref_slice %arg10[%dma_start3A_59, %dma_start3A_60] : memref<128x128xf32, #tpu.memory_space<vmem>> -> memref<128x128xf32, #tpu.memory_space<vmem>>
      %dma_start3A_62 = arith.constant 0 : i32
      %dma_start3A_63 = tpu.memref_slice %arg11[%add3A_48, %dma_start3A_62] : memref<10240x128xf32, #tpu.memory_space<vmem_shared>> -> memref<128x128xf32, #tpu.memory_space<vmem_shared>>
      tpu.enqueue_dma source(%dma_start3A_63 : memref<128x128xf32, #tpu.memory_space<vmem_shared>>) target(%dma_start3A_61 : memref<128x128xf32, #tpu.memory_space<vmem>>) target_semaphore(%run_scoped3A : memref<!tpu.dma_semaphore, #tpu.memory_space<semaphore_mem>>)
      %dma_wait3A = arith.constant 0 : i32
      %dma_wait3A_64 = arith.constant 0 : i32
      %dma_wait3A_65 = tpu.memref_slice %arg10[%dma_wait3A, %dma_wait3A_64] : memref<128x128xf32, #tpu.memory_space<vmem>> -> memref<128x128xf32, #tpu.memory_space<vmem>>
      %dma_wait3A_66 = arith.constant 0 : i32
      %dma_wait3A_67 = tpu.memref_slice %arg11[%add3A_48, %dma_wait3A_66] : memref<10240x128xf32, #tpu.memory_space<vmem_shared>> -> memref<128x128xf32, #tpu.memory_space<vmem_shared>>
      %dma_wait3A_68 = arith.constant 0 : i32
      %dma_wait3A_69 = arith.constant 0 : i32
      %dma_wait3A_70 = tpu.memref_slice %arg10[%dma_wait3A_68, %dma_wait3A_69] : memref<128x128xf32, #tpu.memory_space<vmem>> -> memref<128x128xf32, #tpu.memory_space<vmem>>
      %dma_wait3A_71 = arith.constant 0 : i32
      %dma_wait3A_72 = tpu.memref_slice %arg11[%add3A_48, %dma_wait3A_71] : memref<10240x128xf32, #tpu.memory_space<vmem_shared>> -> memref<128x128xf32, #tpu.memory_space<vmem_shared>>
      tpu.wait_dma2 semaphore(%run_scoped3A : memref<!tpu.dma_semaphore, #tpu.memory_space<semaphore_mem>>) src(%dma_wait3A_72 : memref<128x128xf32, #tpu.memory_space<vmem_shared>>) dst(%dma_wait3A_70 : memref<128x128xf32, #tpu.memory_space<vmem>>)
      tpu.yield
    }) : () -> ()
    %add3A_49 = arith.constant 384 : i32
    %add3A_50 = arith.addi %mul3A_0, %add3A_49 : i32
    "tpu.region"() ({
      %run_scoped3A = tpu.sem_alloc : memref<!tpu.dma_semaphore, #tpu.memory_space<semaphore_mem>>
      %dma_start3A = arith.constant 0 : i32
      %dma_start3A_55 = arith.constant 0 : i32
      %dma_start3A_56 = tpu.memref_slice %arg10[%dma_start3A, %dma_start3A_55] : memref<128x128xf32, #tpu.memory_space<vmem>> -> memref<128x128xf32, #tpu.memory_space<vmem>>
      %dma_start3A_57 = arith.constant 0 : i32
      %dma_start3A_58 = tpu.memref_slice %arg7[%arg0, %add3A_50, %dma_start3A_57] : memref<2x10240x128xf32, #tpu.memory_space<hbm>> -> memref<1x128x128xf32, #tpu.memory_space<hbm>>
      %dma_start3A_59 = tpu.memref_squeeze %dma_start3A_58 : memref<1x128x128xf32, #tpu.memory_space<hbm>> -> memref<128x128xf32, #tpu.memory_space<hbm>>
      %dma_start3A_60 = arith.constant 0 : i32
      %dma_start3A_61 = tpu.memref_slice %arg7[%arg0, %add3A_50, %dma_start3A_60] : memref<2x10240x128xf32, #tpu.memory_space<hbm>> -> memref<1x128x128xf32, #tpu.memory_space<hbm>>
      %dma_start3A_62 = tpu.memref_squeeze %dma_start3A_61 : memref<1x128x128xf32, #tpu.memory_space<hbm>> -> memref<128x128xf32, #tpu.memory_space<hbm>>
      %dma_start3A_63 = arith.constant 0 : i32
      %dma_start3A_64 = arith.constant 0 : i32
      %dma_start3A_65 = tpu.memref_slice %arg10[%dma_start3A_63, %dma_start3A_64] : memref<128x128xf32, #tpu.memory_space<vmem>> -> memref<128x128xf32, #tpu.memory_space<vmem>>
      tpu.enqueue_dma source(%dma_start3A_65 : memref<128x128xf32, #tpu.memory_space<vmem>>) target(%dma_start3A_62 : memref<128x128xf32, #tpu.memory_space<hbm>>) target_semaphore(%run_scoped3A : memref<!tpu.dma_semaphore, #tpu.memory_space<semaphore_mem>>)
      %dma_wait3A = arith.constant 0 : i32
      %dma_wait3A_66 = arith.constant 0 : i32
      %dma_wait3A_67 = tpu.memref_slice %arg10[%dma_wait3A, %dma_wait3A_66] : memref<128x128xf32, #tpu.memory_space<vmem>> -> memref<128x128xf32, #tpu.memory_space<vmem>>
      %dma_wait3A_68 = arith.constant 0 : i32
      %dma_wait3A_69 = tpu.memref_slice %arg7[%arg0, %add3A_50, %dma_wait3A_68] : memref<2x10240x128xf32, #tpu.memory_space<hbm>> -> memref<1x128x128xf32, #tpu.memory_space<hbm>>
      %dma_wait3A_70 = tpu.memref_squeeze %dma_wait3A_69 : memref<1x128x128xf32, #tpu.memory_space<hbm>> -> memref<128x128xf32, #tpu.memory_space<hbm>>
      %dma_wait3A_71 = arith.constant 0 : i32
      %dma_wait3A_72 = tpu.memref_slice %arg7[%arg0, %add3A_50, %dma_wait3A_71] : memref<2x10240x128xf32, #tpu.memory_space<hbm>> -> memref<1x128x128xf32, #tpu.memory_space<hbm>>
      %dma_wait3A_73 = tpu.memref_squeeze %dma_wait3A_72 : memref<1x128x128xf32, #tpu.memory_space<hbm>> -> memref<128x128xf32, #tpu.memory_space<hbm>>
      %dma_wait3A_74 = arith.constant 0 : i32
      %dma_wait3A_75 = arith.constant 0 : i32
      %dma_wait3A_76 = tpu.memref_slice %arg10[%dma_wait3A_74, %dma_wait3A_75] : memref<128x128xf32, #tpu.memory_space<vmem>> -> memref<128x128xf32, #tpu.memory_space<vmem>>
      tpu.wait_dma2 semaphore(%run_scoped3A : memref<!tpu.dma_semaphore, #tpu.memory_space<semaphore_mem>>) src(%dma_wait3A_76 : memref<128x128xf32, #tpu.memory_space<vmem>>) dst(%dma_wait3A_73 : memref<128x128xf32, #tpu.memory_space<hbm>>)
      tpu.yield
    }) : () -> ()
    %add3A_51 = arith.constant 512 : i32
    %add3A_52 = arith.addi %mul3A_0, %add3A_51 : i32
    "tpu.region"() ({
      %run_scoped3A = tpu.sem_alloc : memref<!tpu.dma_semaphore, #tpu.memory_space<semaphore_mem>>
      %dma_start3A = arith.constant 0 : i32
      %dma_start3A_55 = arith.constant 0 : i32
      %dma_start3A_56 = tpu.memref_slice %arg10[%dma_start3A, %dma_start3A_55] : memref<128x128xf32, #tpu.memory_space<vmem>> -> memref<128x128xf32, #tpu.memory_space<vmem>>
      %dma_start3A_57 = arith.constant 0 : i32
      %dma_start3A_58 = tpu.memref_slice %arg11[%add3A_52, %dma_start3A_57] : memref<10240x128xf32, #tpu.memory_space<vmem_shared>> -> memref<128x128xf32, #tpu.memory_space<vmem_shared>>
      %dma_start3A_59 = arith.constant 0 : i32
      %dma_start3A_60 = arith.constant 0 : i32
      %dma_start3A_61 = tpu.memref_slice %arg10[%dma_start3A_59, %dma_start3A_60] : memref<128x128xf32, #tpu.memory_space<vmem>> -> memref<128x128xf32, #tpu.memory_space<vmem>>
      %dma_start3A_62 = arith.constant 0 : i32
      %dma_start3A_63 = tpu.memref_slice %arg11[%add3A_52, %dma_start3A_62] : memref<10240x128xf32, #tpu.memory_space<vmem_shared>> -> memref<128x128xf32, #tpu.memory_space<vmem_shared>>
      tpu.enqueue_dma source(%dma_start3A_63 : memref<128x128xf32, #tpu.memory_space<vmem_shared>>) target(%dma_start3A_61 : memref<128x128xf32, #tpu.memory_space<vmem>>) target_semaphore(%run_scoped3A : memref<!tpu.dma_semaphore, #tpu.memory_space<semaphore_mem>>)
      %dma_wait3A = arith.constant 0 : i32
      %dma_wait3A_64 = arith.constant 0 : i32
      %dma_wait3A_65 = tpu.memref_slice %arg10[%dma_wait3A, %dma_wait3A_64] : memref<128x128xf32, #tpu.memory_space<vmem>> -> memref<128x128xf32, #tpu.memory_space<vmem>>
      %dma_wait3A_66 = arith.constant 0 : i32
      %dma_wait3A_67 = tpu.memref_slice %arg11[%add3A_52, %dma_wait3A_66] : memref<10240x128xf32, #tpu.memory_space<vmem_shared>> -> memref<128x128xf32, #tpu.memory_space<vmem_shared>>
      %dma_wait3A_68 = arith.constant 0 : i32
      %dma_wait3A_69 = arith.constant 0 : i32
      %dma_wait3A_70 = tpu.memref_slice %arg10[%dma_wait3A_68, %dma_wait3A_69] : memref<128x128xf32, #tpu.memory_space<vmem>> -> memref<128x128xf32, #tpu.memory_space<vmem>>
      %dma_wait3A_71 = arith.constant 0 : i32
      %dma_wait3A_72 = tpu.memref_slice %arg11[%add3A_52, %dma_wait3A_71] : memref<10240x128xf32, #tpu.memory_space<vmem_shared>> -> memref<128x128xf32, #tpu.memory_space<vmem_shared>>
      tpu.wait_dma2 semaphore(%run_scoped3A : memref<!tpu.dma_semaphore, #tpu.memory_space<semaphore_mem>>) src(%dma_wait3A_72 : memref<128x128xf32, #tpu.memory_space<vmem_shared>>) dst(%dma_wait3A_70 : memref<128x128xf32, #tpu.memory_space<vmem>>)
      tpu.yield
    }) : () -> ()
    %add3A_53 = arith.constant 512 : i32
    %add3A_54 = arith.addi %mul3A_0, %add3A_53 : i32
    "tpu.region"() ({
      %run_scoped3A = tpu.sem_alloc : memref<!tpu.dma_semaphore, #tpu.memory_space<semaphore_mem>>
      %dma_start3A = arith.constant 0 : i32
      %dma_start3A_55 = arith.constant 0 : i32
      %dma_start3A_56 = tpu.memref_slice %arg10[%dma_start3A, %dma_start3A_55] : memref<128x128xf32, #tpu.memory_space<vmem>> -> memref<128x128xf32, #tpu.memory_space<vmem>>
      %dma_start3A_57 = arith.constant 0 : i32
      %dma_start3A_58 = tpu.memref_slice %arg7[%arg0, %add3A_54, %dma_start3A_57] : memref<2x10240x128xf32, #tpu.memory_space<hbm>> -> memref<1x128x128xf32, #tpu.memory_space<hbm>>
      %dma_start3A_59 = tpu.memref_squeeze %dma_start3A_58 : memref<1x128x128xf32, #tpu.memory_space<hbm>> -> memref<128x128xf32, #tpu.memory_space<hbm>>
      %dma_start3A_60 = arith.constant 0 : i32
      %dma_start3A_61 = tpu.memref_slice %arg7[%arg0, %add3A_54, %dma_start3A_60] : memref<2x10240x128xf32, #tpu.memory_space<hbm>> -> memref<1x128x128xf32, #tpu.memory_space<hbm>>
      %dma_start3A_62 = tpu.memref_squeeze %dma_start3A_61 : memref<1x128x128xf32, #tpu.memory_space<hbm>> -> memref<128x128xf32, #tpu.memory_space<hbm>>
      %dma_start3A_63 = arith.constant 0 : i32
      %dma_start3A_64 = arith.constant 0 : i32
      %dma_start3A_65 = tpu.memref_slice %arg10[%dma_start3A_63, %dma_start3A_64] : memref<128x128xf32, #tpu.memory_space<vmem>> -> memref<128x128xf32, #tpu.memory_space<vmem>>
      tpu.enqueue_dma source(%dma_start3A_65 : memref<128x128xf32, #tpu.memory_space<vmem>>) target(%dma_start3A_62 : memref<128x128xf32, #tpu.memory_space<hbm>>) target_semaphore(%run_scoped3A : memref<!tpu.dma_semaphore, #tpu.memory_space<semaphore_mem>>)
      %dma_wait3A = arith.constant 0 : i32
      %dma_wait3A_66 = arith.constant 0 : i32
      %dma_wait3A_67 = tpu.memref_slice %arg10[%dma_wait3A, %dma_wait3A_66] : memref<128x128xf32, #tpu.memory_space<vmem>> -> memref<128x128xf32, #tpu.memory_space<vmem>>
      %dma_wait3A_68 = arith.constant 0 : i32
      %dma_wait3A_69 = tpu.memref_slice %arg7[%arg0, %add3A_54, %dma_wait3A_68] : memref<2x10240x128xf32, #tpu.memory_space<hbm>> -> memref<1x128x128xf32, #tpu.memory_space<hbm>>
      %dma_wait3A_70 = tpu.memref_squeeze %dma_wait3A_69 : memref<1x128x128xf32, #tpu.memory_space<hbm>> -> memref<128x128xf32, #tpu.memory_space<hbm>>
      %dma_wait3A_71 = arith.constant 0 : i32
      %dma_wait3A_72 = tpu.memref_slice %arg7[%arg0, %add3A_54, %dma_wait3A_71] : memref<2x10240x128xf32, #tpu.memory_space<hbm>> -> memref<1x128x128xf32, #tpu.memory_space<hbm>>
      %dma_wait3A_73 = tpu.memref_squeeze %dma_wait3A_72 : memref<1x128x128xf32, #tpu.memory_space<hbm>> -> memref<128x128xf32, #tpu.memory_space<hbm>>
      %dma_wait3A_74 = arith.constant 0 : i32
      %dma_wait3A_75 = arith.constant 0 : i32
      %dma_wait3A_76 = tpu.memref_slice %arg10[%dma_wait3A_74, %dma_wait3A_75] : memref<128x128xf32, #tpu.memory_space<vmem>> -> memref<128x128xf32, #tpu.memory_space<vmem>>
      tpu.wait_dma2 semaphore(%run_scoped3A : memref<!tpu.dma_semaphore, #tpu.memory_space<semaphore_mem>>) src(%dma_wait3A_76 : memref<128x128xf32, #tpu.memory_space<vmem>>) dst(%dma_wait3A_73 : memref<128x128xf32, #tpu.memory_space<hbm>>)
      tpu.yield
    }) : () -> ()
    return
  }
}

module attributes {stable_mosaic.version = 14 : i64} {
  func.func @_table1_body(%arg0: i32, %arg1: memref<1000x128xf32, #tpu.memory_space<vmem>>, %arg2: memref<128x128xf32, #tpu.memory_space<vmem>>, %arg3: memref<1000x128xf32, #tpu.memory_space<vmem>>) attributes {dimension_semantics = [#tpu.dimension_semantics<arbitrary>], iteration_bounds = array<i64: 10>, scalar_prefetch = 0 : i64, scratch_operands = 0 : i64, tpu.core_type = #tpu.core_type<tc>, window_params = [{transform_indices = @transform_0, window_bounds = array<i64: 1000, 128>}, {pipeline_mode = #tpu.pipeline_mode<synchronous>, transform_indices = @transform_1, window_bounds = array<i64: 128, 128>}, {transform_indices = @transform_2, window_bounds = array<i64: 1000, 128>}]} {
    %get3A = arith.constant 0 : index
    %get3A_0 = arith.constant 0 : index
    %get3A_1 = vector.load %arg1[%get3A, %get3A_0] : memref<1000x128xf32, #tpu.memory_space<vmem>>, vector<1000x128xf32>
    %get3A_2 = arith.constant 0 : index
    %get3A_3 = arith.constant 0 : index
    %get3A_4 = vector.load %arg2[%get3A_2, %get3A_3] : memref<128x128xf32, #tpu.memory_space<vmem>>, vector<128x128xf32>
    %dot_general3A = arith.constant dense<0.000000e+00> : vector<1000x128xf32>
    %dot_general3A_5 = tpu.matmul %get3A_1, %get3A_4, %dot_general3A {dimension_numbers = #tpu.dot_dimension_numbers<[1], [0], [0], [1], [0, 0, 1, 1], [], []>, transpose_lhs_hint = false} : vector<1000x128xf32>, vector<128x128xf32>, vector<1000x128xf32> -> vector<1000x128xf32>
    %swap3A = arith.constant 0 : index
    %swap3A_6 = arith.constant 0 : index
    %swap3A_7 = vector.load %arg3[%swap3A, %swap3A_6] : memref<1000x128xf32, #tpu.memory_space<vmem>>, vector<1000x128xf32>
    tpu.vector_store %arg3[%swap3A, %swap3A_6], %dot_general3A_5 {strides = array<i32>} : memref<1000x128xf32, #tpu.memory_space<vmem>>, vector<1000x128xf32>,
    return
  }
  func.func @transform_0(%arg0: i32) -> (i32, i32) {
    %c0_i32 = arith.constant 0 : i32
    %c0_i32_0 = arith.constant 0 : i32
    return %arg0, %c0_i32 : i32, i32
  }
  func.func @transform_1(%arg0: i32) -> (i32, i32) {
    %c0_i32 = arith.constant 0 : i32
    %c0_i32_0 = arith.constant 0 : i32
    %c0_i32_1 = arith.constant 0 : i32
    return %c0_i32, %c0_i32_0 : i32, i32
  }
  func.func @transform_2(%arg0: i32) -> (i32, i32) {
    %c0_i32 = arith.constant 0 : i32
    %c0_i32_0 = arith.constant 0 : i32
    return %arg0, %c0_i32 : i32, i32
  }
}

module attributes {stable_mosaic.version = 14 : i64} {
  func.func @_mid_body(%arg0: i32, %arg1: memref<1000x128xf32, #tpu.memory_space<vmem>>, %arg2: memref<2x1000x128xf32, #tpu.memory_space<vmem>>, %arg3: memref<2x1000x128xf32, #tpu.memory_space<vmem>>, %arg4: memref<128x128xf32, #tpu.memory_space<vmem>>, %arg5: memref<1x128xf32, #tpu.memory_space<vmem>>, %arg6: memref<128x128xf32, #tpu.memory_space<vmem>>, %arg7: memref<1000x128xf32, #tpu.memory_space<vmem>>, %arg8: memref<1000x128xf32, #tpu.memory_space<vmem>>, %arg9: memref<1000x128xf32, #tpu.memory_space<vmem>>) attributes {dimension_semantics = [#tpu.dimension_semantics<arbitrary>], iteration_bounds = array<i64: 10>, scalar_prefetch = 0 : i64, scratch_operands = 0 : i64, tpu.core_type = #tpu.core_type<tc>, window_params = [{transform_indices = @transform_0, window_bounds = array<i64: 1000, 128>}, {transform_indices = @transform_1, window_bounds = array<i64: 2, 1000, 128>}, {transform_indices = @transform_2, window_bounds = array<i64: 2, 1000, 128>}, {pipeline_mode = #tpu.pipeline_mode<synchronous>, transform_indices = @transform_3, window_bounds = array<i64: 128, 128>}, {pipeline_mode = #tpu.pipeline_mode<synchronous>, transform_indices = @transform_4, window_bounds = array<i64: 1, 128>}, {pipeline_mode = #tpu.pipeline_mode<synchronous>, transform_indices = @transform_5, window_bounds = array<i64: 128, 128>}, {transform_indices = @transform_6, window_bounds = array<i64: 1000, 128>}, {transform_indices = @transform_7, window_bounds = array<i64: 1000, 128>}, {transform_indices = @transform_8, window_bounds = array<i64: 1000, 128>}]} {
    %get3A = arith.constant 0 : index
    %get3A_0 = arith.constant 0 : index
    %get3A_1 = arith.constant 0 : index
    %get3A_2 = vector.load %arg2[%get3A, %get3A_0, %get3A_1] : memref<2x1000x128xf32, #tpu.memory_space<vmem>>, vector<1x1000x128xf32>
    %get3A_3 = vector.shape_cast %get3A_2 : vector<1x1000x128xf32> to vector<1000x128xf32>
    %get3A_4 = arith.constant 1 : index
    %get3A_5 = arith.constant 0 : index
    %get3A_6 = arith.constant 0 : index
    %get3A_7 = vector.load %arg2[%get3A_4, %get3A_5, %get3A_6] : memref<2x1000x128xf32, #tpu.memory_space<vmem>>, vector<1x1000x128xf32>
    %get3A_8 = vector.shape_cast %get3A_7 : vector<1x1000x128xf32> to vector<1000x128xf32>
    %add3A = arith.addf %get3A_3, %get3A_8 : vector<1000x128xf32>
    %get3A_9 = arith.constant 0 : index
    %get3A_10 = arith.constant 0 : index
    %get3A_11 = arith.constant 0 : index
    %get3A_12 = vector.load %arg3[%get3A_9, %get3A_10, %get3A_11] : memref<2x1000x128xf32, #tpu.memory_space<vmem>>, vector<1x1000x128xf32>
    %get3A_13 = vector.shape_cast %get3A_12 : vector<1x1000x128xf32> to vector<1000x128xf32>
    %get3A_14 = arith.constant 1 : index
    %get3A_15 = arith.constant 0 : index
    %get3A_16 = arith.constant 0 : index
    %get3A_17 = vector.load %arg3[%get3A_14, %get3A_15, %get3A_16] : memref<2x1000x128xf32, #tpu.memory_space<vmem>>, vector<1x1000x128xf32>
    %get3A_18 = vector.shape_cast %get3A_17 : vector<1x1000x128xf32> to vector<1000x128xf32>
    %add3A_19 = arith.addf %get3A_13, %get3A_18 : vector<1000x128xf32>
    %slice3A = vector.extract_strided_slice %add3A_19 {offsets = [0, 0], sizes = [1000, 1], strides = [1, 1]} : vector<1000x128xf32> to vector<1000x1xf32>
    %max3A = arith.constant 1.000000e+00 : f32
    %max3A_20 = vector.broadcast %max3A : f32 to vector<1000x1xf32>
    %max3A_21 = arith.maximumf %slice3A, %max3A_20 : vector<1000x1xf32>
    %div3A = arith.constant 1.000000e+00 : f32
    %div3A_22 = vector.broadcast %div3A : f32 to vector<1000x1xf32>
    %div3A_23 = arith.divf %div3A_22, %max3A_21 : vector<1000x1xf32>
    %get3A_24 = arith.constant 0 : index
    %get3A_25 = arith.constant 0 : index
    %get3A_26 = vector.load %arg1[%get3A_24, %get3A_25] : memref<1000x128xf32, #tpu.memory_space<vmem>>, vector<1000x128xf32>
    %get3A_27 = arith.constant 0 : index
    %get3A_28 = arith.constant 0 : index
    %get3A_29 = vector.load %arg4[%get3A_27, %get3A_28] : memref<128x128xf32, #tpu.memory_space<vmem>>, vector<128x128xf32>
    %dot_general3A = arith.constant dense<0.000000e+00> : vector<1000x128xf32>
    %dot_general3A_30 = tpu.matmul %get3A_26, %get3A_29, %dot_general3A {dimension_numbers = #tpu.dot_dimension_numbers<[1], [0], [0], [1], [0, 0, 1, 1], [], []>, transpose_lhs_hint = false} : vector<1000x128xf32>, vector<128x128xf32>, vector<1000x128xf32> -> vector<1000x128xf32>
    %mul3A = vector.broadcast %div3A_23 : vector<1000x1xf32> to vector<1000x128xf32>
    %mul3A_31 = arith.mulf %add3A, %mul3A : vector<1000x128xf32>
    %add3A_32 = arith.addf %dot_general3A_30, %mul3A_31 : vector<1000x128xf32>
    %get3A_33 = arith.constant 0 : index
    %get3A_34 = arith.constant 0 : index
    %get3A_35 = vector.load %arg5[%get3A_33, %get3A_34] : memref<1x128xf32, #tpu.memory_space<vmem>>, vector<1x128xf32>
    %add3A_36 = vector.broadcast %get3A_35 : vector<1x128xf32> to vector<1000x128xf32>
    %add3A_37 = arith.addf %add3A_32, %add3A_36 : vector<1000x128xf32>
    %max3A_38 = arith.constant 0.000000e+00 : f32
    %max3A_39 = vector.broadcast %max3A_38 : f32 to vector<1000x128xf32>
    %max3A_40 = arith.maximumf %add3A_37, %max3A_39 : vector<1000x128xf32>
    %swap3A = arith.constant 0 : index
    %swap3A_41 = arith.constant 0 : index
    %swap3A_42 = vector.load %arg7[%swap3A, %swap3A_41] : memref<1000x128xf32, #tpu.memory_space<vmem>>, vector<1000x128xf32>
    tpu.vector_store %arg7[%swap3A, %swap3A_41], %max3A_40 {strides = array<i32>} : memref<1000x128xf32, #tpu.memory_space<vmem>>, vector<1000x128xf32>,
    %get3A_43 = arith.constant 0 : index
    %get3A_44 = arith.constant 0 : index
    %get3A_45 = vector.load %arg6[%get3A_43, %get3A_44] : memref<128x128xf32, #tpu.memory_space<vmem>>, vector<128x128xf32>
    %dot_general3A_46 = arith.constant dense<0.000000e+00> : vector<1000x128xf32>
    %dot_general3A_47 = tpu.matmul %max3A_40, %get3A_45, %dot_general3A_46 {dimension_numbers = #tpu.dot_dimension_numbers<[1], [0], [0], [1], [0, 0, 1, 1], [], []>, transpose_lhs_hint = false} : vector<1000x128xf32>, vector<128x128xf32>, vector<1000x128xf32> -> vector<1000x128xf32>
    %swap3A_48 = arith.constant 0 : index
    %swap3A_49 = arith.constant 0 : index
    %swap3A_50 = vector.load %arg8[%swap3A_48, %swap3A_49] : memref<1000x128xf32, #tpu.memory_space<vmem>>, vector<1000x128xf32>
    tpu.vector_store %arg8[%swap3A_48, %swap3A_49], %dot_general3A_47 {strides = array<i32>} : memref<1000x128xf32, #tpu.memory_space<vmem>>, vector<1000x128xf32>,
    %broadcast_in_dim3A = vector.shape_cast %div3A_23 : vector<1000x1xf32> to vector<1000x1xf32>
    %broadcast_in_dim3A_51 = vector.broadcast %broadcast_in_dim3A : vector<1000x1xf32> to vector<1000x128xf32>
    %swap3A_52 = arith.constant 0 : index
    %swap3A_53 = arith.constant 0 : index
    %swap3A_54 = vector.load %arg9[%swap3A_52, %swap3A_53] : memref<1000x128xf32, #tpu.memory_space<vmem>>, vector<1000x128xf32>
    tpu.vector_store %arg9[%swap3A_52, %swap3A_53], %broadcast_in_dim3A_51 {strides = array<i32>} : memref<1000x128xf32, #tpu.memory_space<vmem>>, vector<1000x128xf32>,
    return
  }
  func.func @transform_0(%arg0: i32) -> (i32, i32) {
    %c0_i32 = arith.constant 0 : i32
    %c0_i32_0 = arith.constant 0 : i32
    return %arg0, %c0_i32 : i32, i32
  }
  func.func @transform_1(%arg0: i32) -> (i32, i32, i32) {
    %c0_i32 = arith.constant 0 : i32
    %c0_i32_0 = arith.constant 0 : i32
    %c0_i32_1 = arith.constant 0 : i32
    return %c0_i32, %arg0, %c0_i32_0 : i32, i32, i32
  }
  func.func @transform_2(%arg0: i32) -> (i32, i32, i32) {
    %c0_i32 = arith.constant 0 : i32
    %c0_i32_0 = arith.constant 0 : i32
    %c0_i32_1 = arith.constant 0 : i32
    return %c0_i32, %arg0, %c0_i32_0 : i32, i32, i32
  }
  func.func @transform_3(%arg0: i32) -> (i32, i32) {
    %c0_i32 = arith.constant 0 : i32
    %c0_i32_0 = arith.constant 0 : i32
    %c0_i32_1 = arith.constant 0 : i32
    return %c0_i32, %c0_i32_0 : i32, i32
  }
  func.func @transform_4(%arg0: i32) -> (i32, i32) {
    %c0_i32 = arith.constant 0 : i32
    %c0_i32_0 = arith.constant 0 : i32
    %c0_i32_1 = arith.constant 0 : i32
    return %c0_i32, %c0_i32_0 : i32, i32
  }
  func.func @transform_5(%arg0: i32) -> (i32, i32) {
    %c0_i32 = arith.constant 0 : i32
    %c0_i32_0 = arith.constant 0 : i32
    %c0_i32_1 = arith.constant 0 : i32
    return %c0_i32, %c0_i32_0 : i32, i32
  }
  func.func @transform_6(%arg0: i32) -> (i32, i32) {
    %c0_i32 = arith.constant 0 : i32
    %c0_i32_0 = arith.constant 0 : i32
    return %arg0, %c0_i32 : i32, i32
  }
  func.func @transform_7(%arg0: i32) -> (i32, i32) {
    %c0_i32 = arith.constant 0 : i32
    %c0_i32_0 = arith.constant 0 : i32
    return %arg0, %c0_i32 : i32, i32
  }
  func.func @transform_8(%arg0: i32) -> (i32, i32) {
    %c0_i32 = arith.constant 0 : i32
    %c0_i32_0 = arith.constant 0 : i32
    return %arg0, %c0_i32 : i32, i32
  }
}

module attributes {stable_mosaic.version = 14 : i64} {
  func.func @_out_body(%arg0: i32, %arg1: memref<1000x128xf32, #tpu.memory_space<vmem>>, %arg2: memref<2x1000x128xf32, #tpu.memory_space<vmem>>, %arg3: memref<1000x128xf32, #tpu.memory_space<vmem>>, %arg4: memref<128x128xf32, #tpu.memory_space<vmem>>, %arg5: memref<1x128xf32, #tpu.memory_space<vmem>>, %arg6: memref<1000x128xf32, #tpu.memory_space<vmem>>) attributes {dimension_semantics = [#tpu.dimension_semantics<arbitrary>], iteration_bounds = array<i64: 10>, scalar_prefetch = 0 : i64, scratch_operands = 0 : i64, tpu.core_type = #tpu.core_type<tc>, window_params = [{transform_indices = @transform_0, window_bounds = array<i64: 1000, 128>}, {transform_indices = @transform_1, window_bounds = array<i64: 2, 1000, 128>}, {transform_indices = @transform_2, window_bounds = array<i64: 1000, 128>}, {pipeline_mode = #tpu.pipeline_mode<synchronous>, transform_indices = @transform_3, window_bounds = array<i64: 128, 128>}, {pipeline_mode = #tpu.pipeline_mode<synchronous>, transform_indices = @transform_4, window_bounds = array<i64: 1, 128>}, {transform_indices = @transform_5, window_bounds = array<i64: 1000, 128>}]} {
    %get3A = arith.constant 0 : index
    %get3A_0 = arith.constant 0 : index
    %get3A_1 = arith.constant 0 : index
    %get3A_2 = vector.load %arg2[%get3A, %get3A_0, %get3A_1] : memref<2x1000x128xf32, #tpu.memory_space<vmem>>, vector<1x1000x128xf32>
    %get3A_3 = vector.shape_cast %get3A_2 : vector<1x1000x128xf32> to vector<1000x128xf32>
    %get3A_4 = arith.constant 1 : index
    %get3A_5 = arith.constant 0 : index
    %get3A_6 = arith.constant 0 : index
    %get3A_7 = vector.load %arg2[%get3A_4, %get3A_5, %get3A_6] : memref<2x1000x128xf32, #tpu.memory_space<vmem>>, vector<1x1000x128xf32>
    %get3A_8 = vector.shape_cast %get3A_7 : vector<1x1000x128xf32> to vector<1000x128xf32>
    %add3A = arith.addf %get3A_3, %get3A_8 : vector<1000x128xf32>
    %get3A_9 = arith.constant 0 : index
    %get3A_10 = arith.constant 0 : index
    %get3A_11 = vector.load %arg1[%get3A_9, %get3A_10] : memref<1000x128xf32, #tpu.memory_space<vmem>>, vector<1000x128xf32>
    %get3A_12 = arith.constant 0 : index
    %get3A_13 = arith.constant 0 : index
    %get3A_14 = vector.load %arg4[%get3A_12, %get3A_13] : memref<128x128xf32, #tpu.memory_space<vmem>>, vector<128x128xf32>
    %dot_general3A = arith.constant dense<0.000000e+00> : vector<1000x128xf32>
    %dot_general3A_15 = tpu.matmul %get3A_11, %get3A_14, %dot_general3A {dimension_numbers = #tpu.dot_dimension_numbers<[1], [0], [0], [1], [0, 0, 1, 1], [], []>, transpose_lhs_hint = false} : vector<1000x128xf32>, vector<128x128xf32>, vector<1000x128xf32> -> vector<1000x128xf32>
    %get3A_16 = arith.constant 0 : index
    %get3A_17 = arith.constant 0 : index
    %get3A_18 = vector.load %arg3[%get3A_16, %get3A_17] : memref<1000x128xf32, #tpu.memory_space<vmem>>, vector<1000x128xf32>
    %mul3A = arith.mulf %add3A, %get3A_18 : vector<1000x128xf32>
    %add3A_19 = arith.addf %dot_general3A_15, %mul3A : vector<1000x128xf32>
    %get3A_20 = arith.constant 0 : index
    %get3A_21 = arith.constant 0 : index
    %get3A_22 = vector.load %arg5[%get3A_20, %get3A_21] : memref<1x128xf32, #tpu.memory_space<vmem>>, vector<1x128xf32>
    %add3A_23 = vector.broadcast %get3A_22 : vector<1x128xf32> to vector<1000x128xf32>
    %add3A_24 = arith.addf %add3A_19, %add3A_23 : vector<1000x128xf32>
    %swap3A = arith.constant 0 : index
    %swap3A_25 = arith.constant 0 : index
    %swap3A_26 = vector.load %arg6[%swap3A, %swap3A_25] : memref<1000x128xf32, #tpu.memory_space<vmem>>, vector<1000x128xf32>
    tpu.vector_store %arg6[%swap3A, %swap3A_25], %add3A_24 {strides = array<i32>} : memref<1000x128xf32, #tpu.memory_space<vmem>>, vector<1000x128xf32>,
    return
  }
  func.func @transform_0(%arg0: i32) -> (i32, i32) {
    %c0_i32 = arith.constant 0 : i32
    %c0_i32_0 = arith.constant 0 : i32
    return %arg0, %c0_i32 : i32, i32
  }
  func.func @transform_1(%arg0: i32) -> (i32, i32, i32) {
    %c0_i32 = arith.constant 0 : i32
    %c0_i32_0 = arith.constant 0 : i32
    %c0_i32_1 = arith.constant 0 : i32
    return %c0_i32, %arg0, %c0_i32_0 : i32, i32, i32
  }
  func.func @transform_2(%arg0: i32) -> (i32, i32) {
    %c0_i32 = arith.constant 0 : i32
    %c0_i32_0 = arith.constant 0 : i32
    return %arg0, %c0_i32 : i32, i32
  }
  func.func @transform_3(%arg0: i32) -> (i32, i32) {
    %c0_i32 = arith.constant 0 : i32
    %c0_i32_0 = arith.constant 0 : i32
    %c0_i32_1 = arith.constant 0 : i32
    return %c0_i32, %c0_i32_0 : i32, i32
  }
  func.func @transform_4(%arg0: i32) -> (i32, i32) {
    %c0_i32 = arith.constant 0 : i32
    %c0_i32_0 = arith.constant 0 : i32
    %c0_i32_1 = arith.constant 0 : i32
    return %c0_i32, %c0_i32_0 : i32, i32
  }
  func.func @transform_5(%arg0: i32) -> (i32, i32) {
    %c0_i32 = arith.constant 0 : i32
    %c0_i32_0 = arith.constant 0 : i32
    return %arg0, %c0_i32 : i32, i32
  }
}

</mosaic_0001>

<sc_bundles>
// kernel: kernel.11.cloned.1.call-start
scs
__scs_entry_jumppad:
0x0: {  	(pc) =	sbr.rel $0x88, $3  }
0x1: {  	(tag) =	ssettag $0x0;
	lr =	simm.s32 $0x1  }
0x2: {  	[smem:$0x3F99] =	sst lr;
	_ =	strace $0xD0000000  }
0x3: {  	_ = 	snop  }
0x4: {  	_ = 	snop  }
0x5: {  	_ = 	snop  }
0x6: {  	_ = 	snop  }
0x7: {  	_ = 	snop  }
__scs_overlays_trampoline_lowered:
0x8: {  	[smem:$0x3FA8] =	sst s0  }
0x9: {  	[smem:$0x3FA9] =	sst s1  }
0xa: {  	[smem:$0x3FAA] =	sst s2  }
0xb: {  	[smem:$0x3FAB] =	sst s3  }
0xc: {  	[smem:$0x3FAC] =	sst s4  }
0xd: {  	[smem:$0x3FAD] =	sst s5  }
0xe: {  	[smem:$0x3FAE] =	sst s6  }
0xf: {  	[smem:$0x3FAF] =	sst s7  }
0x10: {  	[smem:$0x3FB0] =	sst s8  }
0x11: {  	[smem:$0x3FB1] =	sst s9;
	s0 =	simm.s32 @!p0 $0x0  }
0x12: {  	s1 =	sld [smem:$0x3F97];
	s0 =	simm.s32 @p0 $0x1  }
0x13: {  	[smem:$0x3FB2] =	sst s0;
	s0 =	simm.s32 @!p1 $0x0  }
0x14: {  	s2 =	sld [smem:$0x3F96];
	s0 =	simm.s32 @p1 $0x1  }
0x15: {  	[smem:$0x3FB3] =	sst s0;
	s0 =	simm.s32 @!p2 $0x0  }
0x16: {  	s3 =	sld [smem:$0x3FDB];
	s0 =	simm.s32 @p2 $0x1  }
0x17: {  	s4 =	simm.s32 $0x1BF5;
	[smem:$0x3FB5] =	sst s0  }
0x18: {  	s0 =	sld [smem:$0x3F98];
	_ =	swait.ge [sflag:s4], $0x0  }
0x19: {  	s7 =	sld [smem:$0x3F99]  }
0x1a: {  	s8 =	sadd.s32 $0xFFFFE003, lr  }
0x1b: {  	s9 =	sadd.s32 $0xFFFFFEF7, lr;
	s5 =	simm.s32 $0xFFFFFFFF;
	p2 =	slt.u32 s8, $0xFFFFF086  }
0x1c: {  	p1 =	slt.u32 s9, $0xF7A;
	s5 =	simm.s32 @!p2 $0x0  }
0x1d: {  	s5 =	simm.s32 @p1 $0x1;
	p0 =	seq.s32 s7, s2  }
0x1e: {  	s7 =	smul.u32 @!p0 $0xF7A, s2;
	p2 =	seq.s32 @!p0 s5, $0x0  }
0x1f: {  	s9 =	smul.u32 $0xF7A, s1;
	s8 =	simm.s32 @!p0 $0x1BF5;
	p2 =	por !p2, p0  }
0x20: {  	[sflag:s8] =	ssyncset.s32 @!p0 $0xFFFFF086;
	s6 =	sadd.s32 @!p0 s3, s7;
	s7 =	simm.s32 @!p0 $0x108  }
0x21: {  	s3 =	sadd.s32 s3, s9;
	s6 =	sadd.s32 @!p0 $0x88, s6;
	s7 =	simm.s32 @p2 $0x1082  }
0x22: {  	[simem:s7], [sflag:s8] =	dma.local @!p0 [hbm:s6], $0xF7A  }
0x23: {  	s9 =	sor.u32 $0xD0000000, s2;
	s6 =	simm.s32 $0x108;
	_ =	swait.ge @!p0 [sflag:s8], $0x0  }
0x24: {  	s3 =	sadd.s32 $0x88, s3;
	s6 =	simm.s32 @!p1 $0x1082;
	[sflag:s4] =	ssyncset.s32 $0xFFFFF086  }
0x25: {  	[simem:s6], [sflag:s4] =	dma.local [hbm:s3], $0xF7A  }
0x26: {  	[smem:$0x3F99] =	sst s1;
	(tag) =	ssettag s2;
	_ =	strace s9  }
0x27: {  	s1 =	sld [smem:$0x3FA9]  }
0x28: {  	s2 =	sld [smem:$0x3FAA]  }
0x29: {  	s4 =	sld [smem:$0x3FAC]  }
0x2a: {  	p0 =	seq.s32 s5, $0x0;
	s5 =	sld [smem:$0x3FAD]  }
0x2b: {  	s6 =	sld [smem:$0x3FAE]  }
0x2c: {  	s7 =	sld [smem:$0x3FAF]  }
0x2d: {  	s3 =	simm.s32 $0x108;
	s8 =	sld [smem:$0x3FB0]  }
0x2e: {  	s3 =	simm.s32 @!p0 $0x1082;
	s9 =	sld [smem:$0x3FB1]  }
0x2f: {  	lr =	sadd.s32 s0, s3;
	s0 =	sld [smem:$0x3FA8]  }
0x30: {  	s3 =	sld [smem:$0x3FAB]  }
0x31: {  	[smem:$0x3FB4] =	sst s10  }
0x32: {  	s10 =	sld [smem:$0x3FB2];
	_ =	sdelay $0x3  }
0x33: {  	p0 =	seq.s32 s10, $0x1;
	s10 =	sld [smem:$0x3FB4];
	_ =	sdelay $0x3  }
0x34: {  	[smem:$0x3FB4] =	sst s10  }
0x35: {  	s10 =	sld [smem:$0x3FB3];
	_ =	sdelay $0x3  }
0x36: {  	p1 =	seq.s32 s10, $0x1;
	s10 =	sld [smem:$0x3FB4];
	_ =	sdelay $0x3  }
0x37: {  	[smem:$0x3FB4] =	sst s10  }
0x38: {  	s10 =	sld [smem:$0x3FB5]  }
0x39: {  	_ = 	snop;
	(pc) =	sbr.ind lr, $3  }
0x3a: {  	_ = 	snop  }
0x3b: {  	_ = 	snop  }
0x3c: {  	p2 =	seq.s32 s10, $0x1;
	s10 =	sld [smem:$0x3FB4]  }
0x3d: {  	_ =	shalt  }
0x3e: {  	_ =	shalt  }
0x3f: {  	_ =	shalt  }
0x40: {  	_ =	shalt  }
0x41: {  	_ =	shalt  }
0x42: {  	_ =	shalt  }
0x43: {  	_ =	shalt  }
0x44: {  	_ =	shalt  }
0x45: {  	_ =	shalt  }
0x46: {  	_ =	shalt  }
0x47: {  	_ =	shalt  }
0x48: {  	_ =	shalt  }
0x49: {  	_ =	shalt  }
0x4a: {  	_ =	shalt  }
0x4b: {  	_ =	shalt  }
0x4c: {  	_ =	shalt  }
0x4d: {  	_ =	shalt  }
0x4e: {  	_ =	shalt  }
0x4f: {  	_ =	shalt  }
0x50: {  	_ =	shalt  }
0x51: {  	_ =	shalt  }
0x52: {  	_ =	shalt  }
0x53: {  	_ =	shalt  }
0x54: {  	_ =	shalt  }
0x55: {  	_ =	shalt  }
0x56: {  	_ =	shalt  }
0x57: {  	_ =	shalt  }
0x58: {  	_ =	shalt  }
0x59: {  	_ =	shalt  }
0x5a: {  	_ =	shalt  }
0x5b: {  	_ =	shalt  }
0x5c: {  	_ =	shalt  }
0x5d: {  	_ =	shalt  }
0x5e: {  	_ =	shalt  }
0x5f: {  	_ =	shalt  }
0x60: {  	_ =	shalt  }
0x61: {  	_ =	shalt  }
0x62: {  	_ =	shalt  }
0x63: {  	_ =	shalt  }
0x64: {  	_ =	shalt  }
0x65: {  	_ =	shalt  }
0x66: {  	_ =	shalt  }
0x67: {  	_ =	shalt  }
0x68: {  	_ =	shalt  }
0x69: {  	_ =	shalt  }
0x6a: {  	_ =	shalt  }
0x6b: {  	_ =	shalt  }
0x6c: {  	_ =	shalt  }
0x6d: {  	_ =	shalt  }
0x6e: {  	_ =	shalt  }
0x6f: {  	_ =	shalt  }
0x70: {  	_ =	shalt  }
0x71: {  	_ =	shalt  }
0x72: {  	_ =	shalt  }
0x73: {  	_ =	shalt  }
0x74: {  	_ =	shalt  }
0x75: {  	_ =	shalt  }
0x76: {  	_ =	shalt  }
0x77: {  	_ =	shalt  }
0x78: {  	_ =	shalt  }
0x79: {  	_ =	shalt  }
0x7a: {  	_ =	shalt  }
0x7b: {  	_ =	shalt  }
0x7c: {  	_ =	shalt  }
0x7d: {  	_ =	shalt  }
0x7e: {  	_ =	shalt  }
0x7f: {  	_ =	shalt  }
0x80: {  	_ =	shalt  }
0x81: {  	_ =	shalt  }
0x82: {  	_ =	shalt  }
0x83: {  	_ =	shalt  }
0x84: {  	_ =	shalt  }
0x85: {  	_ =	shalt  }
0x86: {  	_ =	shalt  }
0x87: {  	_ =	shalt  }
.Lfunc_end0:
.L_simem_size_0:
called_computation.1_lowered:
.L_overlay_start_0:
0x88: {  	s2 =	sld [smem:$0x3FD9]  }
0x89: {  	s3 =	sld [smem:$0x3FFE];
	_ =	sdelay $0x1  }
0x8a: {  	s1 =	srdreg.scid  }
0x8b: {  	s0 =	sand.u32 $0x1, s1  }
0x8c: {  	s17 =	sshll.u32 s0, $0xA;
	s2 =	sadd.s32 s3, s2  }
0x8d: {  	s2 =	sadd.s32 s2, s17  }
0x8e: {  	[smem:$0x3FC0] =	sst s2  }
0x8f: {  	_ = 	snop  }
0x90: {  	s2 =	sld [smem:$0x3FD0];
	(tm) =	ssettm $0x1  }
0x91: {  	s18 =	sld [smem:$0x3FFB];
	_ =	sdelay $0x3  }
0x92: {  	_ =	strace s18  }
0x93: {  	s3 =	sld [smem:$0x3FFC];
	_ =	sdelay $0x3  }
0x94: {  	_ =	strace s3  }
0x95: {  	s3 =	sld [smem:$0x3FFD];
	_ =	sdelay $0x3  }
0x96: {  	_ =	strace s3  }
0x97: {  	_ =	strace $0x8FFFFFFF  }
0x98: {  	s19 =	sld [smem:$0x3FDB];
	_ =	sdelay $0x1  }
0x99: {  	s4 =	simm.s32 $_scs_section_size  }
0x9a: {  	s5 =	simm.s32 $_size__tile_overlayer_lowered;
	s6 =	simm.s32 $_tile_overlayer_lowered  }
0x9b: {  	s22 =	simm.s32 $0x1BFF;
	s21 =	sshll.u32 s6, $0x1;
	s3 =	sadd.s32 s4, s19  }
0x9c: {  	s7 =	simm.s32 $0x0;
	s20 =	sshll.u32 s5, $0x1;
	s5 =	sadd.s32 s21, s3  }
0x9d: {  	[timem:s7], [sflag:s22] =	dma.local [hbm:s5], s20  }
0x9e: {  	_ =	swait.ge [sflag:s22], s20  }
0x9f: {  	s4 =	ssub.s32 $0x0, s20;
	[sflag:s22] =	ssyncset.done $0x0  }
0xa0: {  	[sflag:s22] =	ssyncadd.s32 s4;
	_ =	sdelay $0x1  }
0xa1: {  	s23 =	simm.s32 $0x1B8B  }
0xa2: {  	_ =	swait.ge [sflag:s23], $0x1  }
0xa3: {  	[sflag:s23] =	ssyncset.done $0x0  }
0xa4: {  	s25 =	simm.s32 $0x1B8E;
	s24 =	sld [smem:$0x3FFE];
	[sflag:s23] =	ssyncadd.s32 $0xFFFFFFFF  }
0xa5: {  	s26 =	simm.s32 $execute0_lowered;
	[smem:$0x3FD2] =	sst s25  }
0xa6: {  	s5 =	sshll.u32 s26, $0x1;
	_ =	strace $0x80000046;
	[dreg:$0x1] =	wrdreg $0xFFFFFFFF  }
0xa7: {  	s28 =	simm.s32 $_size_execute0_lowered;
	s3 =	sadd.s32 s3, s5;
	[dreg:$0x0] =	wrdreg $0x0  }
0xa8: {  	s5 =	sshll.u32 s28, $0x1;
	[dreg:$0x2] =	wrdreg s3  }
0xa9: {  	[dreg:$0x3] =	wrdreg s5  }
0xaa: {  	[dreg:$0x4] =	wrdreg $0xC0  }
0xab: {  	_ =	task [dreg:s7], $0x5FFFF  }
0xac: {  	[dreg:$0x1] =	wrdreg $0xFFFFFFFF  }
0xad: {  	[dreg:$0x0] =	wrdreg $0x60  }
0xae: {  	[dreg:$0x2] =	wrdreg s2  }
0xaf: {  	[dreg:$0x3] =	wrdreg s24  }
0xb0: {  	[dreg:$0x4] =	wrdreg $0x90000  }
0xb1: {  	[dreg:$0x5] =	wrdreg $0xA  }
0xb2: {  	_ =	task.clear_ibuf [dreg:s7], $0x6FFFF;
	_ =	strace $0x90000046  }
0xb3: {  	s29 =	simm.s32 $0xA;
	_ =	strace $0x80000048  }
0xb4: {  	_ =	swait.ge [sflag:s29], $0x1  }
0xb5: {  	[sflag:s29] =	ssyncadd.s32 $0xFFFFFFFF  }
0xb6: {  	_ =	strace $0x90000048  }
0xb7: {  	_ =	sfence  }
0xb8: {  	s30 =	sld [smem:$0x0];
	_ =	sdelay $0x2  }
0xb9: {  	s31 =	sshll.u32 s1, $0xD;
	s1 =	sshrl.u32 s1, $0x2  }
0xba: {  	s3 =	sand.u32 $0x4000, s31;
	s1 =	sadd.s32 s1, s30  }
0xbb: {  	s0 =	sor.u32 s3, s0;
	s1 =	sshll.u32 s1, $0x11  }
0xbc: {  	s0 =	sor.u32 s1, s0  }
0xbd: {  	s0 =	sadd.s32 $0x8F2B, s0  }
0xbe: {  	[sflag:s0] =	ssyncadd.remote.s32 $0x1  }
0xbf: {  	_ =	sfence.sel $0xFFFF  }
0xc0: {  	[dreg:$0x0] =	wrdreg $0xFFFFFFFF;
	(pc) =	sbr.abs _section_cstart, $3  }
0xc1: {  	[dreg:$0x1] =	wrdreg $0xFFFFFFFF  }
0xc2: {  	_ =	task.clear_ibuf [dreg:s7], $0x2FFFF;
	_ =	strace $0x9FFFFFFF  }
0xc3: {  	(tm) =	ssettm $0x7FFFFFFF  }
tec
execute0_lowered:
.L_overlay_start_1:
0x0: {  	(tag) =	ssettag $0x1  }
0x1: {  	s1 =	rddreg [dreg:$0x0]  }
0x2: {  	s5 =	rddreg [dreg:$0x1]  }
0x3: {  	s2 =	rddreg [dreg:$0x2]  }
0x4: {  	s0 =	rddreg [dreg:$0x3];
	s3 =	simm.s32 $0x0;
	s6 =	srdreg.scid  }
0x5: {  	s4 =	stileid.u32;
	[smem:$0x7FF] =	sst s3  }
0x6: {  	s16 =	sadd.s32 $0x6C00, s5;
	s17 =	sadd.s32 $0x1C00, s5;
	s25 =	smul.u32 $0x50000, s4  }
0x7: {  	s15 =	sadd.s32 $0xBC00, s5;
	s10 =	sand.u32 $0x1, s6;
	s11 =	smul.u32 $0x14000, s4  }
0x8: {  	s18 =	sadd.s32 $0x1AC00, s5;
	s14 =	sadd.s32 $0x1FC00, s5;
	s23 =	smul.u32 $0x500, s4  }
0x9: {  	_ =	strace $0x80000047;
	s7 =	ssub.s32 $0x2, s10;
	s20 =	smul.u32 $0x140000, s10  }
0xa: {  	p0 =	seq.s32 s10, $0x1;
	s26 =	sshrl.u32 s7, $0x1;
	s6 =	sshrl.u32 s25, $0x2  }
0xb: {  	s12 =	sadd.s32 $0x4000, s11;
	s13 =	sadd.s32 $0x8000, s11;
	s21 =	sadd.s32 $0xC000, s11  }
0xc: {  	s22 =	sadd.s32 $0x10000, s11;
	s16 =	smov.u32 @p0 s15;
	s17 =	smov.u32 @p0 s18  }
0xd: {  	s18 =	simm.s32 $0x5000;
	s19 =	ssub.s32 s7, s26;
	s5 =	sadd.s32 s6, s2  }
0xe: {  	s6 =	sadd.s32 s12, s2;
	s7 =	sadd.s32 s13, s2;
	s8 =	sadd.s32 s21, s2  }
0xf: {  	s9 =	sadd.s32 s22, s2;
	s11 =	sadd.s32 s11, s20;
	s29 =	sadd.s32 s20, s12  }
0x10: {  	s30 =	sadd.s32 s20, s13;
	s31 =	sadd.s32 s20, s21;
	s20 =	sadd.s32 s20, s22  }
0x11: {  	s16 =	sadd.s32 s16, s23;
	s17 =	sadd.s32 s17, s23;
	s21 =	simm.s32 $0x80  }
0x12: {  	s22 =	simm.s32 $0x1;
	s23 =	simm.s32 $0x0;
	s28 =	sshrl.u32 s11, $0x3  }
0x13: {  	s11 =	sshrl.u32 s29, $0x3;
	s12 =	sshrl.u32 s30, $0x3;
	s13 =	sshrl.u32 s31, $0x3  }
0x14: {  	s20 =	sshrl.u32 s20, $0x3;
	s15 =	smax.u32 s19, $0x1;
	s19 =	simm.s32 $0x2  }
0x15: {  	s10 =	sadd.s32 s14, s28;
	s11 =	sadd.s32 s14, s11;
	s12 =	sadd.s32 s14, s12  }
0x16: {  	v0 =	vimm.f32 $0.0e+00;
	s13 =	sadd.s32 s14, s13;
	s14 =	sadd.s32 s14, s20;
	s20 =	simm.s32 $0x2800  }
.LBB2_1:
0x17: {  	s24 =	simm.s32 $0x0;
	s25 =	simm.s32 $0x200  }
.LBB2_2:
0x18: {  	p0 =	sne.s32 s25, $0xFE00;
	[tilespmem:s24+$0x5070] =	vst v0  }
0x19: {  	[tilespmem:s24+$0x5000] =	vst v0  }
0x1a: {  	[tilespmem:s24+$0x5010] =	vst v0  }
.Ltmp0:
0x1b: {  	[tilespmem:s24+$0x5020] =	vst v0;
	(pc) =	sbr.rel @p0 .LBB2_2-.Ltmp0, $4  }
0x1c: {  	[tilespmem:s24+$0x5030] =	vst v0  }
0x1d: {  	[tilespmem:s24+$0x5040] =	vst v0  }
0x1e: {  	[tilespmem:s24+$0x5050] =	vst v0  }
0x1f: {  	[tilespmem:s24+$0x5060] =	vst v0;
	s24 =	sshra.s32 s25, $0x2;
	s25 =	sadd.s32 $0x200, s25  }
0x20: {  	[tilespmem:s24+$0x5070] =	vst v0  }
0x21: {  	[tilespmem:s24+$0x5000] =	vst v0  }
0x22: {  	[tilespmem:s24+$0x5010] =	vst v0  }
0x23: {  	[tilespmem:s24+$0x5020] =	vst v0  }
0x24: {  	[tilespmem:s24+$0x5030] =	vst v0  }
0x25: {  	[tilespmem:s24+$0x5040] =	vst v0  }
0x26: {  	[tilespmem:s24+$0x5050] =	vst v0  }
0x27: {  	[tilespmem:s24+$0x5060] =	vst v0  }
0x28: {  	[spmem:s5] =	stream.linear.scatter [tilespmem:s18], [sflag:$0x2], $0x4000, $0x38;
	[tilespmem:$0x1D000] =	vst v63  }
0x29: {  	_ =	swait.ge [sflag:s19], $0x4000  }
0x2a: {  	[sflag:s19] =	ssyncset.done $0x0  }
0x2b: {  	[sflag:s19] =	ssyncadd.s32 $0xFFFFC000  }
0x2c: {  	[spmem:s6] =	stream.linear.scatter [tilespmem:s18], [sflag:$0x2], $0x4000, $0x38;
	[tilespmem:$0x1D000] =	vst v63  }
0x2d: {  	_ =	swait.ge [sflag:s19], $0x4000  }
0x2e: {  	[sflag:s19] =	ssyncset.done $0x0  }
0x2f: {  	[sflag:s19] =	ssyncadd.s32 $0xFFFFC000  }
0x30: {  	[spmem:s7] =	stream.linear.scatter [tilespmem:s18], [sflag:$0x2], $0x4000, $0x38;
	[tilespmem:$0x1D000] =	vst v63  }
0x31: {  	_ =	swait.ge [sflag:s19], $0x4000  }
0x32: {  	[sflag:s19] =	ssyncset.done $0x0  }
0x33: {  	[sflag:s19] =	ssyncadd.s32 $0xFFFFC000  }
0x34: {  	[spmem:s8] =	stream.linear.scatter [tilespmem:s18], [sflag:$0x2], $0x4000, $0x38;
	[tilespmem:$0x1D000] =	vst v63  }
0x35: {  	_ =	swait.ge [sflag:s19], $0x4000  }
0x36: {  	[sflag:s19] =	ssyncset.done $0x0  }
0x37: {  	[sflag:s19] =	ssyncadd.s32 $0xFFFFC000  }
0x38: {  	[spmem:s9] =	stream.linear.scatter [tilespmem:s18], [sflag:$0x2], $0x4000, $0x38;
	[tilespmem:$0x1D000] =	vst v63  }
0x39: {  	_ =	swait.ge [sflag:s19], $0x4000  }
0x3a: {  	[sflag:s19] =	ssyncset.done $0x0  }
0x3b: {  	[sflag:s19] =	ssyncadd.s32 $0xFFFFC000  }
0x3c: {  	s29 =	simm.s32 $0x0;
	[bflag:$0x0] =	sbarrier.arrive $0xFFFF  }
0x3d: {  	[tilespmem:s29], [sflag:$0x2] =	stream.linear.gather [hbm4b:s16+s29], $0x2780, $0x38;
	[tilespmem:$0x1D000] =	vst v63  }
0x3e: {  	_ =	swait.ge [sflag:s19], $0x2780  }
0x3f: {  	[sflag:s19] =	ssyncset.done $0x0  }
0x40: {  	[sflag:s19] =	ssyncadd.s32 $0xFFFFD880  }
0x41: {  	[tilespmem:s20], [sflag:$0x2] =	stream.linear.gather [hbm4b:s17+s29], $0x2780, $0x38;
	[tilespmem:$0x1D000] =	vst v63  }
0x42: {  	_ =	swait.ge [sflag:s19], $0x2780  }
0x43: {  	[sflag:s19] =	ssyncset.done $0x0  }
0x44: {  	s30 =	simm.s32 $0x0;
	[sflag:s19] =	ssyncadd.s32 $0xFFFFD880  }
0x45: {  	[tilespmem:s18], [sflag:$0x1] =	stream.indirect.gather [hbm4b:s1+s21], $0x80, s30, s21, $0xb8;
	[tilespmem:$0x1D000] =	vst v63  }
0x46: {  	_ =	swait.ge [sflag:s22], $0x4000  }
0x47: {  	[sflag:s22] =	ssyncset.done $0x0  }
0x48: {  	s31 =	simm.s32 $0x2800;
	[sflag:s22] =	ssyncadd.s32 $0xFFFFC000  }
0x49: {  	[spmem:s2] =	stream.indirect.scatter.add.f32 [tilespmem:s18], [sflag:$0x2], $0x80, s31, s21, $0xb8;
	[tilespmem:$0x1D000] =	vst v63  }
0x4a: {  	_ =	swait.ge [sflag:s19], $0x4000  }
0x4b: {  	s24 =	simm.s32 $0x200;
	s25 =	simm.s32 $0x400;
	[sflag:s19] =	ssyncset.done $0x0  }
.LBB2_4:
0x4c: {  	s26 =	sshra.s32 s24, $0x2  }
0x4d: {  	[sflag:s19] =	ssyncadd.s32 $0xFFFFC000;
	s24 =	smov.u32 s25;
	s28 =	sadd.s32 $0x200, s25  }
0x4e: {  	[tilespmem:s18], [sflag:$0x1] =	stream.indirect.gather [hbm4b:s1+s21], $0x80, s26, s21, $0xb8;
	[tilespmem:$0x1D000] =	vst v63  }
0x4f: {  	p0 =	sne.s32 s25, $0x9C00;
	_ =	swait.ge [sflag:s22], $0x4000  }
.Ltmp1:
0x50: {  	[sflag:s22] =	ssyncset.done $0x0;
	(pc) =	sbr.rel @p0 .LBB2_4-.Ltmp1, $4  }
0x51: {  	s25 =	sadd.s32 $0x2800, s26;
	[sflag:s22] =	ssyncadd.s32 $0xFFFFC000  }
0x52: {  	[spmem:s2] =	stream.indirect.scatter.add.f32 [tilespmem:s18], [sflag:$0x2], $0x80, s25, s21, $0xb8;
	[tilespmem:$0x1D000] =	vst v63  }
0x53: {  	_ =	swait.ge [sflag:s19], $0x4000  }
0x54: {  	s25 =	smov.u32 s28;
	[sflag:s19] =	ssyncset.done $0x0  }
0x55: {  	s24 =	sshra.s32 s24, $0x2;
	[sflag:s19] =	ssyncadd.s32 $0xFFFFC000  }
0x56: {  	[tilespmem:s18], [sflag:$0x1] =	stream.indirect.gather [hbm4b:s1+s21], $0x80, s24, s21, $0xb8;
	[tilespmem:$0x1D000] =	vst v63  }
0x57: {  	_ =	swait.ge [sflag:s22], $0x4000  }
0x58: {  	[sflag:s22] =	ssyncset.done $0x0  }
0x59: {  	s24 =	sadd.s32 $0x2800, s24;
	[sflag:s22] =	ssyncadd.s32 $0xFFFFC000  }
0x5a: {  	[spmem:s2] =	stream.indirect.scatter.add.f32 [tilespmem:s18], [sflag:$0x2], $0x80, s24, s21, $0xb8;
	[tilespmem:$0x1D000] =	vst v63  }
0x5b: {  	_ =	swait.ge [sflag:s19], $0x4000  }
0x5c: {  	[sflag:s19] =	ssyncset.done $0x0  }
0x5d: {  	[sflag:s19] =	ssyncadd.s32 $0xFFFFC000  }
0x5e: {  	[bflag:$0x0] =	sbarrier.arrive $0xFFFF  }
0x5f: {  	[tilespmem:s18], [sflag:$0x2] =	stream.linear.gather [spmem:s5], $0x4000, $0x38;
	[tilespmem:$0x1D000] =	vst v63  }
0x60: {  	_ =	swait.ge [sflag:s19], $0x4000  }
0x61: {  	[sflag:s19] =	ssyncset.done $0x0  }
0x62: {  	[sflag:s19] =	ssyncadd.s32 $0xFFFFC000  }
0x63: {  	[hbm4b:s10+s3] =	stream.linear.scatter [tilespmem:s18], [sflag:$0x2], $0x4000, $0x38;
	[tilespmem:$0x1D000] =	vst v63  }
0x64: {  	_ =	swait.ge [sflag:s19], $0x4000  }
0x65: {  	[sflag:s19] =	ssyncset.done $0x0  }
0x66: {  	[sflag:s19] =	ssyncadd.s32 $0xFFFFC000  }
0x67: {  	[tilespmem:s18], [sflag:$0x2] =	stream.linear.gather [spmem:s6], $0x4000, $0x38;
	[tilespmem:$0x1D000] =	vst v63  }
0x68: {  	_ =	swait.ge [sflag:s19], $0x4000  }
0x69: {  	[sflag:s19] =	ssyncset.done $0x0  }
0x6a: {  	[sflag:s19] =	ssyncadd.s32 $0xFFFFC000  }
0x6b: {  	[hbm4b:s11+s3] =	stream.linear.scatter [tilespmem:s18], [sflag:$0x2], $0x4000, $0x38;
	[tilespmem:$0x1D000] =	vst v63  }
0x6c: {  	_ =	swait.ge [sflag:s19], $0x4000  }
0x6d: {  	[sflag:s19] =	ssyncset.done $0x0  }
0x6e: {  	[sflag:s19] =	ssyncadd.s32 $0xFFFFC000  }
0x6f: {  	[tilespmem:s18], [sflag:$0x2] =	stream.linear.gather [spmem:s7], $0x4000, $0x38;
	[tilespmem:$0x1D000] =	vst v63  }
0x70: {  	_ =	swait.ge [sflag:s19], $0x4000  }
0x71: {  	[sflag:s19] =	ssyncset.done $0x0  }
0x72: {  	[sflag:s19] =	ssyncadd.s32 $0xFFFFC000  }
0x73: {  	[hbm4b:s12+s3] =	stream.linear.scatter [tilespmem:s18], [sflag:$0x2], $0x4000, $0x38;
	[tilespmem:$0x1D000] =	vst v63  }
0x74: {  	_ =	swait.ge [sflag:s19], $0x4000  }
0x75: {  	[sflag:s19] =	ssyncset.done $0x0  }
0x76: {  	[sflag:s19] =	ssyncadd.s32 $0xFFFFC000  }
0x77: {  	[tilespmem:s18], [sflag:$0x2] =	stream.linear.gather [spmem:s8], $0x4000, $0x38;
	[tilespmem:$0x1D000] =	vst v63  }
0x78: {  	_ =	swait.ge [sflag:s19], $0x4000  }
0x79: {  	[sflag:s19] =	ssyncset.done $0x0  }
0x7a: {  	[sflag:s19] =	ssyncadd.s32 $0xFFFFC000  }
0x7b: {  	[hbm4b:s13+s3] =	stream.linear.scatter [tilespmem:s18], [sflag:$0x2], $0x4000, $0x38;
	[tilespmem:$0x1D000] =	vst v63  }
0x7c: {  	_ =	swait.ge [sflag:s19], $0x4000  }
0x7d: {  	[sflag:s19] =	ssyncset.done $0x0  }
0x7e: {  	[sflag:s19] =	ssyncadd.s32 $0xFFFFC000  }
0x7f: {  	[tilespmem:s18], [sflag:$0x2] =	stream.linear.gather [spmem:s9], $0x4000, $0x38;
	[tilespmem:$0x1D000] =	vst v63  }
0x80: {  	s23 =	sadd.s32 $0x1, s23;
	_ =	swait.ge [sflag:s19], $0x4000  }
0x81: {  	p0 =	sne.s32 s23, s15;
	[sflag:s19] =	ssyncset.done $0x0  }
.Ltmp2:
0x82: {  	[sflag:s19] =	ssyncadd.s32 $0xFFFFC000;
	(pc) =	sbr.rel @p0 .LBB2_1-.Ltmp2, $4  }
0x83: {  	[hbm4b:s14+s3] =	stream.linear.scatter [tilespmem:s18], [sflag:$0x2], $0x4000, $0x38;
	[tilespmem:$0x1D000] =	vst v63  }
0x84: {  	_ =	swait.ge [sflag:s19], $0x4000  }
0x85: {  	[sflag:s19] =	ssyncset.done $0x0  }
0x86: {  	[sflag:s19] =	ssyncadd.s32 $0xFFFFC000  }
0x87: {  	_ =	sfence.sel $0x180000  }
0x88: {  	[bflag:$0x0] =	sbarrier.arrive $0xFFFF  }
0x89: {  	p0 =	sne.s32 s4, $0x0;
	_ =	strace $0x90000047  }
0x8a: {  	s0 =	sadd.s32 @!p0 $0x100000, s0;
	[bflag:$0x2] =	sbarrier.arrive $0xFFFF  }
0x8b: {  	[sflag:s0] =	ssyncadd.tile.s32 @!p0 $0x1;
	_ =	shalt  }
.Lfunc_end2:
_tile_overlayer_lowered:
.L_overlay_start_2:
0x8c: {  	(tag) =	ssettag $0x2  }
0x8d: {  	s0 =	rddreg [dreg:$0x0];
	s2 =	stileid.u32  }
0x8e: {  	s1 =	rddreg [dreg:$0x1];
	p0 =	sne.s32 s2, $0x0  }
0x8f: {  	s3 =	rddreg [dreg:$0x2];
	[bflag:$0x3] =	sbarrier.arrive $0xFFFF;
	s2 =	simm.s32 @!p0 $0x1C02  }
0x90: {  	[timem:s3], [sflag:s2] =	dma.local @!p0 [hbm:s0], s1  }
0x91: {  	s0 =	simm.s32 @!p0 $0x2  }
0x92: {  	_ =	swait.ge @!p0 [sflag:s0], s1  }
0x93: {  	s1 =	ssub.s32 @!p0 $0x0, s1;
	[sflag:s0] =	ssyncset.done @!p0 $0x0  }
0x94: {  	[sflag:s0] =	ssyncadd.s32 @!p0 s1  }
0x95: {  	[bflag:$0x3] =	sbarrier.arrive $0xFFFF  }
0x96: {  	_ =	shalt  }

// kernel: kernel.14.cloned.1.call-start
scs
__scs_entry_jumppad:
0x0: {  	(pc) =	sbr.rel $0x88, $3  }
0x1: {  	(tag) =	ssettag $0x0;
	lr =	simm.s32 $0x1  }
0x2: {  	[smem:$0x3F99] =	sst lr;
	_ =	strace $0xD0000000  }
0x3: {  	_ = 	snop  }
0x4: {  	_ = 	snop  }
0x5: {  	_ = 	snop  }
0x6: {  	_ = 	snop  }
0x7: {  	_ = 	snop  }
__scs_overlays_trampoline_lowered:
0x8: {  	[smem:$0x3FA8] =	sst s0  }
0x9: {  	[smem:$0x3FA9] =	sst s1  }
0xa: {  	[smem:$0x3FAA] =	sst s2  }
0xb: {  	[smem:$0x3FAB] =	sst s3  }
0xc: {  	[smem:$0x3FAC] =	sst s4  }
0xd: {  	[smem:$0x3FAD] =	sst s5  }
0xe: {  	[smem:$0x3FAE] =	sst s6  }
0xf: {  	[smem:$0x3FAF] =	sst s7  }
0x10: {  	[smem:$0x3FB0] =	sst s8  }
0x11: {  	[smem:$0x3FB1] =	sst s9;
	s0 =	simm.s32 @!p0 $0x0  }
0x12: {  	s1 =	sld [smem:$0x3F97];
	s0 =	simm.s32 @p0 $0x1  }
0x13: {  	[smem:$0x3FB2] =	sst s0;
	s0 =	simm.s32 @!p1 $0x0  }
0x14: {  	s2 =	sld [smem:$0x3F96];
	s0 =	simm.s32 @p1 $0x1  }
0x15: {  	[smem:$0x3FB3] =	sst s0;
	s0 =	simm.s32 @!p2 $0x0  }
0x16: {  	s3 =	sld [smem:$0x3FDB];
	s0 =	simm.s32 @p2 $0x1  }
0x17: {  	s4 =	simm.s32 $0x1BF5;
	[smem:$0x3FB5] =	sst s0  }
0x18: {  	s0 =	sld [smem:$0x3F98];
	_ =	swait.ge [sflag:s4], $0x0  }
0x19: {  	s7 =	sld [smem:$0x3F99]  }
0x1a: {  	s8 =	sadd.s32 $0xFFFFE003, lr  }
0x1b: {  	s9 =	sadd.s32 $0xFFFFFEF7, lr;
	s5 =	simm.s32 $0xFFFFFFFF;
	p2 =	slt.u32 s8, $0xFFFFF086  }
0x1c: {  	p1 =	slt.u32 s9, $0xF7A;
	s5 =	simm.s32 @!p2 $0x0  }
0x1d: {  	s5 =	simm.s32 @p1 $0x1;
	p0 =	seq.s32 s7, s2  }
0x1e: {  	s7 =	smul.u32 @!p0 $0xF7A, s2;
	p2 =	seq.s32 @!p0 s5, $0x0  }
0x1f: {  	s9 =	smul.u32 $0xF7A, s1;
	s8 =	simm.s32 @!p0 $0x1BF5;
	p2 =	por !p2, p0  }
0x20: {  	[sflag:s8] =	ssyncset.s32 @!p0 $0xFFFFF086;
	s6 =	sadd.s32 @!p0 s3, s7;
	s7 =	simm.s32 @!p0 $0x108  }
0x21: {  	s3 =	sadd.s32 s3, s9;
	s6 =	sadd.s32 @!p0 $0x88, s6;
	s7 =	simm.s32 @p2 $0x1082  }
0x22: {  	[simem:s7], [sflag:s8] =	dma.local @!p0 [hbm:s6], $0xF7A  }
0x23: {  	s9 =	sor.u32 $0xD0000000, s2;
	s6 =	simm.s32 $0x108;
	_ =	swait.ge @!p0 [sflag:s8], $0x0  }
0x24: {  	s3 =	sadd.s32 $0x88, s3;
	s6 =	simm.s32 @!p1 $0x1082;
	[sflag:s4] =	ssyncset.s32 $0xFFFFF086  }
0x25: {  	[simem:s6], [sflag:s4] =	dma.local [hbm:s3], $0xF7A  }
0x26: {  	[smem:$0x3F99] =	sst s1;
	(tag) =	ssettag s2;
	_ =	strace s9  }
0x27: {  	s1 =	sld [smem:$0x3FA9]  }
0x28: {  	s2 =	sld [smem:$0x3FAA]  }
0x29: {  	s4 =	sld [smem:$0x3FAC]  }
0x2a: {  	p0 =	seq.s32 s5, $0x0;
	s5 =	sld [smem:$0x3FAD]  }
0x2b: {  	s6 =	sld [smem:$0x3FAE]  }
0x2c: {  	s7 =	sld [smem:$0x3FAF]  }
0x2d: {  	s3 =	simm.s32 $0x108;
	s8 =	sld [smem:$0x3FB0]  }
0x2e: {  	s3 =	simm.s32 @!p0 $0x1082;
	s9 =	sld [smem:$0x3FB1]  }
0x2f: {  	lr =	sadd.s32 s0, s3;
	s0 =	sld [smem:$0x3FA8]  }
0x30: {  	s3 =	sld [smem:$0x3FAB]  }
0x31: {  	[smem:$0x3FB4] =	sst s10  }
0x32: {  	s10 =	sld [smem:$0x3FB2];
	_ =	sdelay $0x3  }
0x33: {  	p0 =	seq.s32 s10, $0x1;
	s10 =	sld [smem:$0x3FB4];
	_ =	sdelay $0x3  }
0x34: {  	[smem:$0x3FB4] =	sst s10  }
0x35: {  	s10 =	sld [smem:$0x3FB3];
	_ =	sdelay $0x3  }
0x36: {  	p1 =	seq.s32 s10, $0x1;
	s10 =	sld [smem:$0x3FB4];
	_ =	sdelay $0x3  }
0x37: {  	[smem:$0x3FB4] =	sst s10  }
0x38: {  	s10 =	sld [smem:$0x3FB5]  }
0x39: {  	_ = 	snop;
	(pc) =	sbr.ind lr, $3  }
0x3a: {  	_ = 	snop  }
0x3b: {  	_ = 	snop  }
0x3c: {  	p2 =	seq.s32 s10, $0x1;
	s10 =	sld [smem:$0x3FB4]  }
0x3d: {  	_ =	shalt  }
0x3e: {  	_ =	shalt  }
0x3f: {  	_ =	shalt  }
0x40: {  	_ =	shalt  }
0x41: {  	_ =	shalt  }
0x42: {  	_ =	shalt  }
0x43: {  	_ =	shalt  }
0x44: {  	_ =	shalt  }
0x45: {  	_ =	shalt  }
0x46: {  	_ =	shalt  }
0x47: {  	_ =	shalt  }
0x48: {  	_ =	shalt  }
0x49: {  	_ =	shalt  }
0x4a: {  	_ =	shalt  }
0x4b: {  	_ =	shalt  }
0x4c: {  	_ =	shalt  }
0x4d: {  	_ =	shalt  }
0x4e: {  	_ =	shalt  }
0x4f: {  	_ =	shalt  }
0x50: {  	_ =	shalt  }
0x51: {  	_ =	shalt  }
0x52: {  	_ =	shalt  }
0x53: {  	_ =	shalt  }
0x54: {  	_ =	shalt  }
0x55: {  	_ =	shalt  }
0x56: {  	_ =	shalt  }
0x57: {  	_ =	shalt  }
0x58: {  	_ =	shalt  }
0x59: {  	_ =	shalt  }
0x5a: {  	_ =	shalt  }
0x5b: {  	_ =	shalt  }
0x5c: {  	_ =	shalt  }
0x5d: {  	_ =	shalt  }
0x5e: {  	_ =	shalt  }
0x5f: {  	_ =	shalt  }
0x60: {  	_ =	shalt  }
0x61: {  	_ =	shalt  }
0x62: {  	_ =	shalt  }
0x63: {  	_ =	shalt  }
0x64: {  	_ =	shalt  }
0x65: {  	_ =	shalt  }
0x66: {  	_ =	shalt  }
0x67: {  	_ =	shalt  }
0x68: {  	_ =	shalt  }
0x69: {  	_ =	shalt  }
0x6a: {  	_ =	shalt  }
0x6b: {  	_ =	shalt  }
0x6c: {  	_ =	shalt  }
0x6d: {  	_ =	shalt  }
0x6e: {  	_ =	shalt  }
0x6f: {  	_ =	shalt  }
0x70: {  	_ =	shalt  }
0x71: {  	_ =	shalt  }
0x72: {  	_ =	shalt  }
0x73: {  	_ =	shalt  }
0x74: {  	_ =	shalt  }
0x75: {  	_ =	shalt  }
0x76: {  	_ =	shalt  }
0x77: {  	_ =	shalt  }
0x78: {  	_ =	shalt  }
0x79: {  	_ =	shalt  }
0x7a: {  	_ =	shalt  }
0x7b: {  	_ =	shalt  }
0x7c: {  	_ =	shalt  }
0x7d: {  	_ =	shalt  }
0x7e: {  	_ =	shalt  }
0x7f: {  	_ =	shalt  }
0x80: {  	_ =	shalt  }
0x81: {  	_ =	shalt  }
0x82: {  	_ =	shalt  }
0x83: {  	_ =	shalt  }
0x84: {  	_ =	shalt  }
0x85: {  	_ =	shalt  }
0x86: {  	_ =	shalt  }
0x87: {  	_ =	shalt  }
.Lfunc_end0:
.L_simem_size_0:
called_computation.2_lowered:
.L_overlay_start_0:
0x88: {  	s2 =	sld [smem:$0x3FD9]  }
0x89: {  	s3 =	sld [smem:$0x3FFE];
	_ =	sdelay $0x1  }
0x8a: {  	s1 =	srdreg.scid  }
0x8b: {  	s0 =	sand.u32 $0x1, s1  }
0x8c: {  	s17 =	sshll.u32 s0, $0xA;
	s2 =	sadd.s32 s3, s2  }
0x8d: {  	s2 =	sadd.s32 s2, s17  }
0x8e: {  	[smem:$0x3FC0] =	sst s2  }
0x8f: {  	_ = 	snop  }
0x90: {  	s2 =	sld [smem:$0x3FD0];
	(tm) =	ssettm $0x1  }
0x91: {  	s18 =	sld [smem:$0x3FFB];
	_ =	sdelay $0x3  }
0x92: {  	_ =	strace s18  }
0x93: {  	s3 =	sld [smem:$0x3FFC];
	_ =	sdelay $0x3  }
0x94: {  	_ =	strace s3  }
0x95: {  	s3 =	sld [smem:$0x3FFD];
	_ =	sdelay $0x3  }
0x96: {  	_ =	strace s3  }
0x97: {  	_ =	strace $0x8FFFFFFF  }
0x98: {  	s19 =	sld [smem:$0x3FDB];
	_ =	sdelay $0x1  }
0x99: {  	s4 =	simm.s32 $_scs_section_size  }
0x9a: {  	s5 =	simm.s32 $_size__tile_overlayer_lowered;
	s6 =	simm.s32 $_tile_overlayer_lowered  }
0x9b: {  	s22 =	simm.s32 $0x1BFF;
	s21 =	sshll.u32 s6, $0x1;
	s3 =	sadd.s32 s4, s19  }
0x9c: {  	s7 =	simm.s32 $0x0;
	s20 =	sshll.u32 s5, $0x1;
	s5 =	sadd.s32 s21, s3  }
0x9d: {  	[timem:s7], [sflag:s22] =	dma.local [hbm:s5], s20  }
0x9e: {  	_ =	swait.ge [sflag:s22], s20  }
0x9f: {  	s4 =	ssub.s32 $0x0, s20;
	[sflag:s22] =	ssyncset.done $0x0  }
0xa0: {  	[sflag:s22] =	ssyncadd.s32 s4;
	_ =	sdelay $0x1  }
0xa1: {  	s23 =	simm.s32 $0x1B8B  }
0xa2: {  	_ =	swait.ge [sflag:s23], $0x1  }
0xa3: {  	[sflag:s23] =	ssyncset.done $0x0  }
0xa4: {  	s25 =	simm.s32 $0x1B8E;
	s24 =	sld [smem:$0x3FFE];
	[sflag:s23] =	ssyncadd.s32 $0xFFFFFFFF  }
0xa5: {  	s26 =	simm.s32 $execute0_lowered;
	[smem:$0x3FD2] =	sst s25  }
0xa6: {  	s5 =	sshll.u32 s26, $0x1;
	_ =	strace $0x8000004C;
	[dreg:$0x1] =	wrdreg $0xFFFFFFFF  }
0xa7: {  	s28 =	simm.s32 $_size_execute0_lowered;
	s3 =	sadd.s32 s3, s5;
	[dreg:$0x0] =	wrdreg $0x0  }
0xa8: {  	s5 =	sshll.u32 s28, $0x1;
	[dreg:$0x2] =	wrdreg s3  }
0xa9: {  	[dreg:$0x3] =	wrdreg s5  }
0xaa: {  	[dreg:$0x4] =	wrdreg $0xC0  }
0xab: {  	_ =	task [dreg:s7], $0x5FFFF  }
0xac: {  	[dreg:$0x1] =	wrdreg $0xFFFFFFFF  }
0xad: {  	[dreg:$0x0] =	wrdreg $0x60  }
0xae: {  	[dreg:$0x2] =	wrdreg s2  }
0xaf: {  	[dreg:$0x3] =	wrdreg s24  }
0xb0: {  	[dreg:$0x4] =	wrdreg $0x90000  }
0xb1: {  	[dreg:$0x5] =	wrdreg $0x9  }
0xb2: {  	_ =	task.clear_ibuf [dreg:s7], $0x6FFFF;
	_ =	strace $0x9000004C  }
0xb3: {  	s29 =	simm.s32 $0x9;
	_ =	strace $0x8000004E  }
0xb4: {  	_ =	swait.ge [sflag:s29], $0x1  }
0xb5: {  	[sflag:s29] =	ssyncadd.s32 $0xFFFFFFFF  }
0xb6: {  	_ =	strace $0x9000004E  }
0xb7: {  	_ =	sfence  }
0xb8: {  	s30 =	sld [smem:$0x0];
	_ =	sdelay $0x2  }
0xb9: {  	s31 =	sshll.u32 s1, $0xD;
	s1 =	sshrl.u32 s1, $0x2  }
0xba: {  	s3 =	sand.u32 $0x4000, s31;
	s1 =	sadd.s32 s1, s30  }
0xbb: {  	s0 =	sor.u32 s3, s0;
	s1 =	sshll.u32 s1, $0x11  }
0xbc: {  	s0 =	sor.u32 s1, s0  }
0xbd: {  	s0 =	sadd.s32 $0x8F2B, s0  }
0xbe: {  	[sflag:s0] =	ssyncadd.remote.s32 $0x1  }
0xbf: {  	_ =	sfence.sel $0xFFFF  }
0xc0: {  	[dreg:$0x0] =	wrdreg $0xFFFFFFFF;
	(pc) =	sbr.abs _section_cstart, $3  }
0xc1: {  	[dreg:$0x1] =	wrdreg $0xFFFFFFFF  }
0xc2: {  	_ =	task.clear_ibuf [dreg:s7], $0x2FFFF;
	_ =	strace $0x9FFFFFFF  }
0xc3: {  	(tm) =	ssettm $0x7FFFFFFF  }
tec
execute0_lowered:
.L_overlay_start_1:
0x0: {  	(tag) =	ssettag $0x1  }
0x1: {  	s1 =	rddreg [dreg:$0x0]  }
0x2: {  	s5 =	rddreg [dreg:$0x1]  }
0x3: {  	s2 =	rddreg [dreg:$0x2]  }
0x4: {  	s0 =	rddreg [dreg:$0x3];
	s3 =	simm.s32 $0x0;
	s6 =	srdreg.scid  }
0x5: {  	s4 =	stileid.u32;
	[smem:$0x7FF] =	sst s3  }
0x6: {  	s16 =	sadd.s32 $0x6C00, s5;
	s17 =	sadd.s32 $0x1C00, s5;
	s25 =	smul.u32 $0x50000, s4  }
0x7: {  	s15 =	sadd.s32 $0xBC00, s5;
	s10 =	sand.u32 $0x1, s6;
	s11 =	smul.u32 $0x14000, s4  }
0x8: {  	s18 =	sadd.s32 $0x1AC00, s5;
	s14 =	sadd.s32 $0x1FC00, s5;
	s23 =	smul.u32 $0x500, s4  }
0x9: {  	_ =	strace $0x8000004D;
	s7 =	ssub.s32 $0x2, s10;
	s20 =	smul.u32 $0x140000, s10  }
0xa: {  	p0 =	seq.s32 s10, $0x1;
	s26 =	sshrl.u32 s7, $0x1;
	s6 =	sshrl.u32 s25, $0x2  }
0xb: {  	s12 =	sadd.s32 $0x4000, s11;
	s13 =	sadd.s32 $0x8000, s11;
	s21 =	sadd.s32 $0xC000, s11  }
0xc: {  	s22 =	sadd.s32 $0x10000, s11;
	s16 =	smov.u32 @p0 s15;
	s17 =	smov.u32 @p0 s18  }
0xd: {  	s18 =	simm.s32 $0x5000;
	s19 =	ssub.s32 s7, s26;
	s5 =	sadd.s32 s6, s2  }
0xe: {  	s6 =	sadd.s32 s12, s2;
	s7 =	sadd.s32 s13, s2;
	s8 =	sadd.s32 s21, s2  }
0xf: {  	s9 =	sadd.s32 s22, s2;
	s11 =	sadd.s32 s11, s20;
	s29 =	sadd.s32 s20, s12  }
0x10: {  	s30 =	sadd.s32 s20, s13;
	s31 =	sadd.s32 s20, s21;
	s20 =	sadd.s32 s20, s22  }
0x11: {  	s16 =	sadd.s32 s16, s23;
	s17 =	sadd.s32 s17, s23;
	s21 =	simm.s32 $0x80  }
0x12: {  	s22 =	simm.s32 $0x1;
	s23 =	simm.s32 $0x0;
	s28 =	sshrl.u32 s11, $0x3  }
0x13: {  	s11 =	sshrl.u32 s29, $0x3;
	s12 =	sshrl.u32 s30, $0x3;
	s13 =	sshrl.u32 s31, $0x3  }
0x14: {  	s20 =	sshrl.u32 s20, $0x3;
	s15 =	smax.u32 s19, $0x1;
	s19 =	simm.s32 $0x2  }
0x15: {  	s10 =	sadd.s32 s14, s28;
	s11 =	sadd.s32 s14, s11;
	s12 =	sadd.s32 s14, s12  }
0x16: {  	v0 =	vimm.f32 $0.0e+00;
	s13 =	sadd.s32 s14, s13;
	s14 =	sadd.s32 s14, s20;
	s20 =	simm.s32 $0x2800  }
.LBB2_1:
0x17: {  	s24 =	simm.s32 $0x0;
	s25 =	simm.s32 $0x200  }
.LBB2_2:
0x18: {  	p0 =	sne.s32 s25, $0xFE00;
	[tilespmem:s24+$0x5070] =	vst v0  }
0x19: {  	[tilespmem:s24+$0x5000] =	vst v0  }
0x1a: {  	[tilespmem:s24+$0x5010] =	vst v0  }
.Ltmp0:
0x1b: {  	[tilespmem:s24+$0x5020] =	vst v0;
	(pc) =	sbr.rel @p0 .LBB2_2-.Ltmp0, $4  }
0x1c: {  	[tilespmem:s24+$0x5030] =	vst v0  }
0x1d: {  	[tilespmem:s24+$0x5040] =	vst v0  }
0x1e: {  	[tilespmem:s24+$0x5050] =	vst v0  }
0x1f: {  	[tilespmem:s24+$0x5060] =	vst v0;
	s24 =	sshra.s32 s25, $0x2;
	s25 =	sadd.s32 $0x200, s25  }
0x20: {  	[tilespmem:s24+$0x5070] =	vst v0  }
0x21: {  	[tilespmem:s24+$0x5000] =	vst v0  }
0x22: {  	[tilespmem:s24+$0x5010] =	vst v0  }
0x23: {  	[tilespmem:s24+$0x5020] =	vst v0  }
0x24: {  	[tilespmem:s24+$0x5030] =	vst v0  }
0x25: {  	[tilespmem:s24+$0x5040] =	vst v0  }
0x26: {  	[tilespmem:s24+$0x5050] =	vst v0  }
0x27: {  	[tilespmem:s24+$0x5060] =	vst v0  }
0x28: {  	[spmem:s5] =	stream.linear.scatter [tilespmem:s18], [sflag:$0x2], $0x4000, $0x38;
	[tilespmem:$0x1D000] =	vst v63  }
0x29: {  	_ =	swait.ge [sflag:s19], $0x4000  }
0x2a: {  	[sflag:s19] =	ssyncset.done $0x0  }
0x2b: {  	[sflag:s19] =	ssyncadd.s32 $0xFFFFC000  }
0x2c: {  	[spmem:s6] =	stream.linear.scatter [tilespmem:s18], [sflag:$0x2], $0x4000, $0x38;
	[tilespmem:$0x1D000] =	vst v63  }
0x2d: {  	_ =	swait.ge [sflag:s19], $0x4000  }
0x2e: {  	[sflag:s19] =	ssyncset.done $0x0  }
0x2f: {  	[sflag:s19] =	ssyncadd.s32 $0xFFFFC000  }
0x30: {  	[spmem:s7] =	stream.linear.scatter [tilespmem:s18], [sflag:$0x2], $0x4000, $0x38;
	[tilespmem:$0x1D000] =	vst v63  }
0x31: {  	_ =	swait.ge [sflag:s19], $0x4000  }
0x32: {  	[sflag:s19] =	ssyncset.done $0x0  }
0x33: {  	[sflag:s19] =	ssyncadd.s32 $0xFFFFC000  }
0x34: {  	[spmem:s8] =	stream.linear.scatter [tilespmem:s18], [sflag:$0x2], $0x4000, $0x38;
	[tilespmem:$0x1D000] =	vst v63  }
0x35: {  	_ =	swait.ge [sflag:s19], $0x4000  }
0x36: {  	[sflag:s19] =	ssyncset.done $0x0  }
0x37: {  	[sflag:s19] =	ssyncadd.s32 $0xFFFFC000  }
0x38: {  	[spmem:s9] =	stream.linear.scatter [tilespmem:s18], [sflag:$0x2], $0x4000, $0x38;
	[tilespmem:$0x1D000] =	vst v63  }
0x39: {  	_ =	swait.ge [sflag:s19], $0x4000  }
0x3a: {  	[sflag:s19] =	ssyncset.done $0x0  }
0x3b: {  	[sflag:s19] =	ssyncadd.s32 $0xFFFFC000  }
0x3c: {  	s29 =	simm.s32 $0x0;
	[bflag:$0x0] =	sbarrier.arrive $0xFFFF  }
0x3d: {  	[tilespmem:s29], [sflag:$0x2] =	stream.linear.gather [hbm4b:s16+s29], $0x2780, $0x38;
	[tilespmem:$0x1D000] =	vst v63  }
0x3e: {  	_ =	swait.ge [sflag:s19], $0x2780  }
0x3f: {  	[sflag:s19] =	ssyncset.done $0x0  }
0x40: {  	[sflag:s19] =	ssyncadd.s32 $0xFFFFD880  }
0x41: {  	[tilespmem:s20], [sflag:$0x2] =	stream.linear.gather [hbm4b:s17+s29], $0x2780, $0x38;
	[tilespmem:$0x1D000] =	vst v63  }
0x42: {  	_ =	swait.ge [sflag:s19], $0x2780  }
0x43: {  	[sflag:s19] =	ssyncset.done $0x0  }
0x44: {  	s30 =	simm.s32 $0x0;
	[sflag:s19] =	ssyncadd.s32 $0xFFFFD880  }
0x45: {  	[tilespmem:s18], [sflag:$0x1] =	stream.indirect.gather [hbm4b:s1+s21], $0x80, s30, s21, $0xb8;
	[tilespmem:$0x1D000] =	vst v63  }
0x46: {  	_ =	swait.ge [sflag:s22], $0x4000  }
0x47: {  	[sflag:s22] =	ssyncset.done $0x0  }
0x48: {  	s31 =	simm.s32 $0x2800;
	[sflag:s22] =	ssyncadd.s32 $0xFFFFC000  }
0x49: {  	[spmem:s2] =	stream.indirect.scatter.add.f32 [tilespmem:s18], [sflag:$0x2], $0x80, s31, s21, $0xb8;
	[tilespmem:$0x1D000] =	vst v63  }
0x4a: {  	_ =	swait.ge [sflag:s19], $0x4000  }
0x4b: {  	s24 =	simm.s32 $0x200;
	s25 =	simm.s32 $0x400;
	[sflag:s19] =	ssyncset.done $0x0  }
.LBB2_4:
0x4c: {  	s26 =	sshra.s32 s24, $0x2  }
0x4d: {  	[sflag:s19] =	ssyncadd.s32 $0xFFFFC000;
	s24 =	smov.u32 s25;
	s28 =	sadd.s32 $0x200, s25  }
0x4e: {  	[tilespmem:s18], [sflag:$0x1] =	stream.indirect.gather [hbm4b:s1+s21], $0x80, s26, s21, $0xb8;
	[tilespmem:$0x1D000] =	vst v63  }
0x4f: {  	p0 =	sne.s32 s25, $0x9C00;
	_ =	swait.ge [sflag:s22], $0x4000  }
.Ltmp1:
0x50: {  	[sflag:s22] =	ssyncset.done $0x0;
	(pc) =	sbr.rel @p0 .LBB2_4-.Ltmp1, $4  }
0x51: {  	s25 =	sadd.s32 $0x2800, s26;
	[sflag:s22] =	ssyncadd.s32 $0xFFFFC000  }
0x52: {  	[spmem:s2] =	stream.indirect.scatter.add.f32 [tilespmem:s18], [sflag:$0x2], $0x80, s25, s21, $0xb8;
	[tilespmem:$0x1D000] =	vst v63  }
0x53: {  	_ =	swait.ge [sflag:s19], $0x4000  }
0x54: {  	s25 =	smov.u32 s28;
	[sflag:s19] =	ssyncset.done $0x0  }
0x55: {  	s24 =	sshra.s32 s24, $0x2;
	[sflag:s19] =	ssyncadd.s32 $0xFFFFC000  }
0x56: {  	[tilespmem:s18], [sflag:$0x1] =	stream.indirect.gather [hbm4b:s1+s21], $0x80, s24, s21, $0xb8;
	[tilespmem:$0x1D000] =	vst v63  }
0x57: {  	_ =	swait.ge [sflag:s22], $0x4000  }
0x58: {  	[sflag:s22] =	ssyncset.done $0x0  }
0x59: {  	s24 =	sadd.s32 $0x2800, s24;
	[sflag:s22] =	ssyncadd.s32 $0xFFFFC000  }
0x5a: {  	[spmem:s2] =	stream.indirect.scatter.add.f32 [tilespmem:s18], [sflag:$0x2], $0x80, s24, s21, $0xb8;
	[tilespmem:$0x1D000] =	vst v63  }
0x5b: {  	_ =	swait.ge [sflag:s19], $0x4000  }
0x5c: {  	[sflag:s19] =	ssyncset.done $0x0  }
0x5d: {  	[sflag:s19] =	ssyncadd.s32 $0xFFFFC000  }
0x5e: {  	[bflag:$0x0] =	sbarrier.arrive $0xFFFF  }
0x5f: {  	[tilespmem:s18], [sflag:$0x2] =	stream.linear.gather [spmem:s5], $0x4000, $0x38;
	[tilespmem:$0x1D000] =	vst v63  }
0x60: {  	_ =	swait.ge [sflag:s19], $0x4000  }
0x61: {  	[sflag:s19] =	ssyncset.done $0x0  }
0x62: {  	[sflag:s19] =	ssyncadd.s32 $0xFFFFC000  }
0x63: {  	[hbm4b:s10+s3] =	stream.linear.scatter [tilespmem:s18], [sflag:$0x2], $0x4000, $0x38;
	[tilespmem:$0x1D000] =	vst v63  }
0x64: {  	_ =	swait.ge [sflag:s19], $0x4000  }
0x65: {  	[sflag:s19] =	ssyncset.done $0x0  }
0x66: {  	[sflag:s19] =	ssyncadd.s32 $0xFFFFC000  }
0x67: {  	[tilespmem:s18], [sflag:$0x2] =	stream.linear.gather [spmem:s6], $0x4000, $0x38;
	[tilespmem:$0x1D000] =	vst v63  }
0x68: {  	_ =	swait.ge [sflag:s19], $0x4000  }
0x69: {  	[sflag:s19] =	ssyncset.done $0x0  }
0x6a: {  	[sflag:s19] =	ssyncadd.s32 $0xFFFFC000  }
0x6b: {  	[hbm4b:s11+s3] =	stream.linear.scatter [tilespmem:s18], [sflag:$0x2], $0x4000, $0x38;
	[tilespmem:$0x1D000] =	vst v63  }
0x6c: {  	_ =	swait.ge [sflag:s19], $0x4000  }
0x6d: {  	[sflag:s19] =	ssyncset.done $0x0  }
0x6e: {  	[sflag:s19] =	ssyncadd.s32 $0xFFFFC000  }
0x6f: {  	[tilespmem:s18], [sflag:$0x2] =	stream.linear.gather [spmem:s7], $0x4000, $0x38;
	[tilespmem:$0x1D000] =	vst v63  }
0x70: {  	_ =	swait.ge [sflag:s19], $0x4000  }
0x71: {  	[sflag:s19] =	ssyncset.done $0x0  }
0x72: {  	[sflag:s19] =	ssyncadd.s32 $0xFFFFC000  }
0x73: {  	[hbm4b:s12+s3] =	stream.linear.scatter [tilespmem:s18], [sflag:$0x2], $0x4000, $0x38;
	[tilespmem:$0x1D000] =	vst v63  }
0x74: {  	_ =	swait.ge [sflag:s19], $0x4000  }
0x75: {  	[sflag:s19] =	ssyncset.done $0x0  }
0x76: {  	[sflag:s19] =	ssyncadd.s32 $0xFFFFC000  }
0x77: {  	[tilespmem:s18], [sflag:$0x2] =	stream.linear.gather [spmem:s8], $0x4000, $0x38;
	[tilespmem:$0x1D000] =	vst v63  }
0x78: {  	_ =	swait.ge [sflag:s19], $0x4000  }
0x79: {  	[sflag:s19] =	ssyncset.done $0x0  }
0x7a: {  	[sflag:s19] =	ssyncadd.s32 $0xFFFFC000  }
0x7b: {  	[hbm4b:s13+s3] =	stream.linear.scatter [tilespmem:s18], [sflag:$0x2], $0x4000, $0x38;
	[tilespmem:$0x1D000] =	vst v63  }
0x7c: {  	_ =	swait.ge [sflag:s19], $0x4000  }
0x7d: {  	[sflag:s19] =	ssyncset.done $0x0  }
0x7e: {  	[sflag:s19] =	ssyncadd.s32 $0xFFFFC000  }
0x7f: {  	[tilespmem:s18], [sflag:$0x2] =	stream.linear.gather [spmem:s9], $0x4000, $0x38;
	[tilespmem:$0x1D000] =	vst v63  }
0x80: {  	s23 =	sadd.s32 $0x1, s23;
	_ =	swait.ge [sflag:s19], $0x4000  }
0x81: {  	p0 =	sne.s32 s23, s15;
	[sflag:s19] =	ssyncset.done $0x0  }
.Ltmp2:
0x82: {  	[sflag:s19] =	ssyncadd.s32 $0xFFFFC000;
	(pc) =	sbr.rel @p0 .LBB2_1-.Ltmp2, $4  }
0x83: {  	[hbm4b:s14+s3] =	stream.linear.scatter [tilespmem:s18], [sflag:$0x2], $0x4000, $0x38;
	[tilespmem:$0x1D000] =	vst v63  }
0x84: {  	_ =	swait.ge [sflag:s19], $0x4000  }
0x85: {  	[sflag:s19] =	ssyncset.done $0x0  }
0x86: {  	[sflag:s19] =	ssyncadd.s32 $0xFFFFC000  }
0x87: {  	_ =	sfence.sel $0x180000  }
0x88: {  	[bflag:$0x0] =	sbarrier.arrive $0xFFFF  }
0x89: {  	p0 =	sne.s32 s4, $0x0;
	_ =	strace $0x9000004D  }
0x8a: {  	s0 =	sadd.s32 @!p0 $0x100000, s0;
	[bflag:$0x2] =	sbarrier.arrive $0xFFFF  }
0x8b: {  	[sflag:s0] =	ssyncadd.tile.s32 @!p0 $0x1;
	_ =	shalt  }
.Lfunc_end2:
_tile_overlayer_lowered:
.L_overlay_start_2:
0x8c: {  	(tag) =	ssettag $0x2  }
0x8d: {  	s0 =	rddreg [dreg:$0x0];
	s2 =	stileid.u32  }
0x8e: {  	s1 =	rddreg [dreg:$0x1];
	p0 =	sne.s32 s2, $0x0  }
0x8f: {  	s3 =	rddreg [dreg:$0x2];
	[bflag:$0x3] =	sbarrier.arrive $0xFFFF;
	s2 =	simm.s32 @!p0 $0x1C02  }
0x90: {  	[timem:s3], [sflag:s2] =	dma.local @!p0 [hbm:s0], s1  }
0x91: {  	s0 =	simm.s32 @!p0 $0x2  }
0x92: {  	_ =	swait.ge @!p0 [sflag:s0], s1  }
0x93: {  	s1 =	ssub.s32 @!p0 $0x0, s1;
	[sflag:s0] =	ssyncset.done @!p0 $0x0  }
0x94: {  	[sflag:s0] =	ssyncadd.s32 @!p0 s1  }
0x95: {  	[bflag:$0x3] =	sbarrier.arrive $0xFFFF  }
0x96: {  	_ =	shalt  }

// kernel: kernel.8.cloned.1.call-start
scs
__scs_entry_jumppad:
0x0: {  	(pc) =	sbr.rel $0x88, $3  }
0x1: {  	(tag) =	ssettag $0x0;
	lr =	simm.s32 $0x1  }
0x2: {  	[smem:$0x3F99] =	sst lr;
	_ =	strace $0xD0000000  }
0x3: {  	_ = 	snop  }
0x4: {  	_ = 	snop  }
0x5: {  	_ = 	snop  }
0x6: {  	_ = 	snop  }
0x7: {  	_ = 	snop  }
__scs_overlays_trampoline_lowered:
0x8: {  	[smem:$0x3FA8] =	sst s0  }
0x9: {  	[smem:$0x3FA9] =	sst s1  }
0xa: {  	[smem:$0x3FAA] =	sst s2  }
0xb: {  	[smem:$0x3FAB] =	sst s3  }
0xc: {  	[smem:$0x3FAC] =	sst s4  }
0xd: {  	[smem:$0x3FAD] =	sst s5  }
0xe: {  	[smem:$0x3FAE] =	sst s6  }
0xf: {  	[smem:$0x3FAF] =	sst s7  }
0x10: {  	[smem:$0x3FB0] =	sst s8  }
0x11: {  	[smem:$0x3FB1] =	sst s9;
	s0 =	simm.s32 @!p0 $0x0  }
0x12: {  	s1 =	sld [smem:$0x3F97];
	s0 =	simm.s32 @p0 $0x1  }
0x13: {  	[smem:$0x3FB2] =	sst s0;
	s0 =	simm.s32 @!p1 $0x0  }
0x14: {  	s2 =	sld [smem:$0x3F96];
	s0 =	simm.s32 @p1 $0x1  }
0x15: {  	[smem:$0x3FB3] =	sst s0;
	s0 =	simm.s32 @!p2 $0x0  }
0x16: {  	s3 =	sld [smem:$0x3FDB];
	s0 =	simm.s32 @p2 $0x1  }
0x17: {  	s4 =	simm.s32 $0x1BF5;
	[smem:$0x3FB5] =	sst s0  }
0x18: {  	s0 =	sld [smem:$0x3F98];
	_ =	swait.ge [sflag:s4], $0x0  }
0x19: {  	s7 =	sld [smem:$0x3F99]  }
0x1a: {  	s8 =	sadd.s32 $0xFFFFE003, lr  }
0x1b: {  	s9 =	sadd.s32 $0xFFFFFEF7, lr;
	s5 =	simm.s32 $0xFFFFFFFF;
	p2 =	slt.u32 s8, $0xFFFFF086  }
0x1c: {  	p1 =	slt.u32 s9, $0xF7A;
	s5 =	simm.s32 @!p2 $0x0  }
0x1d: {  	s5 =	simm.s32 @p1 $0x1;
	p0 =	seq.s32 s7, s2  }
0x1e: {  	s7 =	smul.u32 @!p0 $0xF7A, s2;
	p2 =	seq.s32 @!p0 s5, $0x0  }
0x1f: {  	s9 =	smul.u32 $0xF7A, s1;
	s8 =	simm.s32 @!p0 $0x1BF5;
	p2 =	por !p2, p0  }
0x20: {  	[sflag:s8] =	ssyncset.s32 @!p0 $0xFFFFF086;
	s6 =	sadd.s32 @!p0 s3, s7;
	s7 =	simm.s32 @!p0 $0x108  }
0x21: {  	s3 =	sadd.s32 s3, s9;
	s6 =	sadd.s32 @!p0 $0x88, s6;
	s7 =	simm.s32 @p2 $0x1082  }
0x22: {  	[simem:s7], [sflag:s8] =	dma.local @!p0 [hbm:s6], $0xF7A  }
0x23: {  	s9 =	sor.u32 $0xD0000000, s2;
	s6 =	simm.s32 $0x108;
	_ =	swait.ge @!p0 [sflag:s8], $0x0  }
0x24: {  	s3 =	sadd.s32 $0x88, s3;
	s6 =	simm.s32 @!p1 $0x1082;
	[sflag:s4] =	ssyncset.s32 $0xFFFFF086  }
0x25: {  	[simem:s6], [sflag:s4] =	dma.local [hbm:s3], $0xF7A  }
0x26: {  	[smem:$0x3F99] =	sst s1;
	(tag) =	ssettag s2;
	_ =	strace s9  }
0x27: {  	s1 =	sld [smem:$0x3FA9]  }
0x28: {  	s2 =	sld [smem:$0x3FAA]  }
0x29: {  	s4 =	sld [smem:$0x3FAC]  }
0x2a: {  	p0 =	seq.s32 s5, $0x0;
	s5 =	sld [smem:$0x3FAD]  }
0x2b: {  	s6 =	sld [smem:$0x3FAE]  }
0x2c: {  	s7 =	sld [smem:$0x3FAF]  }
0x2d: {  	s3 =	simm.s32 $0x108;
	s8 =	sld [smem:$0x3FB0]  }
0x2e: {  	s3 =	simm.s32 @!p0 $0x1082;
	s9 =	sld [smem:$0x3FB1]  }
0x2f: {  	lr =	sadd.s32 s0, s3;
	s0 =	sld [smem:$0x3FA8]  }
0x30: {  	s3 =	sld [smem:$0x3FAB]  }
0x31: {  	[smem:$0x3FB4] =	sst s10  }
0x32: {  	s10 =	sld [smem:$0x3FB2];
	_ =	sdelay $0x3  }
0x33: {  	p0 =	seq.s32 s10, $0x1;
	s10 =	sld [smem:$0x3FB4];
	_ =	sdelay $0x3  }
0x34: {  	[smem:$0x3FB4] =	sst s10  }
0x35: {  	s10 =	sld [smem:$0x3FB3];
	_ =	sdelay $0x3  }
0x36: {  	p1 =	seq.s32 s10, $0x1;
	s10 =	sld [smem:$0x3FB4];
	_ =	sdelay $0x3  }
0x37: {  	[smem:$0x3FB4] =	sst s10  }
0x38: {  	s10 =	sld [smem:$0x3FB5]  }
0x39: {  	_ = 	snop;
	(pc) =	sbr.ind lr, $3  }
0x3a: {  	_ = 	snop  }
0x3b: {  	_ = 	snop  }
0x3c: {  	p2 =	seq.s32 s10, $0x1;
	s10 =	sld [smem:$0x3FB4]  }
0x3d: {  	_ =	shalt  }
0x3e: {  	_ =	shalt  }
0x3f: {  	_ =	shalt  }
0x40: {  	_ =	shalt  }
0x41: {  	_ =	shalt  }
0x42: {  	_ =	shalt  }
0x43: {  	_ =	shalt  }
0x44: {  	_ =	shalt  }
0x45: {  	_ =	shalt  }
0x46: {  	_ =	shalt  }
0x47: {  	_ =	shalt  }
0x48: {  	_ =	shalt  }
0x49: {  	_ =	shalt  }
0x4a: {  	_ =	shalt  }
0x4b: {  	_ =	shalt  }
0x4c: {  	_ =	shalt  }
0x4d: {  	_ =	shalt  }
0x4e: {  	_ =	shalt  }
0x4f: {  	_ =	shalt  }
0x50: {  	_ =	shalt  }
0x51: {  	_ =	shalt  }
0x52: {  	_ =	shalt  }
0x53: {  	_ =	shalt  }
0x54: {  	_ =	shalt  }
0x55: {  	_ =	shalt  }
0x56: {  	_ =	shalt  }
0x57: {  	_ =	shalt  }
0x58: {  	_ =	shalt  }
0x59: {  	_ =	shalt  }
0x5a: {  	_ =	shalt  }
0x5b: {  	_ =	shalt  }
0x5c: {  	_ =	shalt  }
0x5d: {  	_ =	shalt  }
0x5e: {  	_ =	shalt  }
0x5f: {  	_ =	shalt  }
0x60: {  	_ =	shalt  }
0x61: {  	_ =	shalt  }
0x62: {  	_ =	shalt  }
0x63: {  	_ =	shalt  }
0x64: {  	_ =	shalt  }
0x65: {  	_ =	shalt  }
0x66: {  	_ =	shalt  }
0x67: {  	_ =	shalt  }
0x68: {  	_ =	shalt  }
0x69: {  	_ =	shalt  }
0x6a: {  	_ =	shalt  }
0x6b: {  	_ =	shalt  }
0x6c: {  	_ =	shalt  }
0x6d: {  	_ =	shalt  }
0x6e: {  	_ =	shalt  }
0x6f: {  	_ =	shalt  }
0x70: {  	_ =	shalt  }
0x71: {  	_ =	shalt  }
0x72: {  	_ =	shalt  }
0x73: {  	_ =	shalt  }
0x74: {  	_ =	shalt  }
0x75: {  	_ =	shalt  }
0x76: {  	_ =	shalt  }
0x77: {  	_ =	shalt  }
0x78: {  	_ =	shalt  }
0x79: {  	_ =	shalt  }
0x7a: {  	_ =	shalt  }
0x7b: {  	_ =	shalt  }
0x7c: {  	_ =	shalt  }
0x7d: {  	_ =	shalt  }
0x7e: {  	_ =	shalt  }
0x7f: {  	_ =	shalt  }
0x80: {  	_ =	shalt  }
0x81: {  	_ =	shalt  }
0x82: {  	_ =	shalt  }
0x83: {  	_ =	shalt  }
0x84: {  	_ =	shalt  }
0x85: {  	_ =	shalt  }
0x86: {  	_ =	shalt  }
0x87: {  	_ =	shalt  }
.Lfunc_end0:
.L_simem_size_0:
called_computation_lowered:
.L_overlay_start_0:
0x88: {  	s2 =	sld [smem:$0x3FD9]  }
0x89: {  	s3 =	sld [smem:$0x3FFE];
	_ =	sdelay $0x1  }
0x8a: {  	s1 =	srdreg.scid  }
0x8b: {  	s0 =	sand.u32 $0x1, s1  }
0x8c: {  	s17 =	sshll.u32 s0, $0xA;
	s2 =	sadd.s32 s3, s2  }
0x8d: {  	s2 =	sadd.s32 s2, s17  }
0x8e: {  	[smem:$0x3FC0] =	sst s2  }
0x8f: {  	_ = 	snop  }
0x90: {  	(tm) =	ssettm $0x1  }
0x91: {  	s18 =	sld [smem:$0x3FFB];
	_ =	sdelay $0x3  }
0x92: {  	_ =	strace s18  }
0x93: {  	s2 =	sld [smem:$0x3FFC];
	_ =	sdelay $0x3  }
0x94: {  	_ =	strace s2  }
0x95: {  	s2 =	sld [smem:$0x3FFD];
	_ =	sdelay $0x3  }
0x96: {  	_ =	strace s2  }
0x97: {  	_ =	strace $0x8FFFFFFF  }
0x98: {  	s19 =	sld [smem:$0x3FDB];
	_ =	sdelay $0x1  }
0x99: {  	s20 =	simm.s32 $_scs_section_size  }
0x9a: {  	s4 =	simm.s32 $_size__tile_overlayer_lowered;
	s5 =	simm.s32 $_tile_overlayer_lowered  }
0x9b: {  	s6 =	simm.s32 $0x1BFF;
	s21 =	sshll.u32 s5, $0x1;
	s3 =	sadd.s32 s20, s19  }
0x9c: {  	s22 =	simm.s32 $0x0;
	s4 =	sshll.u32 s4, $0x1;
	s5 =	sadd.s32 s21, s3  }
0x9d: {  	[timem:s22], [sflag:s6] =	dma.local [hbm:s5], s4  }
0x9e: {  	_ =	swait.ge [sflag:s6], s4  }
0x9f: {  	s4 =	ssub.s32 $0x0, s4;
	[sflag:s6] =	ssyncset.done $0x0  }
0xa0: {  	[sflag:s6] =	ssyncadd.s32 s4;
	_ =	sdelay $0x1  }
0xa1: {  	s23 =	simm.s32 $0x1B8B  }
0xa2: {  	_ =	swait.ge [sflag:s23], $0x1  }
0xa3: {  	[sflag:s23] =	ssyncset.done $0x0  }
0xa4: {  	[sflag:s23] =	ssyncadd.s32 $0xFFFFFFFF  }
0xa5: {  	s4 =	sld [smem:$0x0]  }
0xa6: {  	s5 =	sand.u32 $0xFFFFFFFE, s1  }
0xa7: {  	p0 =	sne.s32 s1, s5  }
0xa8: {  	s5 =	sshll.u32 @p0 s5, $0xE  }
0xa9: {  	s5 =	sadd.s32 @p0 $0x11B8D, s5;
	s6 =	sshll.u32 @p0 s4, $0x11  }
0xaa: {  	s5 =	sor.u32 @p0 s6, s5  }
0xab: {  	[sflag:s5] =	ssyncadd.remote.s32 @p0 $0x1;
	_ =	sdelay $0x1  }
0xac: {  	s5 =	simm.s32 @p0 $0x1B8D  }
0xad: {  	_ =	swait.eq @p0 [sflag:s5], $0x1  }
0xae: {  	[sflag:s5] =	ssyncadd.s32 @p0 $0xFFFFFFFF  }
0xaf: {  	s6 =	sshll.u32 @!p0 s1, $0xE  }
0xb0: {  	s6 =	sor.u32 @!p0 $0x4000, s6;
	s5 =	simm.s32 @!p0 $0x1B8D  }
0xb1: {  	s4 =	sshll.u32 @!p0 s4, $0x11;
	s6 =	sadd.s32 @!p0 $0x11B8D, s6;
	_ =	swait.eq @!p0 [sflag:s5], $0x1  }
0xb2: {  	s4 =	sor.u32 @!p0 s4, s6;
	[sflag:s5] =	ssyncadd.s32 @!p0 $0xFFFFFFFF  }
0xb3: {  	s25 =	simm.s32 $0x1B8E;
	s24 =	sld [smem:$0x3FFE];
	[sflag:s4] =	ssyncadd.remote.s32 @!p0 $0x1  }
0xb4: {  	s26 =	simm.s32 $execute0_lowered;
	[smem:$0x3FD2] =	sst s25  }
0xb5: {  	s5 =	sshll.u32 s26, $0x1;
	_ =	strace $0x80000049;
	[dreg:$0x1] =	wrdreg $0xFFFFFFFF  }
0xb6: {  	s28 =	simm.s32 $_size_execute0_lowered;
	s3 =	sadd.s32 s3, s5;
	[dreg:$0x0] =	wrdreg $0x0  }
0xb7: {  	s5 =	sshll.u32 s28, $0x1;
	[dreg:$0x2] =	wrdreg s3  }
0xb8: {  	[dreg:$0x3] =	wrdreg s5  }
0xb9: {  	[dreg:$0x4] =	wrdreg $0xC0  }
0xba: {  	_ =	task [dreg:s22], $0x5FFFF  }
0xbb: {  	[dreg:$0x1] =	wrdreg $0xFFFFFFFF  }
0xbc: {  	[dreg:$0x0] =	wrdreg $0x60  }
0xbd: {  	[dreg:$0x2] =	wrdreg s24  }
0xbe: {  	[dreg:$0x3] =	wrdreg $0x68000  }
0xbf: {  	[dreg:$0x4] =	wrdreg $0x9  }
0xc0: {  	_ =	task.clear_ibuf [dreg:s22], $0x5FFFF;
	_ =	strace $0x90000049  }
0xc1: {  	s29 =	simm.s32 $0x9;
	_ =	strace $0x8000004B  }
0xc2: {  	_ =	swait.ge [sflag:s29], $0x1  }
0xc3: {  	[sflag:s29] =	ssyncadd.s32 $0xFFFFFFFF  }
0xc4: {  	_ =	strace $0x9000004B  }
0xc5: {  	_ =	sfence  }
0xc6: {  	s30 =	sld [smem:$0x0];
	_ =	sdelay $0x2  }
0xc7: {  	s31 =	sshll.u32 s1, $0xD;
	s1 =	sshrl.u32 s1, $0x2  }
0xc8: {  	s4 =	sand.u32 $0x4000, s31;
	s1 =	sadd.s32 s1, s30  }
0xc9: {  	s0 =	sor.u32 s4, s0;
	s1 =	sshll.u32 s1, $0x11  }
0xca: {  	s0 =	sor.u32 s1, s0  }
0xcb: {  	s0 =	sadd.s32 $0x8F2B, s0  }
0xcc: {  	[sflag:s0] =	ssyncadd.remote.s32 $0x1  }
0xcd: {  	_ =	sfence.sel $0xFFFF  }
0xce: {  	[dreg:$0x0] =	wrdreg $0xFFFFFFFF;
	(pc) =	sbr.abs _section_cstart, $3  }
0xcf: {  	[dreg:$0x1] =	wrdreg $0xFFFFFFFF  }
0xd0: {  	_ =	task.clear_ibuf [dreg:s22], $0x2FFFF;
	_ =	strace $0x9FFFFFFF  }
0xd1: {  	(tm) =	ssettm $0x7FFFFFFF  }
tec
execute0_lowered:
.L_overlay_start_1:
0x0: {  	(tag) =	ssettag $0x1  }
0x1: {  	s1 =	srdreg.scid  }
0x2: {  	s0 =	stileid.u32;
	s4 =	rddreg [dreg:$0x0]  }
0x3: {  	s2 =	rddreg [dreg:$0x1];
	s3 =	simm.s32 $0x0;
	s18 =	simm.s32 $0x80  }
0x4: {  	s19 =	simm.s32 $0x0;
	s5 =	sand.u32 $0x1, s1;
	s1 =	rddreg [dreg:$0x2]  }
0x5: {  	s29 =	sshll.u32 s0, $0x1;
	[smem:$0x7FF] =	sst s3;
	s7 =	smul.u32 $0x50000, s0  }
0x6: {  	s10 =	smul.u32 $0x14000, s0;
	s14 =	sadd.s32 $0x6FC00, s4;
	s6 =	sor.u32 s5, s29  }
0x7: {  	_ =	strace $0x8000004A;
	s30 =	ssub.s32 $0x2, s5;
	s13 =	smul.u32 $0x140000, s5  }
0x8: {  	s6 =	smul.u32 $0x500, s6;
	s8 =	sshrl.u32 s30, $0x1;
	s7 =	sshrl.u32 s7, $0x2  }
0x9: {  	s11 =	sadd.s32 $0x4000, s10;
	s12 =	sadd.s32 $0x8000, s10;
	s16 =	sadd.s32 $0xC000, s10  }
0xa: {  	s17 =	sadd.s32 $0x10000, s10;
	s15 =	ssub.s32 s30, s8;
	s5 =	sadd.s32 s11, s2  }
0xb: {  	s10 =	sadd.s32 s10, s13;
	s8 =	sadd.s32 s17, s2;
	s11 =	sadd.s32 s13, s11  }
0xc: {  	s17 =	sadd.s32 s13, s17;
	s9 =	sadd.s32 s6, s4;
	s4 =	sadd.s32 s7, s2  }
0xd: {  	s6 =	sadd.s32 s12, s2;
	s7 =	sadd.s32 s16, s2;
	s10 =	sshrl.u32 s10, $0x3  }
0xe: {  	s11 =	sshrl.u32 s11, $0x3;
	s12 =	sadd.s32 s13, s12;
	s16 =	sadd.s32 s13, s16  }
0xf: {  	s31 =	sshrl.u32 s17, $0x3;
	s15 =	smax.u32 s15, $0x1;
	s17 =	simm.s32 $0x1  }
0x10: {  	s9 =	sadd.s32 $0x10C00, s9;
	s10 =	sadd.s32 s14, s10;
	s12 =	sshrl.u32 s12, $0x3  }
0x11: {  	s11 =	sadd.s32 s14, s11;
	s16 =	sshrl.u32 s16, $0x3;
	s12 =	sadd.s32 s14, s12  }
0x12: {  	v0 =	vimm.f32 $0.0e+00;
	v1 =	vimm.f32 $1.000000000e+00;
	s13 =	sadd.s32 s14, s16;
	s14 =	sadd.s32 s14, s31;
	s16 =	simm.s32 $0x2800  }
.LBB2_1:
0x13: {  	s20 =	simm.s32 $0x0;
	s21 =	simm.s32 $0x200  }
.LBB2_2:
0x14: {  	p0 =	sne.s32 s21, $0xFE00;
	[tilespmem:s20+$0x2870] =	vst v0  }
0x15: {  	[tilespmem:s20+$0x2800] =	vst v0  }
0x16: {  	[tilespmem:s20+$0x2810] =	vst v0  }
.Ltmp0:
0x17: {  	[tilespmem:s20+$0x2820] =	vst v0;
	(pc) =	sbr.rel @p0 .LBB2_2-.Ltmp0, $4  }
0x18: {  	[tilespmem:s20+$0x2830] =	vst v0  }
0x19: {  	[tilespmem:s20+$0x2840] =	vst v0  }
0x1a: {  	[tilespmem:s20+$0x2850] =	vst v0  }
0x1b: {  	[tilespmem:s20+$0x2860] =	vst v0;
	s20 =	sshra.s32 s21, $0x2;
	s21 =	sadd.s32 $0x200, s21  }
0x1c: {  	[tilespmem:s20+$0x2870] =	vst v0  }
0x1d: {  	[tilespmem:s20+$0x2800] =	vst v0  }
0x1e: {  	[tilespmem:s20+$0x2810] =	vst v0  }
0x1f: {  	[tilespmem:s20+$0x2820] =	vst v0  }
0x20: {  	[tilespmem:s20+$0x2830] =	vst v0  }
0x21: {  	[tilespmem:s20+$0x2840] =	vst v0  }
0x22: {  	[tilespmem:s20+$0x2850] =	vst v0  }
0x23: {  	[tilespmem:s20+$0x2860] =	vst v0  }
0x24: {  	[spmem:s4] =	stream.linear.scatter [tilespmem:s16], [sflag:$0x1], $0x4000, $0x38;
	[tilespmem:$0x1A800] =	vst v63  }
0x25: {  	_ =	swait.ge [sflag:s17], $0x4000  }
0x26: {  	[sflag:s17] =	ssyncset.done $0x0  }
0x27: {  	[sflag:s17] =	ssyncadd.s32 $0xFFFFC000  }
0x28: {  	[spmem:s5] =	stream.linear.scatter [tilespmem:s16], [sflag:$0x1], $0x4000, $0x38;
	[tilespmem:$0x1A800] =	vst v63  }
0x29: {  	_ =	swait.ge [sflag:s17], $0x4000  }
0x2a: {  	[sflag:s17] =	ssyncset.done $0x0  }
0x2b: {  	[sflag:s17] =	ssyncadd.s32 $0xFFFFC000  }
0x2c: {  	[spmem:s6] =	stream.linear.scatter [tilespmem:s16], [sflag:$0x1], $0x4000, $0x38;
	[tilespmem:$0x1A800] =	vst v63  }
0x2d: {  	_ =	swait.ge [sflag:s17], $0x4000  }
0x2e: {  	[sflag:s17] =	ssyncset.done $0x0  }
0x2f: {  	[sflag:s17] =	ssyncadd.s32 $0xFFFFC000  }
0x30: {  	[spmem:s7] =	stream.linear.scatter [tilespmem:s16], [sflag:$0x1], $0x4000, $0x38;
	[tilespmem:$0x1A800] =	vst v63  }
0x31: {  	_ =	swait.ge [sflag:s17], $0x4000  }
0x32: {  	[sflag:s17] =	ssyncset.done $0x0  }
0x33: {  	[sflag:s17] =	ssyncadd.s32 $0xFFFFC000  }
0x34: {  	[spmem:s8] =	stream.linear.scatter [tilespmem:s16], [sflag:$0x1], $0x4000, $0x38;
	[tilespmem:$0x1A800] =	vst v63  }
0x35: {  	_ =	swait.ge [sflag:s17], $0x4000  }
0x36: {  	[sflag:s17] =	ssyncset.done $0x0  }
0x37: {  	s20 =	simm.s32 $0x0;
	s21 =	simm.s32 $0x200;
	[sflag:s17] =	ssyncadd.s32 $0xFFFFC000  }
.LBB2_4:
0x38: {  	p0 =	sne.s32 s21, $0xFE00;
	[tilespmem:s20+$0x2870] =	vst v1  }
0x39: {  	[tilespmem:s20+$0x2800] =	vst v1  }
0x3a: {  	[tilespmem:s20+$0x2810] =	vst v1  }
.Ltmp1:
0x3b: {  	[tilespmem:s20+$0x2820] =	vst v1;
	(pc) =	sbr.rel @p0 .LBB2_4-.Ltmp1, $4  }
0x3c: {  	[tilespmem:s20+$0x2830] =	vst v1  }
0x3d: {  	[tilespmem:s20+$0x2840] =	vst v1  }
0x3e: {  	[tilespmem:s20+$0x2850] =	vst v1  }
0x3f: {  	[tilespmem:s20+$0x2860] =	vst v1;
	s20 =	sshra.s32 s21, $0x2;
	s21 =	sadd.s32 $0x200, s21  }
0x40: {  	[tilespmem:s20+$0x2870] =	vst v1  }
0x41: {  	[tilespmem:s20+$0x2800] =	vst v1  }
0x42: {  	[tilespmem:s20+$0x2810] =	vst v1  }
0x43: {  	[tilespmem:s20+$0x2820] =	vst v1  }
0x44: {  	[tilespmem:s20+$0x2830] =	vst v1  }
0x45: {  	[tilespmem:s20+$0x2840] =	vst v1  }
0x46: {  	[tilespmem:s20+$0x2850] =	vst v1  }
0x47: {  	[tilespmem:s20+$0x2860] =	vst v1  }
0x48: {  	s30 =	simm.s32 $0x0;
	[bflag:$0x0] =	sbarrier.arrive $0xFFFF  }
0x49: {  	[tilespmem:s30], [sflag:$0x1] =	stream.linear.gather [hbm4b:s9+s30], $0x2780, $0x38;
	[tilespmem:$0x1A800] =	vst v63  }
0x4a: {  	_ =	swait.ge [sflag:s17], $0x2780  }
0x4b: {  	[sflag:s17] =	ssyncset.done $0x0  }
0x4c: {  	s31 =	simm.s32 $0x0;
	[sflag:s17] =	ssyncadd.s32 $0xFFFFD880  }
0x4d: {  	[spmem:s2] =	stream.indirect.scatter.add.f32 [tilespmem:s16], [sflag:$0x1], $0x80, s31, s18, $0xb8;
	[tilespmem:$0x1A800] =	vst v63  }
0x4e: {  	_ =	swait.ge [sflag:s17], $0x4000  }
0x4f: {  	s20 =	simm.s32 $0x200;
	[sflag:s17] =	ssyncset.done $0x0  }
.LBB2_6:
0x50: {  	s21 =	sshra.s32 s20, $0x2;
	[sflag:s17] =	ssyncadd.s32 $0xFFFFC000;
	p0 =	sne.s32 s20, $0x9C00  }
0x51: {  	[spmem:s2] =	stream.indirect.scatter.add.f32 [tilespmem:s16], [sflag:$0x1], $0x80, s21, s18, $0xb8;
	[tilespmem:$0x1A800] =	vst v63  }
.Ltmp2:
0x52: {  	_ = 	snop;
	(pc) =	sbr.rel @p0 .LBB2_6-.Ltmp2, $4  }
0x53: {  	_ = 	snop  }
0x54: {  	s20 =	sadd.s32 $0x200, s20  }
0x55: {  	_ =	swait.ge [sflag:s17], $0x4000  }
0x56: {  	[sflag:s17] =	ssyncset.done $0x0  }
0x57: {  	[sflag:s17] =	ssyncadd.s32 $0xFFFFC000  }
0x58: {  	[bflag:$0x0] =	sbarrier.arrive $0xFFFF  }
0x59: {  	[tilespmem:s16], [sflag:$0x1] =	stream.linear.gather [spmem:s4], $0x4000, $0x38;
	[tilespmem:$0x1A800] =	vst v63  }
0x5a: {  	_ =	swait.ge [sflag:s17], $0x4000  }
0x5b: {  	[sflag:s17] =	ssyncset.done $0x0  }
0x5c: {  	[sflag:s17] =	ssyncadd.s32 $0xFFFFC000  }
0x5d: {  	[hbm4b:s10+s3] =	stream.linear.scatter [tilespmem:s16], [sflag:$0x1], $0x4000, $0x38;
	[tilespmem:$0x1A800] =	vst v63  }
0x5e: {  	_ =	swait.ge [sflag:s17], $0x4000  }
0x5f: {  	[sflag:s17] =	ssyncset.done $0x0  }
0x60: {  	[sflag:s17] =	ssyncadd.s32 $0xFFFFC000  }
0x61: {  	[tilespmem:s16], [sflag:$0x1] =	stream.linear.gather [spmem:s5], $0x4000, $0x38;
	[tilespmem:$0x1A800] =	vst v63  }
0x62: {  	_ =	swait.ge [sflag:s17], $0x4000  }
0x63: {  	[sflag:s17] =	ssyncset.done $0x0  }
0x64: {  	[sflag:s17] =	ssyncadd.s32 $0xFFFFC000  }
0x65: {  	[hbm4b:s11+s3] =	stream.linear.scatter [tilespmem:s16], [sflag:$0x1], $0x4000, $0x38;
	[tilespmem:$0x1A800] =	vst v63  }
0x66: {  	_ =	swait.ge [sflag:s17], $0x4000  }
0x67: {  	[sflag:s17] =	ssyncset.done $0x0  }
0x68: {  	[sflag:s17] =	ssyncadd.s32 $0xFFFFC000  }
0x69: {  	[tilespmem:s16], [sflag:$0x1] =	stream.linear.gather [spmem:s6], $0x4000, $0x38;
	[tilespmem:$0x1A800] =	vst v63  }
0x6a: {  	_ =	swait.ge [sflag:s17], $0x4000  }
0x6b: {  	[sflag:s17] =	ssyncset.done $0x0  }
0x6c: {  	[sflag:s17] =	ssyncadd.s32 $0xFFFFC000  }
0x6d: {  	[hbm4b:s12+s3] =	stream.linear.scatter [tilespmem:s16], [sflag:$0x1], $0x4000, $0x38;
	[tilespmem:$0x1A800] =	vst v63  }
0x6e: {  	_ =	swait.ge [sflag:s17], $0x4000  }
0x6f: {  	[sflag:s17] =	ssyncset.done $0x0  }
0x70: {  	[sflag:s17] =	ssyncadd.s32 $0xFFFFC000  }
0x71: {  	[tilespmem:s16], [sflag:$0x1] =	stream.linear.gather [spmem:s7], $0x4000, $0x38;
	[tilespmem:$0x1A800] =	vst v63  }
0x72: {  	_ =	swait.ge [sflag:s17], $0x4000  }
0x73: {  	[sflag:s17] =	ssyncset.done $0x0  }
0x74: {  	[sflag:s17] =	ssyncadd.s32 $0xFFFFC000  }
0x75: {  	[hbm4b:s13+s3] =	stream.linear.scatter [tilespmem:s16], [sflag:$0x1], $0x4000, $0x38;
	[tilespmem:$0x1A800] =	vst v63  }
0x76: {  	_ =	swait.ge [sflag:s17], $0x4000  }
0x77: {  	[sflag:s17] =	ssyncset.done $0x0  }
0x78: {  	[sflag:s17] =	ssyncadd.s32 $0xFFFFC000  }
0x79: {  	[tilespmem:s16], [sflag:$0x1] =	stream.linear.gather [spmem:s8], $0x4000, $0x38;
	[tilespmem:$0x1A800] =	vst v63  }
0x7a: {  	s19 =	sadd.s32 $0x1, s19;
	_ =	swait.ge [sflag:s17], $0x4000  }
0x7b: {  	p0 =	sne.s32 s19, s15;
	[sflag:s17] =	ssyncset.done $0x0  }
.Ltmp3:
0x7c: {  	[sflag:s17] =	ssyncadd.s32 $0xFFFFC000;
	(pc) =	sbr.rel @p0 .LBB2_1-.Ltmp3, $4  }
0x7d: {  	[hbm4b:s14+s3] =	stream.linear.scatter [tilespmem:s16], [sflag:$0x1], $0x4000, $0x38;
	[tilespmem:$0x1A800] =	vst v63  }
0x7e: {  	_ =	swait.ge [sflag:s17], $0x4000  }
0x7f: {  	[sflag:s17] =	ssyncset.done $0x0  }
0x80: {  	[sflag:s17] =	ssyncadd.s32 $0xFFFFC000  }
0x81: {  	_ =	sfence.sel $0x180000  }
0x82: {  	[bflag:$0x0] =	sbarrier.arrive $0xFFFF  }
0x83: {  	p0 =	sne.s32 s0, $0x0;
	_ =	strace $0x9000004A  }
0x84: {  	s0 =	sadd.s32 @!p0 $0x100000, s1;
	[bflag:$0x2] =	sbarrier.arrive $0xFFFF  }
0x85: {  	[sflag:s0] =	ssyncadd.tile.s32 @!p0 $0x1;
	_ =	shalt  }
.Lfunc_end2:
_tile_overlayer_lowered:
.L_overlay_start_2:
0x86: {  	(tag) =	ssettag $0x2  }
0x87: {  	s0 =	rddreg [dreg:$0x0];
	s2 =	stileid.u32  }
0x88: {  	s1 =	rddreg [dreg:$0x1];
	p0 =	sne.s32 s2, $0x0  }
0x89: {  	s3 =	rddreg [dreg:$0x2];
	[bflag:$0x3] =	sbarrier.arrive $0xFFFF;
	s2 =	simm.s32 @!p0 $0x1C01  }
0x8a: {  	[timem:s3], [sflag:s2] =	dma.local @!p0 [hbm:s0], s1  }
0x8b: {  	s0 =	simm.s32 @!p0 $0x1  }
0x8c: {  	_ =	swait.ge @!p0 [sflag:s0], s1  }
0x8d: {  	s1 =	ssub.s32 @!p0 $0x0, s1;
	[sflag:s0] =	ssyncset.done @!p0 $0x0  }
0x8e: {  	[sflag:s0] =	ssyncadd.s32 @!p0 s1  }
0x8f: {  	[bflag:$0x3] =	sbarrier.arrive $0xFFFF  }
0x90: {  	_ =	shalt  }

</sc_bundles>
